<compile_context>
chip_gen: v7x
topology: tpu7x:2x2x1
jax: 0.10.2.dev20260603
libtpu: 0.0.44.dev20260713+nightly
codegen_flags: <defaults>
</compile_context>

<pallas_src>
import functools

import jax
import jax.numpy as jnp
from jax import lax
from jax.experimental import pallas as pl
from jax.experimental.pallas import tpu as pltpu
from jax.experimental.pallas import tpu_sc as plsc

N_NODES = 10000
N_EDGES = 320000
D = 128
DEG_W = 128
EPS = 1e-5

NC = 2
NS = 16
NW = NC * NS
CHUNK = 128
N_CHUNKS = N_EDGES // CHUNK
BASE_CHUNKS = N_CHUNKS // NW
EXTRA = N_CHUNKS - BASE_CHUNKS * NW
EPW = N_EDGES // NW
FULL = EPW // CHUNK
TAIL = EPW - FULL * CHUNK
R_MAIN = 624
R_TAIL_BASE = NS * R_MAIN
R_TAIL = N_NODES - R_TAIL_BASE


def _worker_ids():
    c = lax.axis_index("c")
    s = lax.axis_index("s")
    return c, s, s * NC + c


def _zero_shared(shared, stage, r0):
    for k in range(4):
        pltpu.sync_copy(stage, shared.at[pl.ds(r0 + k * CHUNK, CHUNK)])
    pltpu.sync_copy(stage.at[pl.ds(0, R_MAIN - 4 * CHUNK)],
                    shared.at[pl.ds(r0 + 4 * CHUNK, R_MAIN - 4 * CHUNK)])


def _flush_shared(shared, stage, out_hbm, c, r0):
    def one(base, n):
        pltpu.sync_copy(shared.at[pl.ds(base, n)], stage.at[pl.ds(0, n)])
        pltpu.sync_copy(stage.at[pl.ds(0, n)], out_hbm.at[c, pl.ds(base, n)])

    for k in range(4):
        one(r0 + k * CHUNK, CHUNK)
    one(r0 + 4 * CHUNK, R_MAIN - 4 * CHUNK)
    return one


def _sc_segment_sum(x, src, dst, z128):
    mesh = plsc.VectorSubcoreMesh(core_axis_name="c", subcore_axis_name="s")

    @functools.partial(
        pl.kernel,
        out_type=jax.ShapeDtypeStruct((NC, N_NODES, D), jnp.float32),
        mesh=mesh,
        scratch_types=[
            pltpu.VMEM((CHUNK,), jnp.int32),
            pltpu.VMEM((CHUNK,), jnp.int32),
            pltpu.VMEM((CHUNK,), jnp.int32),
            pltpu.VMEM((CHUNK,), jnp.int32),
            pltpu.VMEM((CHUNK, D), jnp.float32),
            pltpu.VMEM((CHUNK, D), jnp.float32),
            pltpu.VMEM((TAIL,), jnp.int32),
            pltpu.VMEM((TAIL,), jnp.int32),
            pltpu.VMEM_SHARED((N_NODES, D), jnp.float32),
            pltpu.SemaphoreType.DMA,
            pltpu.SemaphoreType.DMA,
            pltpu.SemaphoreType.DMA,
            pltpu.SemaphoreType.DMA,
        ],
    )
    def seg_sum(x_hbm, src_hbm, dst_hbm, z128_hbm, acc_out,
                sv0, sv1, dv0, dv1, rw0, rw1, srct, dstt, accs,
                is0, is1, gs0, gs1):
        srcs, dsts, rowss = (sv0, sv1), (dv0, dv1), (rw0, rw1)
        isems, gsems = (is0, is1), (gs0, gs1)
        c, s, w = _worker_ids()
        r0 = s * R_MAIN
        e0 = w * EPW
        pltpu.sync_copy(z128_hbm, rw0)
        _zero_shared(accs, rw0, r0)

        @pl.when(s == 0)
        def _():
            pltpu.sync_copy(rw0.at[pl.ds(0, R_TAIL)],
                            accs.at[pl.ds(R_TAIL_BASE, R_TAIL)])

        plsc.subcore_barrier()

        def idx_start(j, b):
            pltpu.async_copy(src_hbm.at[pl.ds(e0 + j * CHUNK, CHUNK)],
                             srcs[b], isems[b])
            pltpu.async_copy(dst_hbm.at[pl.ds(e0 + j * CHUNK, CHUNK)],
                             dsts[b], isems[b])

        def idx_wait(b):
            pltpu.make_async_copy(src_hbm.at[pl.ds(0, CHUNK)], srcs[b],
                                  isems[b]).wait()
            pltpu.make_async_copy(dst_hbm.at[pl.ds(0, CHUNK)], dsts[b],
                                  isems[b]).wait()

        def gather_start(b):
            pltpu.async_copy(x_hbm.at[srcs[b]], rowss[b], gsems[b])

        def gather_wait(b):
            pltpu.make_async_copy(x_hbm.at[srcs[b]], rowss[b],
                                  gsems[b]).wait()

        def scatter(b):
            pltpu.sync_copy(rowss[b], accs.at[dsts[b]], add=True)

        def turn(j, b, start_next, prefetch_j):
            if start_next:
                idx_wait(1 - b)
                gather_start(1 - b)
            gather_wait(b)
            scatter(b)
            if prefetch_j is not None:
                idx_start(prefetch_j, b)

        idx_start(0, 0)
        idx_start(1, 1)
        idx_wait(0)
        gather_start(0)

        def loop_body(i, carry):
            j0 = i * 2
            turn(j0, 0, True, j0 + 2)
            turn(j0 + 1, 1, True, j0 + 3)
            return carry

        lax.fori_loop(0, FULL // 2 - 1, loop_body, 0)
        turn(FULL - 2, 0, True, None)
        turn(FULL - 1, 1, False, None)
        pltpu.sync_copy(src_hbm.at[pl.ds(e0 + FULL * CHUNK, TAIL)], srct)
        pltpu.sync_copy(dst_hbm.at[pl.ds(e0 + FULL * CHUNK, TAIL)], dstt)
        pltpu.async_copy(x_hbm.at[srct], rw0.at[pl.ds(0, TAIL)], gs0).wait()
        pltpu.sync_copy(rw0.at[pl.ds(0, TAIL)], accs.at[dstt], add=True)

        plsc.subcore_barrier()
        one = _flush_shared(accs, rw0, acc_out, c, r0)

        @pl.when(s == 0)
        def _():
            one(R_TAIL_BASE, R_TAIL)

    return seg_sum(x, src, dst, z128)


def _sc_degree(dst, z16, ones16):
    mesh = plsc.VectorSubcoreMesh(core_axis_name="c", subcore_axis_name="s")

    @functools.partial(
        pl.kernel,
        out_type=jax.ShapeDtypeStruct((NC, N_NODES, DEG_W), jnp.float32),
        mesh=mesh,
        scratch_types=[
            pltpu.VMEM((CHUNK,), jnp.int32),
            pltpu.VMEM((CHUNK,), jnp.int32),
            pltpu.VMEM((CHUNK,), jnp.int32),
            pltpu.VMEM((TAIL,), jnp.int32),
            pltpu.VMEM((CHUNK, DEG_W), jnp.float32),
            pltpu.VMEM((CHUNK, DEG_W), jnp.float32),
            pltpu.VMEM_SHARED((N_NODES, DEG_W), jnp.float32),
            pltpu.SemaphoreType.DMA,
            pltpu.SemaphoreType.DMA,
            pltpu.SemaphoreType.DMA,
            pltpu.SemaphoreType.DMA,
            pltpu.SemaphoreType.DMA,
            pltpu.SemaphoreType.DMA,
        ],
    )
    def deg_sum(dst_hbm, z16_hbm, ones_hbm, deg_out,
                dv0, dv1, dv2, dstt, zb16, onesv, degs,
                is0, is1, is2, ss0, ss1, ss2):
        dsts = (dv0, dv1, dv2)
        isems, ssems = (is0, is1, is2), (ss0, ss1, ss2)
        c, s, w = _worker_ids()
        r0 = s * R_MAIN
        e0 = w * EPW
        pltpu.sync_copy(z16_hbm, zb16)
        pltpu.sync_copy(ones_hbm, onesv)
        _zero_shared(degs, zb16, r0)

        @pl.when(s == 0)
        def _():
            pltpu.sync_copy(zb16.at[pl.ds(0, R_TAIL)],
                            degs.at[pl.ds(R_TAIL_BASE, R_TAIL)])

        plsc.subcore_barrier()

        def idx_start(j, b):
            pltpu.async_copy(dst_hbm.at[pl.ds(e0 + j * CHUNK, CHUNK)],
                             dsts[b], isems[b])

        def idx_wait(b):
            pltpu.make_async_copy(dst_hbm.at[pl.ds(0, CHUNK)], dsts[b],
                                  isems[b]).wait()

        def scatter_start(b):
            pltpu.async_copy(onesv, degs.at[dsts[b]], ssems[b], add=True)

        def scatter_wait(b):
            pltpu.make_async_copy(onesv, degs.at[dsts[b]], ssems[b]).wait()

        def turn(j, b, prefetch_j):
            idx_wait(b)
            scatter_start(b)
            bp = (b + 1) % 3
            if prefetch_j is not None:
                scatter_wait(bp)
                idx_start(prefetch_j, bp)

        idx_start(0, 0)
        idx_start(1, 1)
        idx_start(2, 2)
        turn(0, 0, None)
        turn(1, 1, None)

        def loop_body(i, carry):
            j0 = i * 3
            turn(j0 + 2, 2, j0 + 3)
            turn(j0 + 3, 0, j0 + 4)
            turn(j0 + 4, 1, j0 + 5)
            return carry

        lax.fori_loop(0, (FULL - 2) // 3, loop_body, 0)
        turn(FULL - 1, 2, None)
        scatter_wait(0)
        scatter_wait(1)
        scatter_wait(2)
        pltpu.sync_copy(dst_hbm.at[pl.ds(e0 + FULL * CHUNK, TAIL)], dstt)
        pltpu.sync_copy(onesv.at[pl.ds(0, TAIL)], degs.at[dstt], add=True)
        plsc.subcore_barrier()
        one = _flush_shared(degs, zb16, deg_out, c, r0)

        @pl.when(s == 0)
        def _():
            one(R_TAIL_BASE, R_TAIL)

    return deg_sum(dst, z16, ones16)


def _tc_body(p_ref, d_ref, w_ref, b_ref, g_ref, be_ref, o_ref):
    agg = p_ref[0] + p_ref[1]
    deg = d_ref[0] + d_ref[1]
    lin = lax.dot_general(
        agg, w_ref[...], (((1,), (1,)), ((), ())),
        precision=lax.Precision.HIGHEST,
        preferred_element_type=jnp.float32,
    )
    lin = lin + deg * b_ref[...]
    mean = jnp.mean(lin, axis=1, keepdims=True)
    cent = lin - mean
    var = jnp.mean(cent * cent, axis=1, keepdims=True)
    normed = cent * lax.rsqrt(var + EPS)
    o_ref[...] = normed * g_ref[...] + be_ref[...]


def _tc_finish(partials, degp, W, b, gamma, beta):
    B = 1000
    grid = N_NODES // B
    return pl.pallas_call(
        _tc_body,
        grid=(grid,),
        in_specs=[
            pl.BlockSpec((NC, B, D), lambda i: (0, i, 0)),
            pl.BlockSpec((NC, B, 1), lambda i: (0, i, 0)),
            pl.BlockSpec((D, D), lambda i: (0, 0)),
            pl.BlockSpec((1, D), lambda i: (0, 0)),
            pl.BlockSpec((1, D), lambda i: (0, 0)),
            pl.BlockSpec((1, D), lambda i: (0, 0)),
        ],
        out_specs=pl.BlockSpec((B, D), lambda i: (i, 0)),
        out_shape=jax.ShapeDtypeStruct((N_NODES, D), jnp.float32),
    )(partials, degp, W, b, gamma, beta)


def kernel(x, edge_index, W, b, gamma, beta):
    src = edge_index[0]
    dst = edge_index[1]
    z128 = jnp.zeros((CHUNK, D), jnp.float32)
    z16 = jnp.zeros((CHUNK, DEG_W), jnp.float32)
    ones16 = jnp.ones((CHUNK, DEG_W), jnp.float32)
    partials = _sc_segment_sum(x, src, dst, z128)
    degp = _sc_degree(dst, z16, ones16)[:, :, :1]
    return _tc_finish(partials, degp, W,
                      b.reshape(1, D), gamma.reshape(1, D), beta.reshape(1, D))

# --- scband reference (transcript-rebuilt; emitter-appended) ---
"""Pipeline reference for scband-pnalayer-28973849378879 (READ-ONLY COPY).

The authoritative reference and input builder live on the scoring server;
editing this copy changes nothing except your own understanding.
"""

import jax, jax.numpy as jnp
import numpy as np

N_NODES = 10000
N_EDGES = 320000
D_IN = 128
D_OUT = 128
EPS = 1e-5


def setup_inputs(seed: int = 0) -> dict:
    key = jax.random.key(seed)
    k1, k2, k3, k4, k5, k6 = jax.random.split(key, 6)
    x = jax.random.normal(k1, (N_NODES, D_IN), dtype=jnp.float32)
    edge_index = jax.random.randint(k2, (2, N_EDGES), 0, N_NODES, dtype=jnp.int32)
    # Linear(message_transform) params, torch-style kaiming-uniform-ish init
    bound = 1.0 / np.sqrt(D_IN)
    W = jax.random.uniform(k3, (D_OUT, D_IN), dtype=jnp.float32, minval=-bound, maxval=bound)
    b = jax.random.uniform(k4, (D_OUT,), dtype=jnp.float32, minval=-bound, maxval=bound)
    # LayerNorm params
    gamma = jnp.ones((D_OUT,), dtype=jnp.float32)
    beta = jnp.zeros((D_OUT,), dtype=jnp.float32)
    return {"x": x, "edge_index": edge_index, "W": W, "b": b, "gamma": gamma, "beta": beta}


def reference(x, edge_index, W, b, gamma, beta):
    # message_transform: Linear(input_dim, output_dim)
    out = x @ W.T + b
    src = edge_index[0]
    dst = edge_index[1]
    # gather messages from source nodes (out.size(0) == num_nodes != num_edges)
    msg = jnp.take(out, src, axis=0)
    # scatter-add aggregation into destination nodes (index_add_)
    aggregated = jnp.zeros((N_NODES, D_OUT), dtype=out.dtype).at[dst].add(msg)
    # LayerNorm over last dim (biased variance, eps=1e-5)
    mean = jnp.mean(aggregated, axis=-1, keepdims=True)
    var = jnp.var(aggregated, axis=-1, keepdims=True)
    normed = (aggregated - mean) / jnp.sqrt(var + EPS)
    return normed * gamma + beta

if __name__ == "__main__":
    import jax
    _d = setup_inputs()
    print(jax.jit(kernel)(*tuple(_d.values())))

</pallas_src>

<mosaic_0001>
#map = affine_map<(d0, d1) -> (0)>
#map1 = affine_map<(d0, d1) -> (0, 0)>
#map2 = affine_map<(d0, d1) -> (0, 0, 0)>
module attributes {stable_mosaic.version = 14 : i64} {
  func.func @deg_sum(%arg0: i32, %arg1: i32, %arg2: memref<320000xi32, #tpu.memory_space<hbm>>, %arg3: memref<128x128xf32, #tpu.memory_space<hbm>>, %arg4: memref<128x128xf32, #tpu.memory_space<hbm>>, %arg5: memref<2x10000x128xf32, #tpu.memory_space<hbm>>, %arg6: memref<128xi32, #tpu.memory_space<vmem>>, %arg7: memref<128xi32, #tpu.memory_space<vmem>>, %arg8: memref<128xi32, #tpu.memory_space<vmem>>, %arg9: memref<16xi32, #tpu.memory_space<vmem>>, %arg10: memref<128x128xf32, #tpu.memory_space<vmem>>, %arg11: memref<128x128xf32, #tpu.memory_space<vmem>>, %arg12: memref<10000x128xf32, #tpu.memory_space<vmem_shared>>, %arg13: memref<!tpu.dma_semaphore, #tpu.memory_space<semaphore_mem>>, %arg14: memref<!tpu.dma_semaphore, #tpu.memory_space<semaphore_mem>>, %arg15: memref<!tpu.dma_semaphore, #tpu.memory_space<semaphore_mem>>, %arg16: memref<!tpu.dma_semaphore, #tpu.memory_space<semaphore_mem>>, %arg17: memref<!tpu.dma_semaphore, #tpu.memory_space<semaphore_mem>>, %arg18: memref<!tpu.dma_semaphore, #tpu.memory_space<semaphore_mem>>) attributes {dimension_semantics = [#tpu.dimension_semantics<core_parallel>, #tpu.dimension_semantics<subcore_parallel>], iteration_bounds = array<i64: 2, 16>, scalar_prefetch = 0 : i64, scratch_operands = 13 : i64, tpu.core_type = #tpu.core_type<sc_vector_subcore>, window_params = [{transform_indices = #map}, {transform_indices = #map1}, {transform_indices = #map1}, {transform_indices = #map2}]} {
    %mul3A = arith.constant 2 : i32
    %mul3A_0 = arith.muli %arg1, %mul3A : i32
    %add3A = arith.addi %mul3A_0, %arg0 : i32
    %mul3A_1 = arith.constant 624 : i32
    %mul3A_2 = arith.muli %arg1, %mul3A_1 : i32
    %mul3A_3 = arith.constant 10000 : i32
    %mul3A_4 = arith.muli %add3A, %mul3A_3 : i32
    "tpu.region"() ({
      %run_scoped3A = tpu.sem_alloc : memref<!tpu.dma_semaphore, #tpu.memory_space<semaphore_mem>>
      tpu.enqueue_dma source(%arg3 : memref<128x128xf32, #tpu.memory_space<hbm>>) target(%arg10 : memref<128x128xf32, #tpu.memory_space<vmem>>) target_semaphore(%run_scoped3A : memref<!tpu.dma_semaphore, #tpu.memory_space<semaphore_mem>>)
      tpu.wait_dma2 semaphore(%run_scoped3A : memref<!tpu.dma_semaphore, #tpu.memory_space<semaphore_mem>>) src(%arg3 : memref<128x128xf32, #tpu.memory_space<hbm>>) dst(%arg10 : memref<128x128xf32, #tpu.memory_space<vmem>>)
      tpu.yield
    }) : () -> ()
    "tpu.region"() ({
      %run_scoped3A = tpu.sem_alloc : memref<!tpu.dma_semaphore, #tpu.memory_space<semaphore_mem>>
      tpu.enqueue_dma source(%arg4 : memref<128x128xf32, #tpu.memory_space<hbm>>) target(%arg11 : memref<128x128xf32, #tpu.memory_space<vmem>>) target_semaphore(%run_scoped3A : memref<!tpu.dma_semaphore, #tpu.memory_space<semaphore_mem>>)
      tpu.wait_dma2 semaphore(%run_scoped3A : memref<!tpu.dma_semaphore, #tpu.memory_space<semaphore_mem>>) src(%arg4 : memref<128x128xf32, #tpu.memory_space<hbm>>) dst(%arg11 : memref<128x128xf32, #tpu.memory_space<vmem>>)
      tpu.yield
    }) : () -> ()
    %add3A_5 = arith.constant 0 : i32
    %add3A_6 = arith.addi %mul3A_2, %add3A_5 : i32
    "tpu.region"() ({
      %run_scoped3A = tpu.sem_alloc : memref<!tpu.dma_semaphore, #tpu.memory_space<semaphore_mem>>
      %dma_start3A_80 = arith.constant 0 : i32
      %dma_start3A_81 = tpu.memref_slice %arg12[%add3A_6, %dma_start3A_80] : memref<10000x128xf32, #tpu.memory_space<vmem_shared>> -> memref<128x128xf32, #tpu.memory_space<vmem_shared>>
      %dma_start3A_82 = arith.constant 0 : i32
      %dma_start3A_83 = tpu.memref_slice %arg12[%add3A_6, %dma_start3A_82] : memref<10000x128xf32, #tpu.memory_space<vmem_shared>> -> memref<128x128xf32, #tpu.memory_space<vmem_shared>>
      tpu.enqueue_dma source(%arg10 : memref<128x128xf32, #tpu.memory_space<vmem>>) target(%dma_start3A_83 : memref<128x128xf32, #tpu.memory_space<vmem_shared>>) target_semaphore(%run_scoped3A : memref<!tpu.dma_semaphore, #tpu.memory_space<semaphore_mem>>)
      %dma_wait3A_84 = arith.constant 0 : i32
      %dma_wait3A_85 = tpu.memref_slice %arg12[%add3A_6, %dma_wait3A_84] : memref<10000x128xf32, #tpu.memory_space<vmem_shared>> -> memref<128x128xf32, #tpu.memory_space<vmem_shared>>
      %dma_wait3A_86 = arith.constant 0 : i32
      %dma_wait3A_87 = tpu.memref_slice %arg12[%add3A_6, %dma_wait3A_86] : memref<10000x128xf32, #tpu.memory_space<vmem_shared>> -> memref<128x128xf32, #tpu.memory_space<vmem_shared>>
      tpu.wait_dma2 semaphore(%run_scoped3A : memref<!tpu.dma_semaphore, #tpu.memory_space<semaphore_mem>>) src(%arg10 : memref<128x128xf32, #tpu.memory_space<vmem>>) dst(%dma_wait3A_87 : memref<128x128xf32, #tpu.memory_space<vmem_shared>>)
      tpu.yield
    }) : () -> ()
    %add3A_7 = arith.constant 128 : i32
    %add3A_8 = arith.addi %mul3A_2, %add3A_7 : i32
    "tpu.region"() ({
      %run_scoped3A = tpu.sem_alloc : memref<!tpu.dma_semaphore, #tpu.memory_space<semaphore_mem>>
      %dma_start3A_80 = arith.constant 0 : i32
      %dma_start3A_81 = tpu.memref_slice %arg12[%add3A_8, %dma_start3A_80] : memref<10000x128xf32, #tpu.memory_space<vmem_shared>> -> memref<128x128xf32, #tpu.memory_space<vmem_shared>>
      %dma_start3A_82 = arith.constant 0 : i32
      %dma_start3A_83 = tpu.memref_slice %arg12[%add3A_8, %dma_start3A_82] : memref<10000x128xf32, #tpu.memory_space<vmem_shared>> -> memref<128x128xf32, #tpu.memory_space<vmem_shared>>
      tpu.enqueue_dma source(%arg10 : memref<128x128xf32, #tpu.memory_space<vmem>>) target(%dma_start3A_83 : memref<128x128xf32, #tpu.memory_space<vmem_shared>>) target_semaphore(%run_scoped3A : memref<!tpu.dma_semaphore, #tpu.memory_space<semaphore_mem>>)
      %dma_wait3A_84 = arith.constant 0 : i32
      %dma_wait3A_85 = tpu.memref_slice %arg12[%add3A_8, %dma_wait3A_84] : memref<10000x128xf32, #tpu.memory_space<vmem_shared>> -> memref<128x128xf32, #tpu.memory_space<vmem_shared>>
      %dma_wait3A_86 = arith.constant 0 : i32
      %dma_wait3A_87 = tpu.memref_slice %arg12[%add3A_8, %dma_wait3A_86] : memref<10000x128xf32, #tpu.memory_space<vmem_shared>> -> memref<128x128xf32, #tpu.memory_space<vmem_shared>>
      tpu.wait_dma2 semaphore(%run_scoped3A : memref<!tpu.dma_semaphore, #tpu.memory_space<semaphore_mem>>) src(%arg10 : memref<128x128xf32, #tpu.memory_space<vmem>>) dst(%dma_wait3A_87 : memref<128x128xf32, #tpu.memory_space<vmem_shared>>)
      tpu.yield
    }) : () -> ()
    %add3A_9 = arith.constant 256 : i32
    %add3A_10 = arith.addi %mul3A_2, %add3A_9 : i32
    "tpu.region"() ({
      %run_scoped3A = tpu.sem_alloc : memref<!tpu.dma_semaphore, #tpu.memory_space<semaphore_mem>>
      %dma_start3A_80 = arith.constant 0 : i32
      %dma_start3A_81 = tpu.memref_slice %arg12[%add3A_10, %dma_start3A_80] : memref<10000x128xf32, #tpu.memory_space<vmem_shared>> -> memref<128x128xf32, #tpu.memory_space<vmem_shared>>
      %dma_start3A_82 = arith.constant 0 : i32
      %dma_start3A_83 = tpu.memref_slice %arg12[%add3A_10, %dma_start3A_82] : memref<10000x128xf32, #tpu.memory_space<vmem_shared>> -> memref<128x128xf32, #tpu.memory_space<vmem_shared>>
      tpu.enqueue_dma source(%arg10 : memref<128x128xf32, #tpu.memory_space<vmem>>) target(%dma_start3A_83 : memref<128x128xf32, #tpu.memory_space<vmem_shared>>) target_semaphore(%run_scoped3A : memref<!tpu.dma_semaphore, #tpu.memory_space<semaphore_mem>>)
      %dma_wait3A_84 = arith.constant 0 : i32
      %dma_wait3A_85 = tpu.memref_slice %arg12[%add3A_10, %dma_wait3A_84] : memref<10000x128xf32, #tpu.memory_space<vmem_shared>> -> memref<128x128xf32, #tpu.memory_space<vmem_shared>>
      %dma_wait3A_86 = arith.constant 0 : i32
      %dma_wait3A_87 = tpu.memref_slice %arg12[%add3A_10, %dma_wait3A_86] : memref<10000x128xf32, #tpu.memory_space<vmem_shared>> -> memref<128x128xf32, #tpu.memory_space<vmem_shared>>
      tpu.wait_dma2 semaphore(%run_scoped3A : memref<!tpu.dma_semaphore, #tpu.memory_space<semaphore_mem>>) src(%arg10 : memref<128x128xf32, #tpu.memory_space<vmem>>) dst(%dma_wait3A_87 : memref<128x128xf32, #tpu.memory_space<vmem_shared>>)
      tpu.yield
    }) : () -> ()
    %add3A_11 = arith.constant 384 : i32
    %add3A_12 = arith.addi %mul3A_2, %add3A_11 : i32
    "tpu.region"() ({
      %run_scoped3A = tpu.sem_alloc : memref<!tpu.dma_semaphore, #tpu.memory_space<semaphore_mem>>
      %dma_start3A_80 = arith.constant 0 : i32
      %dma_start3A_81 = tpu.memref_slice %arg12[%add3A_12, %dma_start3A_80] : memref<10000x128xf32, #tpu.memory_space<vmem_shared>> -> memref<128x128xf32, #tpu.memory_space<vmem_shared>>
      %dma_start3A_82 = arith.constant 0 : i32
      %dma_start3A_83 = tpu.memref_slice %arg12[%add3A_12, %dma_start3A_82] : memref<10000x128xf32, #tpu.memory_space<vmem_shared>> -> memref<128x128xf32, #tpu.memory_space<vmem_shared>>
      tpu.enqueue_dma source(%arg10 : memref<128x128xf32, #tpu.memory_space<vmem>>) target(%dma_start3A_83 : memref<128x128xf32, #tpu.memory_space<vmem_shared>>) target_semaphore(%run_scoped3A : memref<!tpu.dma_semaphore, #tpu.memory_space<semaphore_mem>>)
      %dma_wait3A_84 = arith.constant 0 : i32
      %dma_wait3A_85 = tpu.memref_slice %arg12[%add3A_12, %dma_wait3A_84] : memref<10000x128xf32, #tpu.memory_space<vmem_shared>> -> memref<128x128xf32, #tpu.memory_space<vmem_shared>>
      %dma_wait3A_86 = arith.constant 0 : i32
      %dma_wait3A_87 = tpu.memref_slice %arg12[%add3A_12, %dma_wait3A_86] : memref<10000x128xf32, #tpu.memory_space<vmem_shared>> -> memref<128x128xf32, #tpu.memory_space<vmem_shared>>
      tpu.wait_dma2 semaphore(%run_scoped3A : memref<!tpu.dma_semaphore, #tpu.memory_space<semaphore_mem>>) src(%arg10 : memref<128x128xf32, #tpu.memory_space<vmem>>) dst(%dma_wait3A_87 : memref<128x128xf32, #tpu.memory_space<vmem_shared>>)
      tpu.yield
    }) : () -> ()
    %add3A_13 = arith.constant 512 : i32
    %add3A_14 = arith.addi %mul3A_2, %add3A_13 : i32
    "tpu.region"() ({
      %run_scoped3A = tpu.sem_alloc : memref<!tpu.dma_semaphore, #tpu.memory_space<semaphore_mem>>
      %dma_start3A_80 = arith.constant 0 : i32
      %dma_start3A_81 = arith.constant 0 : i32
      %dma_start3A_82 = tpu.memref_slice %arg10[%dma_start3A_80, %dma_start3A_81] : memref<128x128xf32, #tpu.memory_space<vmem>> -> memref<112x128xf32, #tpu.memory_space<vmem>>
      %dma_start3A_83 = arith.constant 0 : i32
      %dma_start3A_84 = tpu.memref_slice %arg12[%add3A_14, %dma_start3A_83] : memref<10000x128xf32, #tpu.memory_space<vmem_shared>> -> memref<112x128xf32, #tpu.memory_space<vmem_shared>>
      %dma_start3A_85 = arith.constant 0 : i32
      %dma_start3A_86 = tpu.memref_slice %arg12[%add3A_14, %dma_start3A_85] : memref<10000x128xf32, #tpu.memory_space<vmem_shared>> -> memref<112x128xf32, #tpu.memory_space<vmem_shared>>
      %dma_start3A_87 = arith.constant 0 : i32
      %dma_start3A_88 = arith.constant 0 : i32
      %dma_start3A_89 = tpu.memref_slice %arg10[%dma_start3A_87, %dma_start3A_88] : memref<128x128xf32, #tpu.memory_space<vmem>> -> memref<112x128xf32, #tpu.memory_space<vmem>>
      tpu.enqueue_dma source(%dma_start3A_89 : memref<112x128xf32, #tpu.memory_space<vmem>>) target(%dma_start3A_86 : memref<112x128xf32, #tpu.memory_space<vmem_shared>>) target_semaphore(%run_scoped3A : memref<!tpu.dma_semaphore, #tpu.memory_space<semaphore_mem>>)
      %dma_wait3A_90 = arith.constant 0 : i32
      %dma_wait3A_91 = arith.constant 0 : i32
      %dma_wait3A_92 = tpu.memref_slice %arg10[%dma_wait3A_90, %dma_wait3A_91] : memref<128x128xf32, #tpu.memory_space<vmem>> -> memref<112x128xf32, #tpu.memory_space<vmem>>
      %dma_wait3A_93 = arith.constant 0 : i32
      %dma_wait3A_94 = tpu.memref_slice %arg12[%add3A_14, %dma_wait3A_93] : memref<10000x128xf32, #tpu.memory_space<vmem_shared>> -> memref<112x128xf32, #tpu.memory_space<vmem_shared>>
      %dma_wait3A_95 = arith.constant 0 : i32
      %dma_wait3A_96 = tpu.memref_slice %arg12[%add3A_14, %dma_wait3A_95] : memref<10000x128xf32, #tpu.memory_space<vmem_shared>> -> memref<112x128xf32, #tpu.memory_space<vmem_shared>>
      %dma_wait3A_97 = arith.constant 0 : i32
      %dma_wait3A_98 = arith.constant 0 : i32
      %dma_wait3A_99 = tpu.memref_slice %arg10[%dma_wait3A_97, %dma_wait3A_98] : memref<128x128xf32, #tpu.memory_space<vmem>> -> memref<112x128xf32, #tpu.memory_space<vmem>>
      tpu.wait_dma2 semaphore(%run_scoped3A : memref<!tpu.dma_semaphore, #tpu.memory_space<semaphore_mem>>) src(%dma_wait3A_99 : memref<112x128xf32, #tpu.memory_space<vmem>>) dst(%dma_wait3A_96 : memref<112x128xf32, #tpu.memory_space<vmem_shared>>)
      tpu.yield
    }) : () -> ()
    %eq3A = arith.constant 0 : i32
    %eq3A_15 = arith.cmpi eq, %arg1, %eq3A : i32
    %convert_element_type3A = arith.extui %eq3A_15 : i1 to i32
    %cond3A = arith.constant 0 : i32
    %cond3A_16 = arith.cmpi ne, %convert_element_type3A, %cond3A : i32
    scf.if %cond3A_16 {
      "tpu.region"() ({
        %run_scoped3A = tpu.sem_alloc : memref<!tpu.dma_semaphore, #tpu.memory_space<semaphore_mem>>
        %dma_start3A_80 = arith.constant 0 : i32
        %dma_start3A_81 = arith.constant 0 : i32
        %dma_start3A_82 = tpu.memref_slice %arg10[%dma_start3A_80, %dma_start3A_81] : memref<128x128xf32, #tpu.memory_space<vmem>> -> memref<16x128xf32, #tpu.memory_space<vmem>>
        %dma_start3A_83 = arith.constant 9984 : i32
        %dma_start3A_84 = arith.constant 0 : i32
        %dma_start3A_85 = tpu.memref_slice %arg12[%dma_start3A_83, %dma_start3A_84] : memref<10000x128xf32, #tpu.memory_space<vmem_shared>> -> memref<16x128xf32, #tpu.memory_space<vmem_shared>>
        %dma_start3A_86 = arith.constant 9984 : i32
        %dma_start3A_87 = arith.constant 0 : i32
        %dma_start3A_88 = tpu.memref_slice %arg12[%dma_start3A_86, %dma_start3A_87] : memref<10000x128xf32, #tpu.memory_space<vmem_shared>> -> memref<16x128xf32, #tpu.memory_space<vmem_shared>>
        %dma_start3A_89 = arith.constant 0 : i32
        %dma_start3A_90 = arith.constant 0 : i32
        %dma_start3A_91 = tpu.memref_slice %arg10[%dma_start3A_89, %dma_start3A_90] : memref<128x128xf32, #tpu.memory_space<vmem>> -> memref<16x128xf32, #tpu.memory_space<vmem>>
        tpu.enqueue_dma source(%dma_start3A_91 : memref<16x128xf32, #tpu.memory_space<vmem>>) target(%dma_start3A_88 : memref<16x128xf32, #tpu.memory_space<vmem_shared>>) target_semaphore(%run_scoped3A : memref<!tpu.dma_semaphore, #tpu.memory_space<semaphore_mem>>)
        %dma_wait3A_92 = arith.constant 0 : i32
        %dma_wait3A_93 = arith.constant 0 : i32
        %dma_wait3A_94 = tpu.memref_slice %arg10[%dma_wait3A_92, %dma_wait3A_93] : memref<128x128xf32, #tpu.memory_space<vmem>> -> memref<16x128xf32, #tpu.memory_space<vmem>>
        %dma_wait3A_95 = arith.constant 9984 : i32
        %dma_wait3A_96 = arith.constant 0 : i32
        %dma_wait3A_97 = tpu.memref_slice %arg12[%dma_wait3A_95, %dma_wait3A_96] : memref<10000x128xf32, #tpu.memory_space<vmem_shared>> -> memref<16x128xf32, #tpu.memory_space<vmem_shared>>
        %dma_wait3A_98 = arith.constant 9984 : i32
        %dma_wait3A_99 = arith.constant 0 : i32
        %dma_wait3A_100 = tpu.memref_slice %arg12[%dma_wait3A_98, %dma_wait3A_99] : memref<10000x128xf32, #tpu.memory_space<vmem_shared>> -> memref<16x128xf32, #tpu.memory_space<vmem_shared>>
        %dma_wait3A_101 = arith.constant 0 : i32
        %dma_wait3A_102 = arith.constant 0 : i32
        %dma_wait3A_103 = tpu.memref_slice %arg10[%dma_wait3A_101, %dma_wait3A_102] : memref<128x128xf32, #tpu.memory_space<vmem>> -> memref<16x128xf32, #tpu.memory_space<vmem>>
        tpu.wait_dma2 semaphore(%run_scoped3A : memref<!tpu.dma_semaphore, #tpu.memory_space<semaphore_mem>>) src(%dma_wait3A_103 : memref<16x128xf32, #tpu.memory_space<vmem>>) dst(%dma_wait3A_100 : memref<16x128xf32, #tpu.memory_space<vmem_shared>>)
        tpu.yield
      }) : () -> ()
    } else {
    }
    %barrier3A = arith.constant 0 : index
    tpu.barrier barrier_id(%barrier3A)
    %add3A_17 = arith.constant 0 : i32
    %add3A_18 = arith.addi %mul3A_4, %add3A_17 : i32
    %dma_start3A = tpu.memref_slice %arg2[%add3A_18] : memref<320000xi32, #tpu.memory_space<hbm>> -> memref<128xi32, #tpu.memory_space<hbm>>
    %dma_start3A_19 = tpu.memref_slice %arg2[%add3A_18] : memref<320000xi32, #tpu.memory_space<hbm>> -> memref<128xi32, #tpu.memory_space<hbm>>
    tpu.enqueue_dma source(%dma_start3A_19 : memref<128xi32, #tpu.memory_space<hbm>>) target(%arg6 : memref<128xi32, #tpu.memory_space<vmem>>) target_semaphore(%arg13 : memref<!tpu.dma_semaphore, #tpu.memory_space<semaphore_mem>>)
    %add3A_20 = arith.constant 128 : i32
    %add3A_21 = arith.addi %mul3A_4, %add3A_20 : i32
    %dma_start3A_22 = tpu.memref_slice %arg2[%add3A_21] : memref<320000xi32, #tpu.memory_space<hbm>> -> memref<128xi32, #tpu.memory_space<hbm>>
    %dma_start3A_23 = tpu.memref_slice %arg2[%add3A_21] : memref<320000xi32, #tpu.memory_space<hbm>> -> memref<128xi32, #tpu.memory_space<hbm>>
    tpu.enqueue_dma source(%dma_start3A_23 : memref<128xi32, #tpu.memory_space<hbm>>) target(%arg7 : memref<128xi32, #tpu.memory_space<vmem>>) target_semaphore(%arg14 : memref<!tpu.dma_semaphore, #tpu.memory_space<semaphore_mem>>)
    %add3A_24 = arith.constant 256 : i32
    %add3A_25 = arith.addi %mul3A_4, %add3A_24 : i32
    %dma_start3A_26 = tpu.memref_slice %arg2[%add3A_25] : memref<320000xi32, #tpu.memory_space<hbm>> -> memref<128xi32, #tpu.memory_space<hbm>>
    %dma_start3A_27 = tpu.memref_slice %arg2[%add3A_25] : memref<320000xi32, #tpu.memory_space<hbm>> -> memref<128xi32, #tpu.memory_space<hbm>>
    tpu.enqueue_dma source(%dma_start3A_27 : memref<128xi32, #tpu.memory_space<hbm>>) target(%arg8 : memref<128xi32, #tpu.memory_space<vmem>>) target_semaphore(%arg15 : memref<!tpu.dma_semaphore, #tpu.memory_space<semaphore_mem>>)
    %dma_wait3A = arith.constant 0 : i32
    %dma_wait3A_28 = tpu.memref_slice %arg2[%dma_wait3A] : memref<320000xi32, #tpu.memory_space<hbm>> -> memref<128xi32, #tpu.memory_space<hbm>>
    %dma_wait3A_29 = arith.constant 0 : i32
    %dma_wait3A_30 = tpu.memref_slice %arg2[%dma_wait3A_29] : memref<320000xi32, #tpu.memory_space<hbm>> -> memref<128xi32, #tpu.memory_space<hbm>>
    tpu.wait_dma2 semaphore(%arg13 : memref<!tpu.dma_semaphore, #tpu.memory_space<semaphore_mem>>) src(%dma_wait3A_30 : memref<128xi32, #tpu.memory_space<hbm>>) dst(%arg6 : memref<128xi32, #tpu.memory_space<vmem>>)
    %dma_start3A_31 = arith.constant 0 : i32
    %dma_start3A_32 = arith.constant 0 : i32
    %dma_start3A_33 = tpu.memref_slice %arg12[%dma_start3A_31, %dma_start3A_32] : memref<10000x128xf32, #tpu.memory_space<vmem_shared>> -> memref<10000x128xf32, #tpu.memory_space<vmem_shared>>
    tpu.enqueue_indirect_dma source(%arg11 : memref<128x128xf32, #tpu.memory_space<vmem>>) target(%dma_start3A_33 : memref<10000x128xf32, #tpu.memory_space<vmem_shared>>) offsets(%arg6 : memref<128xi32, #tpu.memory_space<vmem>>) semaphore(%arg16 : memref<!tpu.dma_semaphore, #tpu.memory_space<semaphore_mem>>) {add = true}
    %dma_wait3A_34 = arith.constant 0 : i32
    %dma_wait3A_35 = tpu.memref_slice %arg2[%dma_wait3A_34] : memref<320000xi32, #tpu.memory_space<hbm>> -> memref<128xi32, #tpu.memory_space<hbm>>
    %dma_wait3A_36 = arith.constant 0 : i32
    %dma_wait3A_37 = tpu.memref_slice %arg2[%dma_wait3A_36] : memref<320000xi32, #tpu.memory_space<hbm>> -> memref<128xi32, #tpu.memory_space<hbm>>
    tpu.wait_dma2 semaphore(%arg14 : memref<!tpu.dma_semaphore, #tpu.memory_space<semaphore_mem>>) src(%dma_wait3A_37 : memref<128xi32, #tpu.memory_space<hbm>>) dst(%arg7 : memref<128xi32, #tpu.memory_space<vmem>>)
    %dma_start3A_38 = arith.constant 0 : i32
    %dma_start3A_39 = arith.constant 0 : i32
    %dma_start3A_40 = tpu.memref_slice %arg12[%dma_start3A_38, %dma_start3A_39] : memref<10000x128xf32, #tpu.memory_space<vmem_shared>> -> memref<10000x128xf32, #tpu.memory_space<vmem_shared>>
    tpu.enqueue_indirect_dma source(%arg11 : memref<128x128xf32, #tpu.memory_space<vmem>>) target(%dma_start3A_40 : memref<10000x128xf32, #tpu.memory_space<vmem_shared>>) offsets(%arg7 : memref<128xi32, #tpu.memory_space<vmem>>) semaphore(%arg17 : memref<!tpu.dma_semaphore, #tpu.memory_space<semaphore_mem>>) {add = true}
    %scan3A = arith.constant 0 : i32
    %scan3A_41 = arith.constant 0 : i32
    %scan3A_42 = arith.constant 25 : i32
    %scan3A_43 = arith.addi %scan3A_41, %scan3A_42 : i32
    %scan3A_44 = arith.constant 1 : i32
    scf.for %scan3A_80 = %scan3A_41 to %scan3A_43 step %scan3A_44  : i32 {
      %mul3A_81 = arith.constant 3 : i32
      %mul3A_82 = arith.muli %scan3A_80, %mul3A_81 : i32
      %add3A_83 = arith.constant 2 : i32
      %add3A_84 = arith.addi %mul3A_82, %add3A_83 : i32
      %add3A_85 = arith.constant 3 : i32
      %add3A_86 = arith.addi %mul3A_82, %add3A_85 : i32
      %dma_wait3A_87 = arith.constant 0 : i32
      %dma_wait3A_88 = tpu.memref_slice %arg2[%dma_wait3A_87] : memref<320000xi32, #tpu.memory_space<hbm>> -> memref<128xi32, #tpu.memory_space<hbm>>
      %dma_wait3A_89 = arith.constant 0 : i32
      %dma_wait3A_90 = tpu.memref_slice %arg2[%dma_wait3A_89] : memref<320000xi32, #tpu.memory_space<hbm>> -> memref<128xi32, #tpu.memory_space<hbm>>
      tpu.wait_dma2 semaphore(%arg15 : memref<!tpu.dma_semaphore, #tpu.memory_space<semaphore_mem>>) src(%dma_wait3A_90 : memref<128xi32, #tpu.memory_space<hbm>>) dst(%arg8 : memref<128xi32, #tpu.memory_space<vmem>>)
      %dma_start3A_91 = arith.constant 0 : i32
      %dma_start3A_92 = arith.constant 0 : i32
      %dma_start3A_93 = tpu.memref_slice %arg12[%dma_start3A_91, %dma_start3A_92] : memref<10000x128xf32, #tpu.memory_space<vmem_shared>> -> memref<10000x128xf32, #tpu.memory_space<vmem_shared>>
      tpu.enqueue_indirect_dma source(%arg11 : memref<128x128xf32, #tpu.memory_space<vmem>>) target(%dma_start3A_93 : memref<10000x128xf32, #tpu.memory_space<vmem_shared>>) offsets(%arg8 : memref<128xi32, #tpu.memory_space<vmem>>) semaphore(%arg18 : memref<!tpu.dma_semaphore, #tpu.memory_space<semaphore_mem>>) {add = true}
      %dma_wait3A_94 = arith.constant 0 : i32
      %dma_wait3A_95 = arith.constant 0 : i32
      %dma_wait3A_96 = tpu.memref_slice %arg12[%dma_wait3A_94, %dma_wait3A_95] : memref<10000x128xf32, #tpu.memory_space<vmem_shared>> -> memref<10000x128xf32, #tpu.memory_space<vmem_shared>>
      tpu.wait_indirect_dma semaphore(%arg16 : memref<!tpu.dma_semaphore, #tpu.memory_space<semaphore_mem>>) src(%arg11 : memref<128x128xf32, #tpu.memory_space<vmem>>) dst(%dma_wait3A_96 : memref<10000x128xf32, #tpu.memory_space<vmem_shared>>)
      %mul3A_97 = arith.constant 128 : i32
      %mul3A_98 = arith.muli %add3A_86, %mul3A_97 : i32
      %add3A_99 = arith.addi %mul3A_4, %mul3A_98 : i32
      %dma_start3A_100 = tpu.memref_slice %arg2[%add3A_99] : memref<320000xi32, #tpu.memory_space<hbm>> -> memref<128xi32, #tpu.memory_space<hbm>>
      %dma_start3A_101 = tpu.memref_slice %arg2[%add3A_99] : memref<320000xi32, #tpu.memory_space<hbm>> -> memref<128xi32, #tpu.memory_space<hbm>>
      tpu.enqueue_dma source(%dma_start3A_101 : memref<128xi32, #tpu.memory_space<hbm>>) target(%arg6 : memref<128xi32, #tpu.memory_space<vmem>>) target_semaphore(%arg13 : memref<!tpu.dma_semaphore, #tpu.memory_space<semaphore_mem>>)
      %add3A_102 = arith.constant 3 : i32
      %add3A_103 = arith.addi %mul3A_82, %add3A_102 : i32
      %add3A_104 = arith.constant 4 : i32
      %add3A_105 = arith.addi %mul3A_82, %add3A_104 : i32
      %dma_wait3A_106 = arith.constant 0 : i32
      %dma_wait3A_107 = tpu.memref_slice %arg2[%dma_wait3A_106] : memref<320000xi32, #tpu.memory_space<hbm>> -> memref<128xi32, #tpu.memory_space<hbm>>
      %dma_wait3A_108 = arith.constant 0 : i32
      %dma_wait3A_109 = tpu.memref_slice %arg2[%dma_wait3A_108] : memref<320000xi32, #tpu.memory_space<hbm>> -> memref<128xi32, #tpu.memory_space<hbm>>
      tpu.wait_dma2 semaphore(%arg13 : memref<!tpu.dma_semaphore, #tpu.memory_space<semaphore_mem>>) src(%dma_wait3A_109 : memref<128xi32, #tpu.memory_space<hbm>>) dst(%arg6 : memref<128xi32, #tpu.memory_space<vmem>>)
      %dma_start3A_110 = arith.constant 0 : i32
      %dma_start3A_111 = arith.constant 0 : i32
      %dma_start3A_112 = tpu.memref_slice %arg12[%dma_start3A_110, %dma_start3A_111] : memref<10000x128xf32, #tpu.memory_space<vmem_shared>> -> memref<10000x128xf32, #tpu.memory_space<vmem_shared>>
      tpu.enqueue_indirect_dma source(%arg11 : memref<128x128xf32, #tpu.memory_space<vmem>>) target(%dma_start3A_112 : memref<10000x128xf32, #tpu.memory_space<vmem_shared>>) offsets(%arg6 : memref<128xi32, #tpu.memory_space<vmem>>) semaphore(%arg16 : memref<!tpu.dma_semaphore, #tpu.memory_space<semaphore_mem>>) {add = true}
      %dma_wait3A_113 = arith.constant 0 : i32
      %dma_wait3A_114 = arith.constant 0 : i32
      %dma_wait3A_115 = tpu.memref_slice %arg12[%dma_wait3A_113, %dma_wait3A_114] : memref<10000x128xf32, #tpu.memory_space<vmem_shared>> -> memref<10000x128xf32, #tpu.memory_space<vmem_shared>>
      tpu.wait_indirect_dma semaphore(%arg17 : memref<!tpu.dma_semaphore, #tpu.memory_space<semaphore_mem>>) src(%arg11 : memref<128x128xf32, #tpu.memory_space<vmem>>) dst(%dma_wait3A_115 : memref<10000x128xf32, #tpu.memory_space<vmem_shared>>)
      %mul3A_116 = arith.constant 128 : i32
      %mul3A_117 = arith.muli %add3A_105, %mul3A_116 : i32
      %add3A_118 = arith.addi %mul3A_4, %mul3A_117 : i32
      %dma_start3A_119 = tpu.memref_slice %arg2[%add3A_118] : memref<320000xi32, #tpu.memory_space<hbm>> -> memref<128xi32, #tpu.memory_space<hbm>>
      %dma_start3A_120 = tpu.memref_slice %arg2[%add3A_118] : memref<320000xi32, #tpu.memory_space<hbm>> -> memref<128xi32, #tpu.memory_space<hbm>>
      tpu.enqueue_dma source(%dma_start3A_120 : memref<128xi32, #tpu.memory_space<hbm>>) target(%arg7 : memref<128xi32, #tpu.memory_space<vmem>>) target_semaphore(%arg14 : memref<!tpu.dma_semaphore, #tpu.memory_space<semaphore_mem>>)
      %add3A_121 = arith.constant 4 : i32
      %add3A_122 = arith.addi %mul3A_82, %add3A_121 : i32
      %add3A_123 = arith.constant 5 : i32
      %add3A_124 = arith.addi %mul3A_82, %add3A_123 : i32
      %dma_wait3A_125 = arith.constant 0 : i32
      %dma_wait3A_126 = tpu.memref_slice %arg2[%dma_wait3A_125] : memref<320000xi32, #tpu.memory_space<hbm>> -> memref<128xi32, #tpu.memory_space<hbm>>
      %dma_wait3A_127 = arith.constant 0 : i32
      %dma_wait3A_128 = tpu.memref_slice %arg2[%dma_wait3A_127] : memref<320000xi32, #tpu.memory_space<hbm>> -> memref<128xi32, #tpu.memory_space<hbm>>
      tpu.wait_dma2 semaphore(%arg14 : memref<!tpu.dma_semaphore, #tpu.memory_space<semaphore_mem>>) src(%dma_wait3A_128 : memref<128xi32, #tpu.memory_space<hbm>>) dst(%arg7 : memref<128xi32, #tpu.memory_space<vmem>>)
      %dma_start3A_129 = arith.constant 0 : i32
      %dma_start3A_130 = arith.constant 0 : i32
      %dma_start3A_131 = tpu.memref_slice %arg12[%dma_start3A_129, %dma_start3A_130] : memref<10000x128xf32, #tpu.memory_space<vmem_shared>> -> memref<10000x128xf32, #tpu.memory_space<vmem_shared>>
      tpu.enqueue_indirect_dma source(%arg11 : memref<128x128xf32, #tpu.memory_space<vmem>>) target(%dma_start3A_131 : memref<10000x128xf32, #tpu.memory_space<vmem_shared>>) offsets(%arg7 : memref<128xi32, #tpu.memory_space<vmem>>) semaphore(%arg17 : memref<!tpu.dma_semaphore, #tpu.memory_space<semaphore_mem>>) {add = true}
      %dma_wait3A_132 = arith.constant 0 : i32
      %dma_wait3A_133 = arith.constant 0 : i32
      %dma_wait3A_134 = tpu.memref_slice %arg12[%dma_wait3A_132, %dma_wait3A_133] : memref<10000x128xf32, #tpu.memory_space<vmem_shared>> -> memref<10000x128xf32, #tpu.memory_space<vmem_shared>>
      tpu.wait_indirect_dma semaphore(%arg18 : memref<!tpu.dma_semaphore, #tpu.memory_space<semaphore_mem>>) src(%arg11 : memref<128x128xf32, #tpu.memory_space<vmem>>) dst(%dma_wait3A_134 : memref<10000x128xf32, #tpu.memory_space<vmem_shared>>)
      %mul3A_135 = arith.constant 128 : i32
      %mul3A_136 = arith.muli %add3A_124, %mul3A_135 : i32
      %add3A_137 = arith.addi %mul3A_4, %mul3A_136 : i32
      %dma_start3A_138 = tpu.memref_slice %arg2[%add3A_137] : memref<320000xi32, #tpu.memory_space<hbm>> -> memref<128xi32, #tpu.memory_space<hbm>>
      %dma_start3A_139 = tpu.memref_slice %arg2[%add3A_137] : memref<320000xi32, #tpu.memory_space<hbm>> -> memref<128xi32, #tpu.memory_space<hbm>>
      tpu.enqueue_dma source(%dma_start3A_139 : memref<128xi32, #tpu.memory_space<hbm>>) target(%arg8 : memref<128xi32, #tpu.memory_space<vmem>>) target_semaphore(%arg15 : memref<!tpu.dma_semaphore, #tpu.memory_space<semaphore_mem>>)
    }
    %scan3A_45 = arith.constant 25 : i32
    %dma_wait3A_46 = arith.constant 0 : i32
    %dma_wait3A_47 = tpu.memref_slice %arg2[%dma_wait3A_46] : memref<320000xi32, #tpu.memory_space<hbm>> -> memref<128xi32, #tpu.memory_space<hbm>>
    %dma_wait3A_48 = arith.constant 0 : i32
    %dma_wait3A_49 = tpu.memref_slice %arg2[%dma_wait3A_48] : memref<320000xi32, #tpu.memory_space<hbm>> -> memref<128xi32, #tpu.memory_space<hbm>>
    tpu.wait_dma2 semaphore(%arg15 : memref<!tpu.dma_semaphore, #tpu.memory_space<semaphore_mem>>) src(%dma_wait3A_49 : memref<128xi32, #tpu.memory_space<hbm>>) dst(%arg8 : memref<128xi32, #tpu.memory_space<vmem>>)
    %dma_start3A_50 = arith.constant 0 : i32
    %dma_start3A_51 = arith.constant 0 : i32
    %dma_start3A_52 = tpu.memref_slice %arg12[%dma_start3A_50, %dma_start3A_51] : memref<10000x128xf32, #tpu.memory_space<vmem_shared>> -> memref<10000x128xf32, #tpu.memory_space<vmem_shared>>
    tpu.enqueue_indirect_dma source(%arg11 : memref<128x128xf32, #tpu.memory_space<vmem>>) target(%dma_start3A_52 : memref<10000x128xf32, #tpu.memory_space<vmem_shared>>) offsets(%arg8 : memref<128xi32, #tpu.memory_space<vmem>>) semaphore(%arg18 : memref<!tpu.dma_semaphore, #tpu.memory_space<semaphore_mem>>) {add = true}
    %dma_wait3A_53 = arith.constant 0 : i32
    %dma_wait3A_54 = arith.constant 0 : i32
    %dma_wait3A_55 = tpu.memref_slice %arg12[%dma_wait3A_53, %dma_wait3A_54] : memref<10000x128xf32, #tpu.memory_space<vmem_shared>> -> memref<10000x128xf32, #tpu.memory_space<vmem_shared>>
    tpu.wait_indirect_dma semaphore(%arg16 : memref<!tpu.dma_semaphore, #tpu.memory_space<semaphore_mem>>) src(%arg11 : memref<128x128xf32, #tpu.memory_space<vmem>>) dst(%dma_wait3A_55 : memref<10000x128xf32, #tpu.memory_space<vmem_shared>>)
    %dma_wait3A_56 = arith.constant 0 : i32
    %dma_wait3A_57 = arith.constant 0 : i32
    %dma_wait3A_58 = tpu.memref_slice %arg12[%dma_wait3A_56, %dma_wait3A_57] : memref<10000x128xf32, #tpu.memory_space<vmem_shared>> -> memref<10000x128xf32, #tpu.memory_space<vmem_shared>>
    tpu.wait_indirect_dma semaphore(%arg17 : memref<!tpu.dma_semaphore, #tpu.memory_space<semaphore_mem>>) src(%arg11 : memref<128x128xf32, #tpu.memory_space<vmem>>) dst(%dma_wait3A_58 : memref<10000x128xf32, #tpu.memory_space<vmem_shared>>)
    %dma_wait3A_59 = arith.constant 0 : i32
    %dma_wait3A_60 = arith.constant 0 : i32
    %dma_wait3A_61 = tpu.memref_slice %arg12[%dma_wait3A_59, %dma_wait3A_60] : memref<10000x128xf32, #tpu.memory_space<vmem_shared>> -> memref<10000x128xf32, #tpu.memory_space<vmem_shared>>
    tpu.wait_indirect_dma semaphore(%arg18 : memref<!tpu.dma_semaphore, #tpu.memory_space<semaphore_mem>>) src(%arg11 : memref<128x128xf32, #tpu.memory_space<vmem>>) dst(%dma_wait3A_61 : memref<10000x128xf32, #tpu.memory_space<vmem_shared>>)
    %add3A_62 = arith.constant 9984 : i32
    %add3A_63 = arith.addi %mul3A_4, %add3A_62 : i32
    "tpu.region"() ({
      %run_scoped3A = tpu.sem_alloc : memref<!tpu.dma_semaphore, #tpu.memory_space<semaphore_mem>>
      %dma_start3A_80 = tpu.memref_slice %arg2[%add3A_63] : memref<320000xi32, #tpu.memory_space<hbm>> -> memref<16xi32, #tpu.memory_space<hbm>>
      %dma_start3A_81 = tpu.memref_slice %arg2[%add3A_63] : memref<320000xi32, #tpu.memory_space<hbm>> -> memref<16xi32, #tpu.memory_space<hbm>>
      tpu.enqueue_dma source(%dma_start3A_81 : memref<16xi32, #tpu.memory_space<hbm>>) target(%arg9 : memref<16xi32, #tpu.memory_space<vmem>>) target_semaphore(%run_scoped3A : memref<!tpu.dma_semaphore, #tpu.memory_space<semaphore_mem>>)
      %dma_wait3A_82 = tpu.memref_slice %arg2[%add3A_63] : memref<320000xi32, #tpu.memory_space<hbm>> -> memref<16xi32, #tpu.memory_space<hbm>>
      %dma_wait3A_83 = tpu.memref_slice %arg2[%add3A_63] : memref<320000xi32, #tpu.memory_space<hbm>> -> memref<16xi32, #tpu.memory_space<hbm>>
      tpu.wait_dma2 semaphore(%run_scoped3A : memref<!tpu.dma_semaphore, #tpu.memory_space<semaphore_mem>>) src(%dma_wait3A_83 : memref<16xi32, #tpu.memory_space<hbm>>) dst(%arg9 : memref<16xi32, #tpu.memory_space<vmem>>)
      tpu.yield
    }) : () -> ()
    "tpu.region"() ({
      %run_scoped3A = tpu.sem_alloc : memref<!tpu.dma_semaphore, #tpu.memory_space<semaphore_mem>>
      %dma_start3A_80 = arith.constant 0 : i32
      %dma_start3A_81 = arith.constant 0 : i32
      %dma_start3A_82 = tpu.memref_slice %arg11[%dma_start3A_80, %dma_start3A_81] : memref<128x128xf32, #tpu.memory_space<vmem>> -> memref<16x128xf32, #tpu.memory_space<vmem>>
      %dma_start3A_83 = arith.constant 0 : i32
      %dma_start3A_84 = arith.constant 0 : i32
      %dma_start3A_85 = tpu.memref_slice %arg12[%dma_start3A_83, %dma_start3A_84] : memref<10000x128xf32, #tpu.memory_space<vmem_shared>> -> memref<10000x128xf32, #tpu.memory_space<vmem_shared>>
      tpu.enqueue_indirect_dma source(%dma_start3A_82 : memref<16x128xf32, #tpu.memory_space<vmem>>) target(%dma_start3A_85 : memref<10000x128xf32, #tpu.memory_space<vmem_shared>>) offsets(%arg9 : memref<16xi32, #tpu.memory_space<vmem>>) semaphore(%run_scoped3A : memref<!tpu.dma_semaphore, #tpu.memory_space<semaphore_mem>>) {add = true}
      %dma_wait3A_86 = arith.constant 0 : i32
      %dma_wait3A_87 = arith.constant 0 : i32
      %dma_wait3A_88 = tpu.memref_slice %arg11[%dma_wait3A_86, %dma_wait3A_87] : memref<128x128xf32, #tpu.memory_space<vmem>> -> memref<16x128xf32, #tpu.memory_space<vmem>>
      %dma_wait3A_89 = arith.constant 0 : i32
      %dma_wait3A_90 = arith.constant 0 : i32
      %dma_wait3A_91 = tpu.memref_slice %arg12[%dma_wait3A_89, %dma_wait3A_90] : memref<10000x128xf32, #tpu.memory_space<vmem_shared>> -> memref<10000x128xf32, #tpu.memory_space<vmem_shared>>
      tpu.wait_indirect_dma semaphore(%run_scoped3A : memref<!tpu.dma_semaphore, #tpu.memory_space<semaphore_mem>>) src(%dma_wait3A_88 : memref<16x128xf32, #tpu.memory_space<vmem>>) dst(%dma_wait3A_91 : memref<10000x128xf32, #tpu.memory_space<vmem_shared>>)
      tpu.yield
    }) : () -> ()
    %barrier3A_64 = arith.constant 0 : index
    tpu.barrier barrier_id(%barrier3A_64)
    %add3A_65 = arith.constant 0 : i32
    %add3A_66 = arith.addi %mul3A_2, %add3A_65 : i32
    "tpu.region"() ({
      %run_scoped3A = tpu.sem_alloc : memref<!tpu.dma_semaphore, #tpu.memory_space<semaphore_mem>>
      %dma_start3A_80 = arith.constant 0 : i32
      %dma_start3A_81 = arith.constant 0 : i32
      %dma_start3A_82 = tpu.memref_slice %arg10[%dma_start3A_80, %dma_start3A_81] : memref<128x128xf32, #tpu.memory_space<vmem>> -> memref<128x128xf32, #tpu.memory_space<vmem>>
      %dma_start3A_83 = arith.constant 0 : i32
      %dma_start3A_84 = tpu.memref_slice %arg12[%add3A_66, %dma_start3A_83] : memref<10000x128xf32, #tpu.memory_space<vmem_shared>> -> memref<128x128xf32, #tpu.memory_space<vmem_shared>>
      %dma_start3A_85 = arith.constant 0 : i32
      %dma_start3A_86 = arith.constant 0 : i32
      %dma_start3A_87 = tpu.memref_slice %arg10[%dma_start3A_85, %dma_start3A_86] : memref<128x128xf32, #tpu.memory_space<vmem>> -> memref<128x128xf32, #tpu.memory_space<vmem>>
      %dma_start3A_88 = arith.constant 0 : i32
      %dma_start3A_89 = tpu.memref_slice %arg12[%add3A_66, %dma_start3A_88] : memref<10000x128xf32, #tpu.memory_space<vmem_shared>> -> memref<128x128xf32, #tpu.memory_space<vmem_shared>>
      tpu.enqueue_dma source(%dma_start3A_89 : memref<128x128xf32, #tpu.memory_space<vmem_shared>>) target(%dma_start3A_87 : memref<128x128xf32, #tpu.memory_space<vmem>>) target_semaphore(%run_scoped3A : memref<!tpu.dma_semaphore, #tpu.memory_space<semaphore_mem>>)
      %dma_wait3A_90 = arith.constant 0 : i32
      %dma_wait3A_91 = arith.constant 0 : i32
      %dma_wait3A_92 = tpu.memref_slice %arg10[%dma_wait3A_90, %dma_wait3A_91] : memref<128x128xf32, #tpu.memory_space<vmem>> -> memref<128x128xf32, #tpu.memory_space<vmem>>
      %dma_wait3A_93 = arith.constant 0 : i32
      %dma_wait3A_94 = tpu.memref_slice %arg12[%add3A_66, %dma_wait3A_93] : memref<10000x128xf32, #tpu.memory_space<vmem_shared>> -> memref<128x128xf32, #tpu.memory_space<vmem_shared>>
      %dma_wait3A_95 = arith.constant 0 : i32
      %dma_wait3A_96 = arith.constant 0 : i32
      %dma_wait3A_97 = tpu.memref_slice %arg10[%dma_wait3A_95, %dma_wait3A_96] : memref<128x128xf32, #tpu.memory_space<vmem>> -> memref<128x128xf32, #tpu.memory_space<vmem>>
      %dma_wait3A_98 = arith.constant 0 : i32
      %dma_wait3A_99 = tpu.memref_slice %arg12[%add3A_66, %dma_wait3A_98] : memref<10000x128xf32, #tpu.memory_space<vmem_shared>> -> memref<128x128xf32, #tpu.memory_space<vmem_shared>>
      tpu.wait_dma2 semaphore(%run_scoped3A : memref<!tpu.dma_semaphore, #tpu.memory_space<semaphore_mem>>) src(%dma_wait3A_99 : memref<128x128xf32, #tpu.memory_space<vmem_shared>>) dst(%dma_wait3A_97 : memref<128x128xf32, #tpu.memory_space<vmem>>)
      tpu.yield
    }) : () -> ()
    "tpu.region"() ({
      %run_scoped3A = tpu.sem_alloc : memref<!tpu.dma_semaphore, #tpu.memory_space<semaphore_mem>>
      %dma_start3A_80 = arith.constant 0 : i32
      %dma_start3A_81 = arith.constant 0 : i32
      %dma_start3A_82 = tpu.memref_slice %arg10[%dma_start3A_80, %dma_start3A_81] : memref<128x128xf32, #tpu.memory_space<vmem>> -> memref<128x128xf32, #tpu.memory_space<vmem>>
      %dma_start3A_83 = arith.constant 0 : i32
      %dma_start3A_84 = tpu.memref_slice %arg5[%arg0, %add3A_66, %dma_start3A_83] : memref<2x10000x128xf32, #tpu.memory_space<hbm>> -> memref<1x128x128xf32, #tpu.memory_space<hbm>>
      %dma_start3A_85 = tpu.memref_squeeze %dma_start3A_84 : memref<1x128x128xf32, #tpu.memory_space<hbm>> -> memref<128x128xf32, #tpu.memory_space<hbm>>
      %dma_start3A_86 = arith.constant 0 : i32
      %dma_start3A_87 = tpu.memref_slice %arg5[%arg0, %add3A_66, %dma_start3A_86] : memref<2x10000x128xf32, #tpu.memory_space<hbm>> -> memref<1x128x128xf32, #tpu.memory_space<hbm>>
      %dma_start3A_88 = tpu.memref_squeeze %dma_start3A_87 : memref<1x128x128xf32, #tpu.memory_space<hbm>> -> memref<128x128xf32, #tpu.memory_space<hbm>>
      %dma_start3A_89 = arith.constant 0 : i32
      %dma_start3A_90 = arith.constant 0 : i32
      %dma_start3A_91 = tpu.memref_slice %arg10[%dma_start3A_89, %dma_start3A_90] : memref<128x128xf32, #tpu.memory_space<vmem>> -> memref<128x128xf32, #tpu.memory_space<vmem>>
      tpu.enqueue_dma source(%dma_start3A_91 : memref<128x128xf32, #tpu.memory_space<vmem>>) target(%dma_start3A_88 : memref<128x128xf32, #tpu.memory_space<hbm>>) target_semaphore(%run_scoped3A : memref<!tpu.dma_semaphore, #tpu.memory_space<semaphore_mem>>)
      %dma_wait3A_92 = arith.constant 0 : i32
      %dma_wait3A_93 = arith.constant 0 : i32
      %dma_wait3A_94 = tpu.memref_slice %arg10[%dma_wait3A_92, %dma_wait3A_93] : memref<128x128xf32, #tpu.memory_space<vmem>> -> memref<128x128xf32, #tpu.memory_space<vmem>>
      %dma_wait3A_95 = arith.constant 0 : i32
      %dma_wait3A_96 = tpu.memref_slice %arg5[%arg0, %add3A_66, %dma_wait3A_95] : memref<2x10000x128xf32, #tpu.memory_space<hbm>> -> memref<1x128x128xf32, #tpu.memory_space<hbm>>
      %dma_wait3A_97 = tpu.memref_squeeze %dma_wait3A_96 : memref<1x128x128xf32, #tpu.memory_space<hbm>> -> memref<128x128xf32, #tpu.memory_space<hbm>>
      %dma_wait3A_98 = arith.constant 0 : i32
      %dma_wait3A_99 = tpu.memref_slice %arg5[%arg0, %add3A_66, %dma_wait3A_98] : memref<2x10000x128xf32, #tpu.memory_space<hbm>> -> memref<1x128x128xf32, #tpu.memory_space<hbm>>
      %dma_wait3A_100 = tpu.memref_squeeze %dma_wait3A_99 : memref<1x128x128xf32, #tpu.memory_space<hbm>> -> memref<128x128xf32, #tpu.memory_space<hbm>>
      %dma_wait3A_101 = arith.constant 0 : i32
      %dma_wait3A_102 = arith.constant 0 : i32
      %dma_wait3A_103 = tpu.memref_slice %arg10[%dma_wait3A_101, %dma_wait3A_102] : memref<128x128xf32, #tpu.memory_space<vmem>> -> memref<128x128xf32, #tpu.memory_space<vmem>>
      tpu.wait_dma2 semaphore(%run_scoped3A : memref<!tpu.dma_semaphore, #tpu.memory_space<semaphore_mem>>) src(%dma_wait3A_103 : memref<128x128xf32, #tpu.memory_space<vmem>>) dst(%dma_wait3A_100 : memref<128x128xf32, #tpu.memory_space<hbm>>)
      tpu.yield
    }) : () -> ()
    %add3A_67 = arith.constant 128 : i32
    %add3A_68 = arith.addi %mul3A_2, %add3A_67 : i32
    "tpu.region"() ({
      %run_scoped3A = tpu.sem_alloc : memref<!tpu.dma_semaphore, #tpu.memory_space<semaphore_mem>>
      %dma_start3A_80 = arith.constant 0 : i32
      %dma_start3A_81 = arith.constant 0 : i32
      %dma_start3A_82 = tpu.memref_slice %arg10[%dma_start3A_80, %dma_start3A_81] : memref<128x128xf32, #tpu.memory_space<vmem>> -> memref<128x128xf32, #tpu.memory_space<vmem>>
      %dma_start3A_83 = arith.constant 0 : i32
      %dma_start3A_84 = tpu.memref_slice %arg12[%add3A_68, %dma_start3A_83] : memref<10000x128xf32, #tpu.memory_space<vmem_shared>> -> memref<128x128xf32, #tpu.memory_space<vmem_shared>>
      %dma_start3A_85 = arith.constant 0 : i32
      %dma_start3A_86 = arith.constant 0 : i32
      %dma_start3A_87 = tpu.memref_slice %arg10[%dma_start3A_85, %dma_start3A_86] : memref<128x128xf32, #tpu.memory_space<vmem>> -> memref<128x128xf32, #tpu.memory_space<vmem>>
      %dma_start3A_88 = arith.constant 0 : i32
      %dma_start3A_89 = tpu.memref_slice %arg12[%add3A_68, %dma_start3A_88] : memref<10000x128xf32, #tpu.memory_space<vmem_shared>> -> memref<128x128xf32, #tpu.memory_space<vmem_shared>>
      tpu.enqueue_dma source(%dma_start3A_89 : memref<128x128xf32, #tpu.memory_space<vmem_shared>>) target(%dma_start3A_87 : memref<128x128xf32, #tpu.memory_space<vmem>>) target_semaphore(%run_scoped3A : memref<!tpu.dma_semaphore, #tpu.memory_space<semaphore_mem>>)
      %dma_wait3A_90 = arith.constant 0 : i32
      %dma_wait3A_91 = arith.constant 0 : i32
      %dma_wait3A_92 = tpu.memref_slice %arg10[%dma_wait3A_90, %dma_wait3A_91] : memref<128x128xf32, #tpu.memory_space<vmem>> -> memref<128x128xf32, #tpu.memory_space<vmem>>
      %dma_wait3A_93 = arith.constant 0 : i32
      %dma_wait3A_94 = tpu.memref_slice %arg12[%add3A_68, %dma_wait3A_93] : memref<10000x128xf32, #tpu.memory_space<vmem_shared>> -> memref<128x128xf32, #tpu.memory_space<vmem_shared>>
      %dma_wait3A_95 = arith.constant 0 : i32
      %dma_wait3A_96 = arith.constant 0 : i32
      %dma_wait3A_97 = tpu.memref_slice %arg10[%dma_wait3A_95, %dma_wait3A_96] : memref<128x128xf32, #tpu.memory_space<vmem>> -> memref<128x128xf32, #tpu.memory_space<vmem>>
      %dma_wait3A_98 = arith.constant 0 : i32
      %dma_wait3A_99 = tpu.memref_slice %arg12[%add3A_68, %dma_wait3A_98] : memref<10000x128xf32, #tpu.memory_space<vmem_shared>> -> memref<128x128xf32, #tpu.memory_space<vmem_shared>>
      tpu.wait_dma2 semaphore(%run_scoped3A : memref<!tpu.dma_semaphore, #tpu.memory_space<semaphore_mem>>) src(%dma_wait3A_99 : memref<128x128xf32, #tpu.memory_space<vmem_shared>>) dst(%dma_wait3A_97 : memref<128x128xf32, #tpu.memory_space<vmem>>)
      tpu.yield
    }) : () -> ()
    "tpu.region"() ({
      %run_scoped3A = tpu.sem_alloc : memref<!tpu.dma_semaphore, #tpu.memory_space<semaphore_mem>>
      %dma_start3A_80 = arith.constant 0 : i32
      %dma_start3A_81 = arith.constant 0 : i32
      %dma_start3A_82 = tpu.memref_slice %arg10[%dma_start3A_80, %dma_start3A_81] : memref<128x128xf32, #tpu.memory_space<vmem>> -> memref<128x128xf32, #tpu.memory_space<vmem>>
      %dma_start3A_83 = arith.constant 0 : i32
      %dma_start3A_84 = tpu.memref_slice %arg5[%arg0, %add3A_68, %dma_start3A_83] : memref<2x10000x128xf32, #tpu.memory_space<hbm>> -> memref<1x128x128xf32, #tpu.memory_space<hbm>>
      %dma_start3A_85 = tpu.memref_squeeze %dma_start3A_84 : memref<1x128x128xf32, #tpu.memory_space<hbm>> -> memref<128x128xf32, #tpu.memory_space<hbm>>
      %dma_start3A_86 = arith.constant 0 : i32
      %dma_start3A_87 = tpu.memref_slice %arg5[%arg0, %add3A_68, %dma_start3A_86] : memref<2x10000x128xf32, #tpu.memory_space<hbm>> -> memref<1x128x128xf32, #tpu.memory_space<hbm>>
      %dma_start3A_88 = tpu.memref_squeeze %dma_start3A_87 : memref<1x128x128xf32, #tpu.memory_space<hbm>> -> memref<128x128xf32, #tpu.memory_space<hbm>>
      %dma_start3A_89 = arith.constant 0 : i32
      %dma_start3A_90 = arith.constant 0 : i32
      %dma_start3A_91 = tpu.memref_slice %arg10[%dma_start3A_89, %dma_start3A_90] : memref<128x128xf32, #tpu.memory_space<vmem>> -> memref<128x128xf32, #tpu.memory_space<vmem>>
      tpu.enqueue_dma source(%dma_start3A_91 : memref<128x128xf32, #tpu.memory_space<vmem>>) target(%dma_start3A_88 : memref<128x128xf32, #tpu.memory_space<hbm>>) target_semaphore(%run_scoped3A : memref<!tpu.dma_semaphore, #tpu.memory_space<semaphore_mem>>)
      %dma_wait3A_92 = arith.constant 0 : i32
      %dma_wait3A_93 = arith.constant 0 : i32
      %dma_wait3A_94 = tpu.memref_slice %arg10[%dma_wait3A_92, %dma_wait3A_93] : memref<128x128xf32, #tpu.memory_space<vmem>> -> memref<128x128xf32, #tpu.memory_space<vmem>>
      %dma_wait3A_95 = arith.constant 0 : i32
      %dma_wait3A_96 = tpu.memref_slice %arg5[%arg0, %add3A_68, %dma_wait3A_95] : memref<2x10000x128xf32, #tpu.memory_space<hbm>> -> memref<1x128x128xf32, #tpu.memory_space<hbm>>
      %dma_wait3A_97 = tpu.memref_squeeze %dma_wait3A_96 : memref<1x128x128xf32, #tpu.memory_space<hbm>> -> memref<128x128xf32, #tpu.memory_space<hbm>>
      %dma_wait3A_98 = arith.constant 0 : i32
      %dma_wait3A_99 = tpu.memref_slice %arg5[%arg0, %add3A_68, %dma_wait3A_98] : memref<2x10000x128xf32, #tpu.memory_space<hbm>> -> memref<1x128x128xf32, #tpu.memory_space<hbm>>
      %dma_wait3A_100 = tpu.memref_squeeze %dma_wait3A_99 : memref<1x128x128xf32, #tpu.memory_space<hbm>> -> memref<128x128xf32, #tpu.memory_space<hbm>>
      %dma_wait3A_101 = arith.constant 0 : i32
      %dma_wait3A_102 = arith.constant 0 : i32
      %dma_wait3A_103 = tpu.memref_slice %arg10[%dma_wait3A_101, %dma_wait3A_102] : memref<128x128xf32, #tpu.memory_space<vmem>> -> memref<128x128xf32, #tpu.memory_space<vmem>>
      tpu.wait_dma2 semaphore(%run_scoped3A : memref<!tpu.dma_semaphore, #tpu.memory_space<semaphore_mem>>) src(%dma_wait3A_103 : memref<128x128xf32, #tpu.memory_space<vmem>>) dst(%dma_wait3A_100 : memref<128x128xf32, #tpu.memory_space<hbm>>)
      tpu.yield
    }) : () -> ()
    %add3A_69 = arith.constant 256 : i32
    %add3A_70 = arith.addi %mul3A_2, %add3A_69 : i32
    "tpu.region"() ({
      %run_scoped3A = tpu.sem_alloc : memref<!tpu.dma_semaphore, #tpu.memory_space<semaphore_mem>>
      %dma_start3A_80 = arith.constant 0 : i32
      %dma_start3A_81 = arith.constant 0 : i32
      %dma_start3A_82 = tpu.memref_slice %arg10[%dma_start3A_80, %dma_start3A_81] : memref<128x128xf32, #tpu.memory_space<vmem>> -> memref<128x128xf32, #tpu.memory_space<vmem>>
      %dma_start3A_83 = arith.constant 0 : i32
      %dma_start3A_84 = tpu.memref_slice %arg12[%add3A_70, %dma_start3A_83] : memref<10000x128xf32, #tpu.memory_space<vmem_shared>> -> memref<128x128xf32, #tpu.memory_space<vmem_shared>>
      %dma_start3A_85 = arith.constant 0 : i32
      %dma_start3A_86 = arith.constant 0 : i32
      %dma_start3A_87 = tpu.memref_slice %arg10[%dma_start3A_85, %dma_start3A_86] : memref<128x128xf32, #tpu.memory_space<vmem>> -> memref<128x128xf32, #tpu.memory_space<vmem>>
      %dma_start3A_88 = arith.constant 0 : i32
      %dma_start3A_89 = tpu.memref_slice %arg12[%add3A_70, %dma_start3A_88] : memref<10000x128xf32, #tpu.memory_space<vmem_shared>> -> memref<128x128xf32, #tpu.memory_space<vmem_shared>>
      tpu.enqueue_dma source(%dma_start3A_89 : memref<128x128xf32, #tpu.memory_space<vmem_shared>>) target(%dma_start3A_87 : memref<128x128xf32, #tpu.memory_space<vmem>>) target_semaphore(%run_scoped3A : memref<!tpu.dma_semaphore, #tpu.memory_space<semaphore_mem>>)
      %dma_wait3A_90 = arith.constant 0 : i32
      %dma_wait3A_91 = arith.constant 0 : i32
      %dma_wait3A_92 = tpu.memref_slice %arg10[%dma_wait3A_90, %dma_wait3A_91] : memref<128x128xf32, #tpu.memory_space<vmem>> -> memref<128x128xf32, #tpu.memory_space<vmem>>
      %dma_wait3A_93 = arith.constant 0 : i32
      %dma_wait3A_94 = tpu.memref_slice %arg12[%add3A_70, %dma_wait3A_93] : memref<10000x128xf32, #tpu.memory_space<vmem_shared>> -> memref<128x128xf32, #tpu.memory_space<vmem_shared>>
      %dma_wait3A_95 = arith.constant 0 : i32
      %dma_wait3A_96 = arith.constant 0 : i32
      %dma_wait3A_97 = tpu.memref_slice %arg10[%dma_wait3A_95, %dma_wait3A_96] : memref<128x128xf32, #tpu.memory_space<vmem>> -> memref<128x128xf32, #tpu.memory_space<vmem>>
      %dma_wait3A_98 = arith.constant 0 : i32
      %dma_wait3A_99 = tpu.memref_slice %arg12[%add3A_70, %dma_wait3A_98] : memref<10000x128xf32, #tpu.memory_space<vmem_shared>> -> memref<128x128xf32, #tpu.memory_space<vmem_shared>>
      tpu.wait_dma2 semaphore(%run_scoped3A : memref<!tpu.dma_semaphore, #tpu.memory_space<semaphore_mem>>) src(%dma_wait3A_99 : memref<128x128xf32, #tpu.memory_space<vmem_shared>>) dst(%dma_wait3A_97 : memref<128x128xf32, #tpu.memory_space<vmem>>)
      tpu.yield
    }) : () -> ()
    "tpu.region"() ({
      %run_scoped3A = tpu.sem_alloc : memref<!tpu.dma_semaphore, #tpu.memory_space<semaphore_mem>>
      %dma_start3A_80 = arith.constant 0 : i32
      %dma_start3A_81 = arith.constant 0 : i32
      %dma_start3A_82 = tpu.memref_slice %arg10[%dma_start3A_80, %dma_start3A_81] : memref<128x128xf32, #tpu.memory_space<vmem>> -> memref<128x128xf32, #tpu.memory_space<vmem>>
      %dma_start3A_83 = arith.constant 0 : i32
      %dma_start3A_84 = tpu.memref_slice %arg5[%arg0, %add3A_70, %dma_start3A_83] : memref<2x10000x128xf32, #tpu.memory_space<hbm>> -> memref<1x128x128xf32, #tpu.memory_space<hbm>>
      %dma_start3A_85 = tpu.memref_squeeze %dma_start3A_84 : memref<1x128x128xf32, #tpu.memory_space<hbm>> -> memref<128x128xf32, #tpu.memory_space<hbm>>
      %dma_start3A_86 = arith.constant 0 : i32
      %dma_start3A_87 = tpu.memref_slice %arg5[%arg0, %add3A_70, %dma_start3A_86] : memref<2x10000x128xf32, #tpu.memory_space<hbm>> -> memref<1x128x128xf32, #tpu.memory_space<hbm>>
      %dma_start3A_88 = tpu.memref_squeeze %dma_start3A_87 : memref<1x128x128xf32, #tpu.memory_space<hbm>> -> memref<128x128xf32, #tpu.memory_space<hbm>>
      %dma_start3A_89 = arith.constant 0 : i32
      %dma_start3A_90 = arith.constant 0 : i32
      %dma_start3A_91 = tpu.memref_slice %arg10[%dma_start3A_89, %dma_start3A_90] : memref<128x128xf32, #tpu.memory_space<vmem>> -> memref<128x128xf32, #tpu.memory_space<vmem>>
      tpu.enqueue_dma source(%dma_start3A_91 : memref<128x128xf32, #tpu.memory_space<vmem>>) target(%dma_start3A_88 : memref<128x128xf32, #tpu.memory_space<hbm>>) target_semaphore(%run_scoped3A : memref<!tpu.dma_semaphore, #tpu.memory_space<semaphore_mem>>)
      %dma_wait3A_92 = arith.constant 0 : i32
      %dma_wait3A_93 = arith.constant 0 : i32
      %dma_wait3A_94 = tpu.memref_slice %arg10[%dma_wait3A_92, %dma_wait3A_93] : memref<128x128xf32, #tpu.memory_space<vmem>> -> memref<128x128xf32, #tpu.memory_space<vmem>>
      %dma_wait3A_95 = arith.constant 0 : i32
      %dma_wait3A_96 = tpu.memref_slice %arg5[%arg0, %add3A_70, %dma_wait3A_95] : memref<2x10000x128xf32, #tpu.memory_space<hbm>> -> memref<1x128x128xf32, #tpu.memory_space<hbm>>
      %dma_wait3A_97 = tpu.memref_squeeze %dma_wait3A_96 : memref<1x128x128xf32, #tpu.memory_space<hbm>> -> memref<128x128xf32, #tpu.memory_space<hbm>>
      %dma_wait3A_98 = arith.constant 0 : i32
      %dma_wait3A_99 = tpu.memref_slice %arg5[%arg0, %add3A_70, %dma_wait3A_98] : memref<2x10000x128xf32, #tpu.memory_space<hbm>> -> memref<1x128x128xf32, #tpu.memory_space<hbm>>
      %dma_wait3A_100 = tpu.memref_squeeze %dma_wait3A_99 : memref<1x128x128xf32, #tpu.memory_space<hbm>> -> memref<128x128xf32, #tpu.memory_space<hbm>>
      %dma_wait3A_101 = arith.constant 0 : i32
      %dma_wait3A_102 = arith.constant 0 : i32
      %dma_wait3A_103 = tpu.memref_slice %arg10[%dma_wait3A_101, %dma_wait3A_102] : memref<128x128xf32, #tpu.memory_space<vmem>> -> memref<128x128xf32, #tpu.memory_space<vmem>>
      tpu.wait_dma2 semaphore(%run_scoped3A : memref<!tpu.dma_semaphore, #tpu.memory_space<semaphore_mem>>) src(%dma_wait3A_103 : memref<128x128xf32, #tpu.memory_space<vmem>>) dst(%dma_wait3A_100 : memref<128x128xf32, #tpu.memory_space<hbm>>)
      tpu.yield
    }) : () -> ()
    %add3A_71 = arith.constant 384 : i32
    %add3A_72 = arith.addi %mul3A_2, %add3A_71 : i32
    "tpu.region"() ({
      %run_scoped3A = tpu.sem_alloc : memref<!tpu.dma_semaphore, #tpu.memory_space<semaphore_mem>>
      %dma_start3A_80 = arith.constant 0 : i32
      %dma_start3A_81 = arith.constant 0 : i32
      %dma_start3A_82 = tpu.memref_slice %arg10[%dma_start3A_80, %dma_start3A_81] : memref<128x128xf32, #tpu.memory_space<vmem>> -> memref<128x128xf32, #tpu.memory_space<vmem>>
      %dma_start3A_83 = arith.constant 0 : i32
      %dma_start3A_84 = tpu.memref_slice %arg12[%add3A_72, %dma_start3A_83] : memref<10000x128xf32, #tpu.memory_space<vmem_shared>> -> memref<128x128xf32, #tpu.memory_space<vmem_shared>>
      %dma_start3A_85 = arith.constant 0 : i32
      %dma_start3A_86 = arith.constant 0 : i32
      %dma_start3A_87 = tpu.memref_slice %arg10[%dma_start3A_85, %dma_start3A_86] : memref<128x128xf32, #tpu.memory_space<vmem>> -> memref<128x128xf32, #tpu.memory_space<vmem>>
      %dma_start3A_88 = arith.constant 0 : i32
      %dma_start3A_89 = tpu.memref_slice %arg12[%add3A_72, %dma_start3A_88] : memref<10000x128xf32, #tpu.memory_space<vmem_shared>> -> memref<128x128xf32, #tpu.memory_space<vmem_shared>>
      tpu.enqueue_dma source(%dma_start3A_89 : memref<128x128xf32, #tpu.memory_space<vmem_shared>>) target(%dma_start3A_87 : memref<128x128xf32, #tpu.memory_space<vmem>>) target_semaphore(%run_scoped3A : memref<!tpu.dma_semaphore, #tpu.memory_space<semaphore_mem>>)
      %dma_wait3A_90 = arith.constant 0 : i32
      %dma_wait3A_91 = arith.constant 0 : i32
      %dma_wait3A_92 = tpu.memref_slice %arg10[%dma_wait3A_90, %dma_wait3A_91] : memref<128x128xf32, #tpu.memory_space<vmem>> -> memref<128x128xf32, #tpu.memory_space<vmem>>
      %dma_wait3A_93 = arith.constant 0 : i32
      %dma_wait3A_94 = tpu.memref_slice %arg12[%add3A_72, %dma_wait3A_93] : memref<10000x128xf32, #tpu.memory_space<vmem_shared>> -> memref<128x128xf32, #tpu.memory_space<vmem_shared>>
      %dma_wait3A_95 = arith.constant 0 : i32
      %dma_wait3A_96 = arith.constant 0 : i32
      %dma_wait3A_97 = tpu.memref_slice %arg10[%dma_wait3A_95, %dma_wait3A_96] : memref<128x128xf32, #tpu.memory_space<vmem>> -> memref<128x128xf32, #tpu.memory_space<vmem>>
      %dma_wait3A_98 = arith.constant 0 : i32
      %dma_wait3A_99 = tpu.memref_slice %arg12[%add3A_72, %dma_wait3A_98] : memref<10000x128xf32, #tpu.memory_space<vmem_shared>> -> memref<128x128xf32, #tpu.memory_space<vmem_shared>>
      tpu.wait_dma2 semaphore(%run_scoped3A : memref<!tpu.dma_semaphore, #tpu.memory_space<semaphore_mem>>) src(%dma_wait3A_99 : memref<128x128xf32, #tpu.memory_space<vmem_shared>>) dst(%dma_wait3A_97 : memref<128x128xf32, #tpu.memory_space<vmem>>)
      tpu.yield
    }) : () -> ()
    "tpu.region"() ({
      %run_scoped3A = tpu.sem_alloc : memref<!tpu.dma_semaphore, #tpu.memory_space<semaphore_mem>>
      %dma_start3A_80 = arith.constant 0 : i32
      %dma_start3A_81 = arith.constant 0 : i32
      %dma_start3A_82 = tpu.memref_slice %arg10[%dma_start3A_80, %dma_start3A_81] : memref<128x128xf32, #tpu.memory_space<vmem>> -> memref<128x128xf32, #tpu.memory_space<vmem>>
      %dma_start3A_83 = arith.constant 0 : i32
      %dma_start3A_84 = tpu.memref_slice %arg5[%arg0, %add3A_72, %dma_start3A_83] : memref<2x10000x128xf32, #tpu.memory_space<hbm>> -> memref<1x128x128xf32, #tpu.memory_space<hbm>>
      %dma_start3A_85 = tpu.memref_squeeze %dma_start3A_84 : memref<1x128x128xf32, #tpu.memory_space<hbm>> -> memref<128x128xf32, #tpu.memory_space<hbm>>
      %dma_start3A_86 = arith.constant 0 : i32
      %dma_start3A_87 = tpu.memref_slice %arg5[%arg0, %add3A_72, %dma_start3A_86] : memref<2x10000x128xf32, #tpu.memory_space<hbm>> -> memref<1x128x128xf32, #tpu.memory_space<hbm>>
      %dma_start3A_88 = tpu.memref_squeeze %dma_start3A_87 : memref<1x128x128xf32, #tpu.memory_space<hbm>> -> memref<128x128xf32, #tpu.memory_space<hbm>>
      %dma_start3A_89 = arith.constant 0 : i32
      %dma_start3A_90 = arith.constant 0 : i32
      %dma_start3A_91 = tpu.memref_slice %arg10[%dma_start3A_89, %dma_start3A_90] : memref<128x128xf32, #tpu.memory_space<vmem>> -> memref<128x128xf32, #tpu.memory_space<vmem>>
      tpu.enqueue_dma source(%dma_start3A_91 : memref<128x128xf32, #tpu.memory_space<vmem>>) target(%dma_start3A_88 : memref<128x128xf32, #tpu.memory_space<hbm>>) target_semaphore(%run_scoped3A : memref<!tpu.dma_semaphore, #tpu.memory_space<semaphore_mem>>)
      %dma_wait3A_92 = arith.constant 0 : i32
      %dma_wait3A_93 = arith.constant 0 : i32
      %dma_wait3A_94 = tpu.memref_slice %arg10[%dma_wait3A_92, %dma_wait3A_93] : memref<128x128xf32, #tpu.memory_space<vmem>> -> memref<128x128xf32, #tpu.memory_space<vmem>>
      %dma_wait3A_95 = arith.constant 0 : i32
      %dma_wait3A_96 = tpu.memref_slice %arg5[%arg0, %add3A_72, %dma_wait3A_95] : memref<2x10000x128xf32, #tpu.memory_space<hbm>> -> memref<1x128x128xf32, #tpu.memory_space<hbm>>
      %dma_wait3A_97 = tpu.memref_squeeze %dma_wait3A_96 : memref<1x128x128xf32, #tpu.memory_space<hbm>> -> memref<128x128xf32, #tpu.memory_space<hbm>>
      %dma_wait3A_98 = arith.constant 0 : i32
      %dma_wait3A_99 = tpu.memref_slice %arg5[%arg0, %add3A_72, %dma_wait3A_98] : memref<2x10000x128xf32, #tpu.memory_space<hbm>> -> memref<1x128x128xf32, #tpu.memory_space<hbm>>
      %dma_wait3A_100 = tpu.memref_squeeze %dma_wait3A_99 : memref<1x128x128xf32, #tpu.memory_space<hbm>> -> memref<128x128xf32, #tpu.memory_space<hbm>>
      %dma_wait3A_101 = arith.constant 0 : i32
      %dma_wait3A_102 = arith.constant 0 : i32
      %dma_wait3A_103 = tpu.memref_slice %arg10[%dma_wait3A_101, %dma_wait3A_102] : memref<128x128xf32, #tpu.memory_space<vmem>> -> memref<128x128xf32, #tpu.memory_space<vmem>>
      tpu.wait_dma2 semaphore(%run_scoped3A : memref<!tpu.dma_semaphore, #tpu.memory_space<semaphore_mem>>) src(%dma_wait3A_103 : memref<128x128xf32, #tpu.memory_space<vmem>>) dst(%dma_wait3A_100 : memref<128x128xf32, #tpu.memory_space<hbm>>)
      tpu.yield
    }) : () -> ()
    %add3A_73 = arith.constant 512 : i32
    %add3A_74 = arith.addi %mul3A_2, %add3A_73 : i32
    "tpu.region"() ({
      %run_scoped3A = tpu.sem_alloc : memref<!tpu.dma_semaphore, #tpu.memory_space<semaphore_mem>>
      %dma_start3A_80 = arith.constant 0 : i32
      %dma_start3A_81 = arith.constant 0 : i32
      %dma_start3A_82 = tpu.memref_slice %arg10[%dma_start3A_80, %dma_start3A_81] : memref<128x128xf32, #tpu.memory_space<vmem>> -> memref<112x128xf32, #tpu.memory_space<vmem>>
      %dma_start3A_83 = arith.constant 0 : i32
      %dma_start3A_84 = tpu.memref_slice %arg12[%add3A_74, %dma_start3A_83] : memref<10000x128xf32, #tpu.memory_space<vmem_shared>> -> memref<112x128xf32, #tpu.memory_space<vmem_shared>>
      %dma_start3A_85 = arith.constant 0 : i32
      %dma_start3A_86 = arith.constant 0 : i32
      %dma_start3A_87 = tpu.memref_slice %arg10[%dma_start3A_85, %dma_start3A_86] : memref<128x128xf32, #tpu.memory_space<vmem>> -> memref<112x128xf32, #tpu.memory_space<vmem>>
      %dma_start3A_88 = arith.constant 0 : i32
      %dma_start3A_89 = tpu.memref_slice %arg12[%add3A_74, %dma_start3A_88] : memref<10000x128xf32, #tpu.memory_space<vmem_shared>> -> memref<112x128xf32, #tpu.memory_space<vmem_shared>>
      tpu.enqueue_dma source(%dma_start3A_89 : memref<112x128xf32, #tpu.memory_space<vmem_shared>>) target(%dma_start3A_87 : memref<112x128xf32, #tpu.memory_space<vmem>>) target_semaphore(%run_scoped3A : memref<!tpu.dma_semaphore, #tpu.memory_space<semaphore_mem>>)
      %dma_wait3A_90 = arith.constant 0 : i32
      %dma_wait3A_91 = arith.constant 0 : i32
      %dma_wait3A_92 = tpu.memref_slice %arg10[%dma_wait3A_90, %dma_wait3A_91] : memref<128x128xf32, #tpu.memory_space<vmem>> -> memref<112x128xf32, #tpu.memory_space<vmem>>
      %dma_wait3A_93 = arith.constant 0 : i32
      %dma_wait3A_94 = tpu.memref_slice %arg12[%add3A_74, %dma_wait3A_93] : memref<10000x128xf32, #tpu.memory_space<vmem_shared>> -> memref<112x128xf32, #tpu.memory_space<vmem_shared>>
      %dma_wait3A_95 = arith.constant 0 : i32
      %dma_wait3A_96 = arith.constant 0 : i32
      %dma_wait3A_97 = tpu.memref_slice %arg10[%dma_wait3A_95, %dma_wait3A_96] : memref<128x128xf32, #tpu.memory_space<vmem>> -> memref<112x128xf32, #tpu.memory_space<vmem>>
      %dma_wait3A_98 = arith.constant 0 : i32
      %dma_wait3A_99 = tpu.memref_slice %arg12[%add3A_74, %dma_wait3A_98] : memref<10000x128xf32, #tpu.memory_space<vmem_shared>> -> memref<112x128xf32, #tpu.memory_space<vmem_shared>>
      tpu.wait_dma2 semaphore(%run_scoped3A : memref<!tpu.dma_semaphore, #tpu.memory_space<semaphore_mem>>) src(%dma_wait3A_99 : memref<112x128xf32, #tpu.memory_space<vmem_shared>>) dst(%dma_wait3A_97 : memref<112x128xf32, #tpu.memory_space<vmem>>)
      tpu.yield
    }) : () -> ()
    "tpu.region"() ({
      %run_scoped3A = tpu.sem_alloc : memref<!tpu.dma_semaphore, #tpu.memory_space<semaphore_mem>>
      %dma_start3A_80 = arith.constant 0 : i32
      %dma_start3A_81 = arith.constant 0 : i32
      %dma_start3A_82 = tpu.memref_slice %arg10[%dma_start3A_80, %dma_start3A_81] : memref<128x128xf32, #tpu.memory_space<vmem>> -> memref<112x128xf32, #tpu.memory_space<vmem>>
      %dma_start3A_83 = arith.constant 0 : i32
      %dma_start3A_84 = tpu.memref_slice %arg5[%arg0, %add3A_74, %dma_start3A_83] : memref<2x10000x128xf32, #tpu.memory_space<hbm>> -> memref<1x112x128xf32, #tpu.memory_space<hbm>>
      %dma_start3A_85 = tpu.memref_squeeze %dma_start3A_84 : memref<1x112x128xf32, #tpu.memory_space<hbm>> -> memref<112x128xf32, #tpu.memory_space<hbm>>
      %dma_start3A_86 = arith.constant 0 : i32
      %dma_start3A_87 = tpu.memref_slice %arg5[%arg0, %add3A_74, %dma_start3A_86] : memref<2x10000x128xf32, #tpu.memory_space<hbm>> -> memref<1x112x128xf32, #tpu.memory_space<hbm>>
      %dma_start3A_88 = tpu.memref_squeeze %dma_start3A_87 : memref<1x112x128xf32, #tpu.memory_space<hbm>> -> memref<112x128xf32, #tpu.memory_space<hbm>>
      %dma_start3A_89 = arith.constant 0 : i32
      %dma_start3A_90 = arith.constant 0 : i32
      %dma_start3A_91 = tpu.memref_slice %arg10[%dma_start3A_89, %dma_start3A_90] : memref<128x128xf32, #tpu.memory_space<vmem>> -> memref<112x128xf32, #tpu.memory_space<vmem>>
      tpu.enqueue_dma source(%dma_start3A_91 : memref<112x128xf32, #tpu.memory_space<vmem>>) target(%dma_start3A_88 : memref<112x128xf32, #tpu.memory_space<hbm>>) target_semaphore(%run_scoped3A : memref<!tpu.dma_semaphore, #tpu.memory_space<semaphore_mem>>)
      %dma_wait3A_92 = arith.constant 0 : i32
      %dma_wait3A_93 = arith.constant 0 : i32
      %dma_wait3A_94 = tpu.memref_slice %arg10[%dma_wait3A_92, %dma_wait3A_93] : memref<128x128xf32, #tpu.memory_space<vmem>> -> memref<112x128xf32, #tpu.memory_space<vmem>>
      %dma_wait3A_95 = arith.constant 0 : i32
      %dma_wait3A_96 = tpu.memref_slice %arg5[%arg0, %add3A_74, %dma_wait3A_95] : memref<2x10000x128xf32, #tpu.memory_space<hbm>> -> memref<1x112x128xf32, #tpu.memory_space<hbm>>
      %dma_wait3A_97 = tpu.memref_squeeze %dma_wait3A_96 : memref<1x112x128xf32, #tpu.memory_space<hbm>> -> memref<112x128xf32, #tpu.memory_space<hbm>>
      %dma_wait3A_98 = arith.constant 0 : i32
      %dma_wait3A_99 = tpu.memref_slice %arg5[%arg0, %add3A_74, %dma_wait3A_98] : memref<2x10000x128xf32, #tpu.memory_space<hbm>> -> memref<1x112x128xf32, #tpu.memory_space<hbm>>
      %dma_wait3A_100 = tpu.memref_squeeze %dma_wait3A_99 : memref<1x112x128xf32, #tpu.memory_space<hbm>> -> memref<112x128xf32, #tpu.memory_space<hbm>>
      %dma_wait3A_101 = arith.constant 0 : i32
      %dma_wait3A_102 = arith.constant 0 : i32
      %dma_wait3A_103 = tpu.memref_slice %arg10[%dma_wait3A_101, %dma_wait3A_102] : memref<128x128xf32, #tpu.memory_space<vmem>> -> memref<112x128xf32, #tpu.memory_space<vmem>>
      tpu.wait_dma2 semaphore(%run_scoped3A : memref<!tpu.dma_semaphore, #tpu.memory_space<semaphore_mem>>) src(%dma_wait3A_103 : memref<112x128xf32, #tpu.memory_space<vmem>>) dst(%dma_wait3A_100 : memref<112x128xf32, #tpu.memory_space<hbm>>)
      tpu.yield
    }) : () -> ()
    %eq3A_75 = arith.constant 0 : i32
    %eq3A_76 = arith.cmpi eq, %arg1, %eq3A_75 : i32
    %convert_element_type3A_77 = arith.extui %eq3A_76 : i1 to i32
    %cond3A_78 = arith.constant 0 : i32
    %cond3A_79 = arith.cmpi ne, %convert_element_type3A_77, %cond3A_78 : i32
    scf.if %cond3A_79 {
      "tpu.region"() ({
        %run_scoped3A = tpu.sem_alloc : memref<!tpu.dma_semaphore, #tpu.memory_space<semaphore_mem>>
        %dma_start3A_80 = arith.constant 0 : i32
        %dma_start3A_81 = arith.constant 0 : i32
        %dma_start3A_82 = tpu.memref_slice %arg10[%dma_start3A_80, %dma_start3A_81] : memref<128x128xf32, #tpu.memory_space<vmem>> -> memref<16x128xf32, #tpu.memory_space<vmem>>
        %dma_start3A_83 = arith.constant 9984 : i32
        %dma_start3A_84 = arith.constant 0 : i32
        %dma_start3A_85 = tpu.memref_slice %arg12[%dma_start3A_83, %dma_start3A_84] : memref<10000x128xf32, #tpu.memory_space<vmem_shared>> -> memref<16x128xf32, #tpu.memory_space<vmem_shared>>
        %dma_start3A_86 = arith.constant 0 : i32
        %dma_start3A_87 = arith.constant 0 : i32
        %dma_start3A_88 = tpu.memref_slice %arg10[%dma_start3A_86, %dma_start3A_87] : memref<128x128xf32, #tpu.memory_space<vmem>> -> memref<16x128xf32, #tpu.memory_space<vmem>>
        %dma_start3A_89 = arith.constant 9984 : i32
        %dma_start3A_90 = arith.constant 0 : i32
        %dma_start3A_91 = tpu.memref_slice %arg12[%dma_start3A_89, %dma_start3A_90] : memref<10000x128xf32, #tpu.memory_space<vmem_shared>> -> memref<16x128xf32, #tpu.memory_space<vmem_shared>>
        tpu.enqueue_dma source(%dma_start3A_91 : memref<16x128xf32, #tpu.memory_space<vmem_shared>>) target(%dma_start3A_88 : memref<16x128xf32, #tpu.memory_space<vmem>>) target_semaphore(%run_scoped3A : memref<!tpu.dma_semaphore, #tpu.memory_space<semaphore_mem>>)
        %dma_wait3A_92 = arith.constant 0 : i32
        %dma_wait3A_93 = arith.constant 0 : i32
        %dma_wait3A_94 = tpu.memref_slice %arg10[%dma_wait3A_92, %dma_wait3A_93] : memref<128x128xf32, #tpu.memory_space<vmem>> -> memref<16x128xf32, #tpu.memory_space<vmem>>
        %dma_wait3A_95 = arith.constant 9984 : i32
        %dma_wait3A_96 = arith.constant 0 : i32
        %dma_wait3A_97 = tpu.memref_slice %arg12[%dma_wait3A_95, %dma_wait3A_96] : memref<10000x128xf32, #tpu.memory_space<vmem_shared>> -> memref<16x128xf32, #tpu.memory_space<vmem_shared>>
        %dma_wait3A_98 = arith.constant 0 : i32
        %dma_wait3A_99 = arith.constant 0 : i32
        %dma_wait3A_100 = tpu.memref_slice %arg10[%dma_wait3A_98, %dma_wait3A_99] : memref<128x128xf32, #tpu.memory_space<vmem>> -> memref<16x128xf32, #tpu.memory_space<vmem>>
        %dma_wait3A_101 = arith.constant 9984 : i32
        %dma_wait3A_102 = arith.constant 0 : i32
        %dma_wait3A_103 = tpu.memref_slice %arg12[%dma_wait3A_101, %dma_wait3A_102] : memref<10000x128xf32, #tpu.memory_space<vmem_shared>> -> memref<16x128xf32, #tpu.memory_space<vmem_shared>>
        tpu.wait_dma2 semaphore(%run_scoped3A : memref<!tpu.dma_semaphore, #tpu.memory_space<semaphore_mem>>) src(%dma_wait3A_103 : memref<16x128xf32, #tpu.memory_space<vmem_shared>>) dst(%dma_wait3A_100 : memref<16x128xf32, #tpu.memory_space<vmem>>)
        tpu.yield
      }) : () -> ()
      "tpu.region"() ({
        %run_scoped3A = tpu.sem_alloc : memref<!tpu.dma_semaphore, #tpu.memory_space<semaphore_mem>>
        %dma_start3A_80 = arith.constant 0 : i32
        %dma_start3A_81 = arith.constant 0 : i32
        %dma_start3A_82 = tpu.memref_slice %arg10[%dma_start3A_80, %dma_start3A_81] : memref<128x128xf32, #tpu.memory_space<vmem>> -> memref<16x128xf32, #tpu.memory_space<vmem>>
        %dma_start3A_83 = arith.constant 9984 : i32
        %dma_start3A_84 = arith.constant 0 : i32
        %dma_start3A_85 = tpu.memref_slice %arg5[%arg0, %dma_start3A_83, %dma_start3A_84] : memref<2x10000x128xf32, #tpu.memory_space<hbm>> -> memref<1x16x128xf32, #tpu.memory_space<hbm>>
        %dma_start3A_86 = tpu.memref_squeeze %dma_start3A_85 : memref<1x16x128xf32, #tpu.memory_space<hbm>> -> memref<16x128xf32, #tpu.memory_space<hbm>>
        %dma_start3A_87 = arith.constant 9984 : i32
        %dma_start3A_88 = arith.constant 0 : i32
        %dma_start3A_89 = tpu.memref_slice %arg5[%arg0, %dma_start3A_87, %dma_start3A_88] : memref<2x10000x128xf32, #tpu.memory_space<hbm>> -> memref<1x16x128xf32, #tpu.memory_space<hbm>>
        %dma_start3A_90 = tpu.memref_squeeze %dma_start3A_89 : memref<1x16x128xf32, #tpu.memory_space<hbm>> -> memref<16x128xf32, #tpu.memory_space<hbm>>
        %dma_start3A_91 = arith.constant 0 : i32
        %dma_start3A_92 = arith.constant 0 : i32
        %dma_start3A_93 = tpu.memref_slice %arg10[%dma_start3A_91, %dma_start3A_92] : memref<128x128xf32, #tpu.memory_space<vmem>> -> memref<16x128xf32, #tpu.memory_space<vmem>>
        tpu.enqueue_dma source(%dma_start3A_93 : memref<16x128xf32, #tpu.memory_space<vmem>>) target(%dma_start3A_90 : memref<16x128xf32, #tpu.memory_space<hbm>>) target_semaphore(%run_scoped3A : memref<!tpu.dma_semaphore, #tpu.memory_space<semaphore_mem>>)
        %dma_wait3A_94 = arith.constant 0 : i32
        %dma_wait3A_95 = arith.constant 0 : i32
        %dma_wait3A_96 = tpu.memref_slice %arg10[%dma_wait3A_94, %dma_wait3A_95] : memref<128x128xf32, #tpu.memory_space<vmem>> -> memref<16x128xf32, #tpu.memory_space<vmem>>
        %dma_wait3A_97 = arith.constant 9984 : i32
        %dma_wait3A_98 = arith.constant 0 : i32
        %dma_wait3A_99 = tpu.memref_slice %arg5[%arg0, %dma_wait3A_97, %dma_wait3A_98] : memref<2x10000x128xf32, #tpu.memory_space<hbm>> -> memref<1x16x128xf32, #tpu.memory_space<hbm>>
        %dma_wait3A_100 = tpu.memref_squeeze %dma_wait3A_99 : memref<1x16x128xf32, #tpu.memory_space<hbm>> -> memref<16x128xf32, #tpu.memory_space<hbm>>
        %dma_wait3A_101 = arith.constant 9984 : i32
        %dma_wait3A_102 = arith.constant 0 : i32
        %dma_wait3A_103 = tpu.memref_slice %arg5[%arg0, %dma_wait3A_101, %dma_wait3A_102] : memref<2x10000x128xf32, #tpu.memory_space<hbm>> -> memref<1x16x128xf32, #tpu.memory_space<hbm>>
        %dma_wait3A_104 = tpu.memref_squeeze %dma_wait3A_103 : memref<1x16x128xf32, #tpu.memory_space<hbm>> -> memref<16x128xf32, #tpu.memory_space<hbm>>
        %dma_wait3A_105 = arith.constant 0 : i32
        %dma_wait3A_106 = arith.constant 0 : i32
        %dma_wait3A_107 = tpu.memref_slice %arg10[%dma_wait3A_105, %dma_wait3A_106] : memref<128x128xf32, #tpu.memory_space<vmem>> -> memref<16x128xf32, #tpu.memory_space<vmem>>
        tpu.wait_dma2 semaphore(%run_scoped3A : memref<!tpu.dma_semaphore, #tpu.memory_space<semaphore_mem>>) src(%dma_wait3A_107 : memref<16x128xf32, #tpu.memory_space<vmem>>) dst(%dma_wait3A_104 : memref<16x128xf32, #tpu.memory_space<hbm>>)
        tpu.yield
      }) : () -> ()
    } else {
    }
    return
  }
}

#map = affine_map<(d0, d1) -> (0, 0)>
#map1 = affine_map<(d0, d1) -> (0)>
#map2 = affine_map<(d0, d1) -> (0, 0, 0)>
module attributes {stable_mosaic.version = 14 : i64} {
  func.func @seg_sum(%arg0: i32, %arg1: i32, %arg2: memref<10000x128xf32, #tpu.memory_space<hbm>>, %arg3: memref<320000xi32, #tpu.memory_space<hbm>>, %arg4: memref<320000xi32, #tpu.memory_space<hbm>>, %arg5: memref<128x128xf32, #tpu.memory_space<hbm>>, %arg6: memref<2x10000x128xf32, #tpu.memory_space<hbm>>, %arg7: memref<128xi32, #tpu.memory_space<vmem>>, %arg8: memref<128xi32, #tpu.memory_space<vmem>>, %arg9: memref<128xi32, #tpu.memory_space<vmem>>, %arg10: memref<128xi32, #tpu.memory_space<vmem>>, %arg11: memref<128x128xf32, #tpu.memory_space<vmem>>, %arg12: memref<128x128xf32, #tpu.memory_space<vmem>>, %arg13: memref<16xi32, #tpu.memory_space<vmem>>, %arg14: memref<16xi32, #tpu.memory_space<vmem>>, %arg15: memref<10000x128xf32, #tpu.memory_space<vmem_shared>>, %arg16: memref<!tpu.dma_semaphore, #tpu.memory_space<semaphore_mem>>, %arg17: memref<!tpu.dma_semaphore, #tpu.memory_space<semaphore_mem>>, %arg18: memref<!tpu.dma_semaphore, #tpu.memory_space<semaphore_mem>>, %arg19: memref<!tpu.dma_semaphore, #tpu.memory_space<semaphore_mem>>) attributes {dimension_semantics = [#tpu.dimension_semantics<core_parallel>, #tpu.dimension_semantics<subcore_parallel>], iteration_bounds = array<i64: 2, 16>, scalar_prefetch = 0 : i64, scratch_operands = 13 : i64, tpu.core_type = #tpu.core_type<sc_vector_subcore>, window_params = [{transform_indices = #map}, {transform_indices = #map1}, {transform_indices = #map1}, {transform_indices = #map}, {transform_indices = #map2}]} {
    %mul3A = arith.constant 2 : i32
    %mul3A_0 = arith.muli %arg1, %mul3A : i32
    %add3A = arith.addi %mul3A_0, %arg0 : i32
    %mul3A_1 = arith.constant 624 : i32
    %mul3A_2 = arith.muli %arg1, %mul3A_1 : i32
    %mul3A_3 = arith.constant 10000 : i32
    %mul3A_4 = arith.muli %add3A, %mul3A_3 : i32
    "tpu.region"() ({
      %run_scoped3A = tpu.sem_alloc : memref<!tpu.dma_semaphore, #tpu.memory_space<semaphore_mem>>
      tpu.enqueue_dma source(%arg5 : memref<128x128xf32, #tpu.memory_space<hbm>>) target(%arg11 : memref<128x128xf32, #tpu.memory_space<vmem>>) target_semaphore(%run_scoped3A : memref<!tpu.dma_semaphore, #tpu.memory_space<semaphore_mem>>)
      tpu.wait_dma2 semaphore(%run_scoped3A : memref<!tpu.dma_semaphore, #tpu.memory_space<semaphore_mem>>) src(%arg5 : memref<128x128xf32, #tpu.memory_space<hbm>>) dst(%arg11 : memref<128x128xf32, #tpu.memory_space<vmem>>)
      tpu.yield
    }) : () -> ()
    %add3A_5 = arith.constant 0 : i32
    %add3A_6 = arith.addi %mul3A_2, %add3A_5 : i32
    "tpu.region"() ({
      %run_scoped3A = tpu.sem_alloc : memref<!tpu.dma_semaphore, #tpu.memory_space<semaphore_mem>>
      %dma_start3A_96 = arith.constant 0 : i32
      %dma_start3A_97 = tpu.memref_slice %arg15[%add3A_6, %dma_start3A_96] : memref<10000x128xf32, #tpu.memory_space<vmem_shared>> -> memref<128x128xf32, #tpu.memory_space<vmem_shared>>
      %dma_start3A_98 = arith.constant 0 : i32
      %dma_start3A_99 = tpu.memref_slice %arg15[%add3A_6, %dma_start3A_98] : memref<10000x128xf32, #tpu.memory_space<vmem_shared>> -> memref<128x128xf32, #tpu.memory_space<vmem_shared>>
      tpu.enqueue_dma source(%arg11 : memref<128x128xf32, #tpu.memory_space<vmem>>) target(%dma_start3A_99 : memref<128x128xf32, #tpu.memory_space<vmem_shared>>) target_semaphore(%run_scoped3A : memref<!tpu.dma_semaphore, #tpu.memory_space<semaphore_mem>>)
      %dma_wait3A_100 = arith.constant 0 : i32
      %dma_wait3A_101 = tpu.memref_slice %arg15[%add3A_6, %dma_wait3A_100] : memref<10000x128xf32, #tpu.memory_space<vmem_shared>> -> memref<128x128xf32, #tpu.memory_space<vmem_shared>>
      %dma_wait3A_102 = arith.constant 0 : i32
      %dma_wait3A_103 = tpu.memref_slice %arg15[%add3A_6, %dma_wait3A_102] : memref<10000x128xf32, #tpu.memory_space<vmem_shared>> -> memref<128x128xf32, #tpu.memory_space<vmem_shared>>
      tpu.wait_dma2 semaphore(%run_scoped3A : memref<!tpu.dma_semaphore, #tpu.memory_space<semaphore_mem>>) src(%arg11 : memref<128x128xf32, #tpu.memory_space<vmem>>) dst(%dma_wait3A_103 : memref<128x128xf32, #tpu.memory_space<vmem_shared>>)
      tpu.yield
    }) : () -> ()
    %add3A_7 = arith.constant 128 : i32
    %add3A_8 = arith.addi %mul3A_2, %add3A_7 : i32
    "tpu.region"() ({
      %run_scoped3A = tpu.sem_alloc : memref<!tpu.dma_semaphore, #tpu.memory_space<semaphore_mem>>
      %dma_start3A_96 = arith.constant 0 : i32
      %dma_start3A_97 = tpu.memref_slice %arg15[%add3A_8, %dma_start3A_96] : memref<10000x128xf32, #tpu.memory_space<vmem_shared>> -> memref<128x128xf32, #tpu.memory_space<vmem_shared>>
      %dma_start3A_98 = arith.constant 0 : i32
      %dma_start3A_99 = tpu.memref_slice %arg15[%add3A_8, %dma_start3A_98] : memref<10000x128xf32, #tpu.memory_space<vmem_shared>> -> memref<128x128xf32, #tpu.memory_space<vmem_shared>>
      tpu.enqueue_dma source(%arg11 : memref<128x128xf32, #tpu.memory_space<vmem>>) target(%dma_start3A_99 : memref<128x128xf32, #tpu.memory_space<vmem_shared>>) target_semaphore(%run_scoped3A : memref<!tpu.dma_semaphore, #tpu.memory_space<semaphore_mem>>)
      %dma_wait3A_100 = arith.constant 0 : i32
      %dma_wait3A_101 = tpu.memref_slice %arg15[%add3A_8, %dma_wait3A_100] : memref<10000x128xf32, #tpu.memory_space<vmem_shared>> -> memref<128x128xf32, #tpu.memory_space<vmem_shared>>
      %dma_wait3A_102 = arith.constant 0 : i32
      %dma_wait3A_103 = tpu.memref_slice %arg15[%add3A_8, %dma_wait3A_102] : memref<10000x128xf32, #tpu.memory_space<vmem_shared>> -> memref<128x128xf32, #tpu.memory_space<vmem_shared>>
      tpu.wait_dma2 semaphore(%run_scoped3A : memref<!tpu.dma_semaphore, #tpu.memory_space<semaphore_mem>>) src(%arg11 : memref<128x128xf32, #tpu.memory_space<vmem>>) dst(%dma_wait3A_103 : memref<128x128xf32, #tpu.memory_space<vmem_shared>>)
      tpu.yield
    }) : () -> ()
    %add3A_9 = arith.constant 256 : i32
    %add3A_10 = arith.addi %mul3A_2, %add3A_9 : i32
    "tpu.region"() ({
      %run_scoped3A = tpu.sem_alloc : memref<!tpu.dma_semaphore, #tpu.memory_space<semaphore_mem>>
      %dma_start3A_96 = arith.constant 0 : i32
      %dma_start3A_97 = tpu.memref_slice %arg15[%add3A_10, %dma_start3A_96] : memref<10000x128xf32, #tpu.memory_space<vmem_shared>> -> memref<128x128xf32, #tpu.memory_space<vmem_shared>>
      %dma_start3A_98 = arith.constant 0 : i32
      %dma_start3A_99 = tpu.memref_slice %arg15[%add3A_10, %dma_start3A_98] : memref<10000x128xf32, #tpu.memory_space<vmem_shared>> -> memref<128x128xf32, #tpu.memory_space<vmem_shared>>
      tpu.enqueue_dma source(%arg11 : memref<128x128xf32, #tpu.memory_space<vmem>>) target(%dma_start3A_99 : memref<128x128xf32, #tpu.memory_space<vmem_shared>>) target_semaphore(%run_scoped3A : memref<!tpu.dma_semaphore, #tpu.memory_space<semaphore_mem>>)
      %dma_wait3A_100 = arith.constant 0 : i32
      %dma_wait3A_101 = tpu.memref_slice %arg15[%add3A_10, %dma_wait3A_100] : memref<10000x128xf32, #tpu.memory_space<vmem_shared>> -> memref<128x128xf32, #tpu.memory_space<vmem_shared>>
      %dma_wait3A_102 = arith.constant 0 : i32
      %dma_wait3A_103 = tpu.memref_slice %arg15[%add3A_10, %dma_wait3A_102] : memref<10000x128xf32, #tpu.memory_space<vmem_shared>> -> memref<128x128xf32, #tpu.memory_space<vmem_shared>>
      tpu.wait_dma2 semaphore(%run_scoped3A : memref<!tpu.dma_semaphore, #tpu.memory_space<semaphore_mem>>) src(%arg11 : memref<128x128xf32, #tpu.memory_space<vmem>>) dst(%dma_wait3A_103 : memref<128x128xf32, #tpu.memory_space<vmem_shared>>)
      tpu.yield
    }) : () -> ()
    %add3A_11 = arith.constant 384 : i32
    %add3A_12 = arith.addi %mul3A_2, %add3A_11 : i32
    "tpu.region"() ({
      %run_scoped3A = tpu.sem_alloc : memref<!tpu.dma_semaphore, #tpu.memory_space<semaphore_mem>>
      %dma_start3A_96 = arith.constant 0 : i32
      %dma_start3A_97 = tpu.memref_slice %arg15[%add3A_12, %dma_start3A_96] : memref<10000x128xf32, #tpu.memory_space<vmem_shared>> -> memref<128x128xf32, #tpu.memory_space<vmem_shared>>
      %dma_start3A_98 = arith.constant 0 : i32
      %dma_start3A_99 = tpu.memref_slice %arg15[%add3A_12, %dma_start3A_98] : memref<10000x128xf32, #tpu.memory_space<vmem_shared>> -> memref<128x128xf32, #tpu.memory_space<vmem_shared>>
      tpu.enqueue_dma source(%arg11 : memref<128x128xf32, #tpu.memory_space<vmem>>) target(%dma_start3A_99 : memref<128x128xf32, #tpu.memory_space<vmem_shared>>) target_semaphore(%run_scoped3A : memref<!tpu.dma_semaphore, #tpu.memory_space<semaphore_mem>>)
      %dma_wait3A_100 = arith.constant 0 : i32
      %dma_wait3A_101 = tpu.memref_slice %arg15[%add3A_12, %dma_wait3A_100] : memref<10000x128xf32, #tpu.memory_space<vmem_shared>> -> memref<128x128xf32, #tpu.memory_space<vmem_shared>>
      %dma_wait3A_102 = arith.constant 0 : i32
      %dma_wait3A_103 = tpu.memref_slice %arg15[%add3A_12, %dma_wait3A_102] : memref<10000x128xf32, #tpu.memory_space<vmem_shared>> -> memref<128x128xf32, #tpu.memory_space<vmem_shared>>
      tpu.wait_dma2 semaphore(%run_scoped3A : memref<!tpu.dma_semaphore, #tpu.memory_space<semaphore_mem>>) src(%arg11 : memref<128x128xf32, #tpu.memory_space<vmem>>) dst(%dma_wait3A_103 : memref<128x128xf32, #tpu.memory_space<vmem_shared>>)
      tpu.yield
    }) : () -> ()
    %add3A_13 = arith.constant 512 : i32
    %add3A_14 = arith.addi %mul3A_2, %add3A_13 : i32
    "tpu.region"() ({
      %run_scoped3A = tpu.sem_alloc : memref<!tpu.dma_semaphore, #tpu.memory_space<semaphore_mem>>
      %dma_start3A_96 = arith.constant 0 : i32
      %dma_start3A_97 = arith.constant 0 : i32
      %dma_start3A_98 = tpu.memref_slice %arg11[%dma_start3A_96, %dma_start3A_97] : memref<128x128xf32, #tpu.memory_space<vmem>> -> memref<112x128xf32, #tpu.memory_space<vmem>>
      %dma_start3A_99 = arith.constant 0 : i32
      %dma_start3A_100 = tpu.memref_slice %arg15[%add3A_14, %dma_start3A_99] : memref<10000x128xf32, #tpu.memory_space<vmem_shared>> -> memref<112x128xf32, #tpu.memory_space<vmem_shared>>
      %dma_start3A_101 = arith.constant 0 : i32
      %dma_start3A_102 = tpu.memref_slice %arg15[%add3A_14, %dma_start3A_101] : memref<10000x128xf32, #tpu.memory_space<vmem_shared>> -> memref<112x128xf32, #tpu.memory_space<vmem_shared>>
      %dma_start3A_103 = arith.constant 0 : i32
      %dma_start3A_104 = arith.constant 0 : i32
      %dma_start3A_105 = tpu.memref_slice %arg11[%dma_start3A_103, %dma_start3A_104] : memref<128x128xf32, #tpu.memory_space<vmem>> -> memref<112x128xf32, #tpu.memory_space<vmem>>
      tpu.enqueue_dma source(%dma_start3A_105 : memref<112x128xf32, #tpu.memory_space<vmem>>) target(%dma_start3A_102 : memref<112x128xf32, #tpu.memory_space<vmem_shared>>) target_semaphore(%run_scoped3A : memref<!tpu.dma_semaphore, #tpu.memory_space<semaphore_mem>>)
      %dma_wait3A_106 = arith.constant 0 : i32
      %dma_wait3A_107 = arith.constant 0 : i32
      %dma_wait3A_108 = tpu.memref_slice %arg11[%dma_wait3A_106, %dma_wait3A_107] : memref<128x128xf32, #tpu.memory_space<vmem>> -> memref<112x128xf32, #tpu.memory_space<vmem>>
      %dma_wait3A_109 = arith.constant 0 : i32
      %dma_wait3A_110 = tpu.memref_slice %arg15[%add3A_14, %dma_wait3A_109] : memref<10000x128xf32, #tpu.memory_space<vmem_shared>> -> memref<112x128xf32, #tpu.memory_space<vmem_shared>>
      %dma_wait3A_111 = arith.constant 0 : i32
      %dma_wait3A_112 = tpu.memref_slice %arg15[%add3A_14, %dma_wait3A_111] : memref<10000x128xf32, #tpu.memory_space<vmem_shared>> -> memref<112x128xf32, #tpu.memory_space<vmem_shared>>
      %dma_wait3A_113 = arith.constant 0 : i32
      %dma_wait3A_114 = arith.constant 0 : i32
      %dma_wait3A_115 = tpu.memref_slice %arg11[%dma_wait3A_113, %dma_wait3A_114] : memref<128x128xf32, #tpu.memory_space<vmem>> -> memref<112x128xf32, #tpu.memory_space<vmem>>
      tpu.wait_dma2 semaphore(%run_scoped3A : memref<!tpu.dma_semaphore, #tpu.memory_space<semaphore_mem>>) src(%dma_wait3A_115 : memref<112x128xf32, #tpu.memory_space<vmem>>) dst(%dma_wait3A_112 : memref<112x128xf32, #tpu.memory_space<vmem_shared>>)
      tpu.yield
    }) : () -> ()
    %eq3A = arith.constant 0 : i32
    %eq3A_15 = arith.cmpi eq, %arg1, %eq3A : i32
    %convert_element_type3A = arith.extui %eq3A_15 : i1 to i32
    %cond3A = arith.constant 0 : i32
    %cond3A_16 = arith.cmpi ne, %convert_element_type3A, %cond3A : i32
    scf.if %cond3A_16 {
      "tpu.region"() ({
        %run_scoped3A = tpu.sem_alloc : memref<!tpu.dma_semaphore, #tpu.memory_space<semaphore_mem>>
        %dma_start3A_96 = arith.constant 0 : i32
        %dma_start3A_97 = arith.constant 0 : i32
        %dma_start3A_98 = tpu.memref_slice %arg11[%dma_start3A_96, %dma_start3A_97] : memref<128x128xf32, #tpu.memory_space<vmem>> -> memref<16x128xf32, #tpu.memory_space<vmem>>
        %dma_start3A_99 = arith.constant 9984 : i32
        %dma_start3A_100 = arith.constant 0 : i32
        %dma_start3A_101 = tpu.memref_slice %arg15[%dma_start3A_99, %dma_start3A_100] : memref<10000x128xf32, #tpu.memory_space<vmem_shared>> -> memref<16x128xf32, #tpu.memory_space<vmem_shared>>
        %dma_start3A_102 = arith.constant 9984 : i32
        %dma_start3A_103 = arith.constant 0 : i32
        %dma_start3A_104 = tpu.memref_slice %arg15[%dma_start3A_102, %dma_start3A_103] : memref<10000x128xf32, #tpu.memory_space<vmem_shared>> -> memref<16x128xf32, #tpu.memory_space<vmem_shared>>
        %dma_start3A_105 = arith.constant 0 : i32
        %dma_start3A_106 = arith.constant 0 : i32
        %dma_start3A_107 = tpu.memref_slice %arg11[%dma_start3A_105, %dma_start3A_106] : memref<128x128xf32, #tpu.memory_space<vmem>> -> memref<16x128xf32, #tpu.memory_space<vmem>>
        tpu.enqueue_dma source(%dma_start3A_107 : memref<16x128xf32, #tpu.memory_space<vmem>>) target(%dma_start3A_104 : memref<16x128xf32, #tpu.memory_space<vmem_shared>>) target_semaphore(%run_scoped3A : memref<!tpu.dma_semaphore, #tpu.memory_space<semaphore_mem>>)
        %dma_wait3A_108 = arith.constant 0 : i32
        %dma_wait3A_109 = arith.constant 0 : i32
        %dma_wait3A_110 = tpu.memref_slice %arg11[%dma_wait3A_108, %dma_wait3A_109] : memref<128x128xf32, #tpu.memory_space<vmem>> -> memref<16x128xf32, #tpu.memory_space<vmem>>
        %dma_wait3A_111 = arith.constant 9984 : i32
        %dma_wait3A_112 = arith.constant 0 : i32
        %dma_wait3A_113 = tpu.memref_slice %arg15[%dma_wait3A_111, %dma_wait3A_112] : memref<10000x128xf32, #tpu.memory_space<vmem_shared>> -> memref<16x128xf32, #tpu.memory_space<vmem_shared>>
        %dma_wait3A_114 = arith.constant 9984 : i32
        %dma_wait3A_115 = arith.constant 0 : i32
        %dma_wait3A_116 = tpu.memref_slice %arg15[%dma_wait3A_114, %dma_wait3A_115] : memref<10000x128xf32, #tpu.memory_space<vmem_shared>> -> memref<16x128xf32, #tpu.memory_space<vmem_shared>>
        %dma_wait3A_117 = arith.constant 0 : i32
        %dma_wait3A_118 = arith.constant 0 : i32
        %dma_wait3A_119 = tpu.memref_slice %arg11[%dma_wait3A_117, %dma_wait3A_118] : memref<128x128xf32, #tpu.memory_space<vmem>> -> memref<16x128xf32, #tpu.memory_space<vmem>>
        tpu.wait_dma2 semaphore(%run_scoped3A : memref<!tpu.dma_semaphore, #tpu.memory_space<semaphore_mem>>) src(%dma_wait3A_119 : memref<16x128xf32, #tpu.memory_space<vmem>>) dst(%dma_wait3A_116 : memref<16x128xf32, #tpu.memory_space<vmem_shared>>)
        tpu.yield
      }) : () -> ()
    } else {
    }
    %barrier3A = arith.constant 0 : index
    tpu.barrier barrier_id(%barrier3A)
    %add3A_17 = arith.constant 0 : i32
    %add3A_18 = arith.addi %mul3A_4, %add3A_17 : i32
    %dma_start3A = tpu.memref_slice %arg3[%add3A_18] : memref<320000xi32, #tpu.memory_space<hbm>> -> memref<128xi32, #tpu.memory_space<hbm>>
    %dma_start3A_19 = tpu.memref_slice %arg3[%add3A_18] : memref<320000xi32, #tpu.memory_space<hbm>> -> memref<128xi32, #tpu.memory_space<hbm>>
    tpu.enqueue_dma source(%dma_start3A_19 : memref<128xi32, #tpu.memory_space<hbm>>) target(%arg7 : memref<128xi32, #tpu.memory_space<vmem>>) target_semaphore(%arg16 : memref<!tpu.dma_semaphore, #tpu.memory_space<semaphore_mem>>)
    %add3A_20 = arith.constant 0 : i32
    %add3A_21 = arith.addi %mul3A_4, %add3A_20 : i32
    %dma_start3A_22 = tpu.memref_slice %arg4[%add3A_21] : memref<320000xi32, #tpu.memory_space<hbm>> -> memref<128xi32, #tpu.memory_space<hbm>>
    %dma_start3A_23 = tpu.memref_slice %arg4[%add3A_21] : memref<320000xi32, #tpu.memory_space<hbm>> -> memref<128xi32, #tpu.memory_space<hbm>>
    tpu.enqueue_dma source(%dma_start3A_23 : memref<128xi32, #tpu.memory_space<hbm>>) target(%arg9 : memref<128xi32, #tpu.memory_space<vmem>>) target_semaphore(%arg16 : memref<!tpu.dma_semaphore, #tpu.memory_space<semaphore_mem>>)
    %add3A_24 = arith.constant 128 : i32
    %add3A_25 = arith.addi %mul3A_4, %add3A_24 : i32
    %dma_start3A_26 = tpu.memref_slice %arg3[%add3A_25] : memref<320000xi32, #tpu.memory_space<hbm>> -> memref<128xi32, #tpu.memory_space<hbm>>
    %dma_start3A_27 = tpu.memref_slice %arg3[%add3A_25] : memref<320000xi32, #tpu.memory_space<hbm>> -> memref<128xi32, #tpu.memory_space<hbm>>
    tpu.enqueue_dma source(%dma_start3A_27 : memref<128xi32, #tpu.memory_space<hbm>>) target(%arg8 : memref<128xi32, #tpu.memory_space<vmem>>) target_semaphore(%arg17 : memref<!tpu.dma_semaphore, #tpu.memory_space<semaphore_mem>>)
    %add3A_28 = arith.constant 128 : i32
    %add3A_29 = arith.addi %mul3A_4, %add3A_28 : i32
    %dma_start3A_30 = tpu.memref_slice %arg4[%add3A_29] : memref<320000xi32, #tpu.memory_space<hbm>> -> memref<128xi32, #tpu.memory_space<hbm>>
    %dma_start3A_31 = tpu.memref_slice %arg4[%add3A_29] : memref<320000xi32, #tpu.memory_space<hbm>> -> memref<128xi32, #tpu.memory_space<hbm>>
    tpu.enqueue_dma source(%dma_start3A_31 : memref<128xi32, #tpu.memory_space<hbm>>) target(%arg10 : memref<128xi32, #tpu.memory_space<vmem>>) target_semaphore(%arg17 : memref<!tpu.dma_semaphore, #tpu.memory_space<semaphore_mem>>)
    %dma_wait3A = arith.constant 0 : i32
    %dma_wait3A_32 = tpu.memref_slice %arg3[%dma_wait3A] : memref<320000xi32, #tpu.memory_space<hbm>> -> memref<128xi32, #tpu.memory_space<hbm>>
    %dma_wait3A_33 = arith.constant 0 : i32
    %dma_wait3A_34 = tpu.memref_slice %arg3[%dma_wait3A_33] : memref<320000xi32, #tpu.memory_space<hbm>> -> memref<128xi32, #tpu.memory_space<hbm>>
    tpu.wait_dma2 semaphore(%arg16 : memref<!tpu.dma_semaphore, #tpu.memory_space<semaphore_mem>>) src(%dma_wait3A_34 : memref<128xi32, #tpu.memory_space<hbm>>) dst(%arg7 : memref<128xi32, #tpu.memory_space<vmem>>)
    %dma_wait3A_35 = arith.constant 0 : i32
    %dma_wait3A_36 = tpu.memref_slice %arg4[%dma_wait3A_35] : memref<320000xi32, #tpu.memory_space<hbm>> -> memref<128xi32, #tpu.memory_space<hbm>>
    %dma_wait3A_37 = arith.constant 0 : i32
    %dma_wait3A_38 = tpu.memref_slice %arg4[%dma_wait3A_37] : memref<320000xi32, #tpu.memory_space<hbm>> -> memref<128xi32, #tpu.memory_space<hbm>>
    tpu.wait_dma2 semaphore(%arg16 : memref<!tpu.dma_semaphore, #tpu.memory_space<semaphore_mem>>) src(%dma_wait3A_38 : memref<128xi32, #tpu.memory_space<hbm>>) dst(%arg9 : memref<128xi32, #tpu.memory_space<vmem>>)
    %dma_start3A_39 = arith.constant 0 : i32
    %dma_start3A_40 = arith.constant 0 : i32
    %dma_start3A_41 = tpu.memref_slice %arg2[%dma_start3A_39, %dma_start3A_40] : memref<10000x128xf32, #tpu.memory_space<hbm>> -> memref<10000x128xf32, #tpu.memory_space<hbm>>
    tpu.enqueue_indirect_dma source(%dma_start3A_41 : memref<10000x128xf32, #tpu.memory_space<hbm>>) target(%arg11 : memref<128x128xf32, #tpu.memory_space<vmem>>) offsets(%arg7 : memref<128xi32, #tpu.memory_space<vmem>>) semaphore(%arg18 : memref<!tpu.dma_semaphore, #tpu.memory_space<semaphore_mem>>)
    %scan3A = arith.constant 0 : i32
    %scan3A_42 = arith.constant 0 : i32
    %scan3A_43 = arith.constant 38 : i32
    %scan3A_44 = arith.addi %scan3A_42, %scan3A_43 : i32
    %scan3A_45 = arith.constant 1 : i32
    scf.for %scan3A_96 = %scan3A_42 to %scan3A_44 step %scan3A_45  : i32 {
      %mul3A_97 = arith.constant 2 : i32
      %mul3A_98 = arith.muli %scan3A_96, %mul3A_97 : i32
      %add3A_99 = arith.constant 2 : i32
      %add3A_100 = arith.addi %mul3A_98, %add3A_99 : i32
      %dma_wait3A_101 = arith.constant 0 : i32
      %dma_wait3A_102 = tpu.memref_slice %arg3[%dma_wait3A_101] : memref<320000xi32, #tpu.memory_space<hbm>> -> memref<128xi32, #tpu.memory_space<hbm>>
      %dma_wait3A_103 = arith.constant 0 : i32
      %dma_wait3A_104 = tpu.memref_slice %arg3[%dma_wait3A_103] : memref<320000xi32, #tpu.memory_space<hbm>> -> memref<128xi32, #tpu.memory_space<hbm>>
      tpu.wait_dma2 semaphore(%arg17 : memref<!tpu.dma_semaphore, #tpu.memory_space<semaphore_mem>>) src(%dma_wait3A_104 : memref<128xi32, #tpu.memory_space<hbm>>) dst(%arg8 : memref<128xi32, #tpu.memory_space<vmem>>)
      %dma_wait3A_105 = arith.constant 0 : i32
      %dma_wait3A_106 = tpu.memref_slice %arg4[%dma_wait3A_105] : memref<320000xi32, #tpu.memory_space<hbm>> -> memref<128xi32, #tpu.memory_space<hbm>>
      %dma_wait3A_107 = arith.constant 0 : i32
      %dma_wait3A_108 = tpu.memref_slice %arg4[%dma_wait3A_107] : memref<320000xi32, #tpu.memory_space<hbm>> -> memref<128xi32, #tpu.memory_space<hbm>>
      tpu.wait_dma2 semaphore(%arg17 : memref<!tpu.dma_semaphore, #tpu.memory_space<semaphore_mem>>) src(%dma_wait3A_108 : memref<128xi32, #tpu.memory_space<hbm>>) dst(%arg10 : memref<128xi32, #tpu.memory_space<vmem>>)
      %dma_start3A_109 = arith.constant 0 : i32
      %dma_start3A_110 = arith.constant 0 : i32
      %dma_start3A_111 = tpu.memref_slice %arg2[%dma_start3A_109, %dma_start3A_110] : memref<10000x128xf32, #tpu.memory_space<hbm>> -> memref<10000x128xf32, #tpu.memory_space<hbm>>
      tpu.enqueue_indirect_dma source(%dma_start3A_111 : memref<10000x128xf32, #tpu.memory_space<hbm>>) target(%arg12 : memref<128x128xf32, #tpu.memory_space<vmem>>) offsets(%arg8 : memref<128xi32, #tpu.memory_space<vmem>>) semaphore(%arg19 : memref<!tpu.dma_semaphore, #tpu.memory_space<semaphore_mem>>)
      %dma_wait3A_112 = arith.constant 0 : i32
      %dma_wait3A_113 = arith.constant 0 : i32
      %dma_wait3A_114 = tpu.memref_slice %arg2[%dma_wait3A_112, %dma_wait3A_113] : memref<10000x128xf32, #tpu.memory_space<hbm>> -> memref<10000x128xf32, #tpu.memory_space<hbm>>
      tpu.wait_indirect_dma semaphore(%arg18 : memref<!tpu.dma_semaphore, #tpu.memory_space<semaphore_mem>>) src(%dma_wait3A_114 : memref<10000x128xf32, #tpu.memory_space<hbm>>) dst(%arg11 : memref<128x128xf32, #tpu.memory_space<vmem>>)
      "tpu.region"() ({
        %run_scoped3A = tpu.sem_alloc : memref<!tpu.dma_semaphore, #tpu.memory_space<semaphore_mem>>
        %dma_start3A_153 = arith.constant 0 : i32
        %dma_start3A_154 = arith.constant 0 : i32
        %dma_start3A_155 = tpu.memref_slice %arg15[%dma_start3A_153, %dma_start3A_154] : memref<10000x128xf32, #tpu.memory_space<vmem_shared>> -> memref<10000x128xf32, #tpu.memory_space<vmem_shared>>
        tpu.enqueue_indirect_dma source(%arg11 : memref<128x128xf32, #tpu.memory_space<vmem>>) target(%dma_start3A_155 : memref<10000x128xf32, #tpu.memory_space<vmem_shared>>) offsets(%arg9 : memref<128xi32, #tpu.memory_space<vmem>>) semaphore(%run_scoped3A : memref<!tpu.dma_semaphore, #tpu.memory_space<semaphore_mem>>) {add = true}
        %dma_wait3A_156 = arith.constant 0 : i32
        %dma_wait3A_157 = arith.constant 0 : i32
        %dma_wait3A_158 = tpu.memref_slice %arg15[%dma_wait3A_156, %dma_wait3A_157] : memref<10000x128xf32, #tpu.memory_space<vmem_shared>> -> memref<10000x128xf32, #tpu.memory_space<vmem_shared>>
        tpu.wait_indirect_dma semaphore(%run_scoped3A : memref<!tpu.dma_semaphore, #tpu.memory_space<semaphore_mem>>) src(%arg11 : memref<128x128xf32, #tpu.memory_space<vmem>>) dst(%dma_wait3A_158 : memref<10000x128xf32, #tpu.memory_space<vmem_shared>>)
        tpu.yield
      }) : () -> ()
      %mul3A_115 = arith.constant 128 : i32
      %mul3A_116 = arith.muli %add3A_100, %mul3A_115 : i32
      %add3A_117 = arith.addi %mul3A_4, %mul3A_116 : i32
      %dma_start3A_118 = tpu.memref_slice %arg3[%add3A_117] : memref<320000xi32, #tpu.memory_space<hbm>> -> memref<128xi32, #tpu.memory_space<hbm>>
      %dma_start3A_119 = tpu.memref_slice %arg3[%add3A_117] : memref<320000xi32, #tpu.memory_space<hbm>> -> memref<128xi32, #tpu.memory_space<hbm>>
      tpu.enqueue_dma source(%dma_start3A_119 : memref<128xi32, #tpu.memory_space<hbm>>) target(%arg7 : memref<128xi32, #tpu.memory_space<vmem>>) target_semaphore(%arg16 : memref<!tpu.dma_semaphore, #tpu.memory_space<semaphore_mem>>)
      %mul3A_120 = arith.constant 128 : i32
      %mul3A_121 = arith.muli %add3A_100, %mul3A_120 : i32
      %add3A_122 = arith.addi %mul3A_4, %mul3A_121 : i32
      %dma_start3A_123 = tpu.memref_slice %arg4[%add3A_122] : memref<320000xi32, #tpu.memory_space<hbm>> -> memref<128xi32, #tpu.memory_space<hbm>>
      %dma_start3A_124 = tpu.memref_slice %arg4[%add3A_122] : memref<320000xi32, #tpu.memory_space<hbm>> -> memref<128xi32, #tpu.memory_space<hbm>>
      tpu.enqueue_dma source(%dma_start3A_124 : memref<128xi32, #tpu.memory_space<hbm>>) target(%arg9 : memref<128xi32, #tpu.memory_space<vmem>>) target_semaphore(%arg16 : memref<!tpu.dma_semaphore, #tpu.memory_space<semaphore_mem>>)
      %add3A_125 = arith.constant 1 : i32
      %add3A_126 = arith.addi %mul3A_98, %add3A_125 : i32
      %add3A_127 = arith.constant 3 : i32
      %add3A_128 = arith.addi %mul3A_98, %add3A_127 : i32
      %dma_wait3A_129 = arith.constant 0 : i32
      %dma_wait3A_130 = tpu.memref_slice %arg3[%dma_wait3A_129] : memref<320000xi32, #tpu.memory_space<hbm>> -> memref<128xi32, #tpu.memory_space<hbm>>
      %dma_wait3A_131 = arith.constant 0 : i32
      %dma_wait3A_132 = tpu.memref_slice %arg3[%dma_wait3A_131] : memref<320000xi32, #tpu.memory_space<hbm>> -> memref<128xi32, #tpu.memory_space<hbm>>
      tpu.wait_dma2 semaphore(%arg16 : memref<!tpu.dma_semaphore, #tpu.memory_space<semaphore_mem>>) src(%dma_wait3A_132 : memref<128xi32, #tpu.memory_space<hbm>>) dst(%arg7 : memref<128xi32, #tpu.memory_space<vmem>>)
      %dma_wait3A_133 = arith.constant 0 : i32
      %dma_wait3A_134 = tpu.memref_slice %arg4[%dma_wait3A_133] : memref<320000xi32, #tpu.memory_space<hbm>> -> memref<128xi32, #tpu.memory_space<hbm>>
      %dma_wait3A_135 = arith.constant 0 : i32
      %dma_wait3A_136 = tpu.memref_slice %arg4[%dma_wait3A_135] : memref<320000xi32, #tpu.memory_space<hbm>> -> memref<128xi32, #tpu.memory_space<hbm>>
      tpu.wait_dma2 semaphore(%arg16 : memref<!tpu.dma_semaphore, #tpu.memory_space<semaphore_mem>>) src(%dma_wait3A_136 : memref<128xi32, #tpu.memory_space<hbm>>) dst(%arg9 : memref<128xi32, #tpu.memory_space<vmem>>)
      %dma_start3A_137 = arith.constant 0 : i32
      %dma_start3A_138 = arith.constant 0 : i32
      %dma_start3A_139 = tpu.memref_slice %arg2[%dma_start3A_137, %dma_start3A_138] : memref<10000x128xf32, #tpu.memory_space<hbm>> -> memref<10000x128xf32, #tpu.memory_space<hbm>>
      tpu.enqueue_indirect_dma source(%dma_start3A_139 : memref<10000x128xf32, #tpu.memory_space<hbm>>) target(%arg11 : memref<128x128xf32, #tpu.memory_space<vmem>>) offsets(%arg7 : memref<128xi32, #tpu.memory_space<vmem>>) semaphore(%arg18 : memref<!tpu.dma_semaphore, #tpu.memory_space<semaphore_mem>>)
      %dma_wait3A_140 = arith.constant 0 : i32
      %dma_wait3A_141 = arith.constant 0 : i32
      %dma_wait3A_142 = tpu.memref_slice %arg2[%dma_wait3A_140, %dma_wait3A_141] : memref<10000x128xf32, #tpu.memory_space<hbm>> -> memref<10000x128xf32, #tpu.memory_space<hbm>>
      tpu.wait_indirect_dma semaphore(%arg19 : memref<!tpu.dma_semaphore, #tpu.memory_space<semaphore_mem>>) src(%dma_wait3A_142 : memref<10000x128xf32, #tpu.memory_space<hbm>>) dst(%arg12 : memref<128x128xf32, #tpu.memory_space<vmem>>)
      "tpu.region"() ({
        %run_scoped3A = tpu.sem_alloc : memref<!tpu.dma_semaphore, #tpu.memory_space<semaphore_mem>>
        %dma_start3A_153 = arith.constant 0 : i32
        %dma_start3A_154 = arith.constant 0 : i32
        %dma_start3A_155 = tpu.memref_slice %arg15[%dma_start3A_153, %dma_start3A_154] : memref<10000x128xf32, #tpu.memory_space<vmem_shared>> -> memref<10000x128xf32, #tpu.memory_space<vmem_shared>>
        tpu.enqueue_indirect_dma source(%arg12 : memref<128x128xf32, #tpu.memory_space<vmem>>) target(%dma_start3A_155 : memref<10000x128xf32, #tpu.memory_space<vmem_shared>>) offsets(%arg10 : memref<128xi32, #tpu.memory_space<vmem>>) semaphore(%run_scoped3A : memref<!tpu.dma_semaphore, #tpu.memory_space<semaphore_mem>>) {add = true}
        %dma_wait3A_156 = arith.constant 0 : i32
        %dma_wait3A_157 = arith.constant 0 : i32
        %dma_wait3A_158 = tpu.memref_slice %arg15[%dma_wait3A_156, %dma_wait3A_157] : memref<10000x128xf32, #tpu.memory_space<vmem_shared>> -> memref<10000x128xf32, #tpu.memory_space<vmem_shared>>
        tpu.wait_indirect_dma semaphore(%run_scoped3A : memref<!tpu.dma_semaphore, #tpu.memory_space<semaphore_mem>>) src(%arg12 : memref<128x128xf32, #tpu.memory_space<vmem>>) dst(%dma_wait3A_158 : memref<10000x128xf32, #tpu.memory_space<vmem_shared>>)
        tpu.yield
      }) : () -> ()
      %mul3A_143 = arith.constant 128 : i32
      %mul3A_144 = arith.muli %add3A_128, %mul3A_143 : i32
      %add3A_145 = arith.addi %mul3A_4, %mul3A_144 : i32
      %dma_start3A_146 = tpu.memref_slice %arg3[%add3A_145] : memref<320000xi32, #tpu.memory_space<hbm>> -> memref<128xi32, #tpu.memory_space<hbm>>
      %dma_start3A_147 = tpu.memref_slice %arg3[%add3A_145] : memref<320000xi32, #tpu.memory_space<hbm>> -> memref<128xi32, #tpu.memory_space<hbm>>
      tpu.enqueue_dma source(%dma_start3A_147 : memref<128xi32, #tpu.memory_space<hbm>>) target(%arg8 : memref<128xi32, #tpu.memory_space<vmem>>) target_semaphore(%arg17 : memref<!tpu.dma_semaphore, #tpu.memory_space<semaphore_mem>>)
      %mul3A_148 = arith.constant 128 : i32
      %mul3A_149 = arith.muli %add3A_128, %mul3A_148 : i32
      %add3A_150 = arith.addi %mul3A_4, %mul3A_149 : i32
      %dma_start3A_151 = tpu.memref_slice %arg4[%add3A_150] : memref<320000xi32, #tpu.memory_space<hbm>> -> memref<128xi32, #tpu.memory_space<hbm>>
      %dma_start3A_152 = tpu.memref_slice %arg4[%add3A_150] : memref<320000xi32, #tpu.memory_space<hbm>> -> memref<128xi32, #tpu.memory_space<hbm>>
      tpu.enqueue_dma source(%dma_start3A_152 : memref<128xi32, #tpu.memory_space<hbm>>) target(%arg10 : memref<128xi32, #tpu.memory_space<vmem>>) target_semaphore(%arg17 : memref<!tpu.dma_semaphore, #tpu.memory_space<semaphore_mem>>)
    }
    %scan3A_46 = arith.constant 38 : i32
    %dma_wait3A_47 = arith.constant 0 : i32
    %dma_wait3A_48 = tpu.memref_slice %arg3[%dma_wait3A_47] : memref<320000xi32, #tpu.memory_space<hbm>> -> memref<128xi32, #tpu.memory_space<hbm>>
    %dma_wait3A_49 = arith.constant 0 : i32
    %dma_wait3A_50 = tpu.memref_slice %arg3[%dma_wait3A_49] : memref<320000xi32, #tpu.memory_space<hbm>> -> memref<128xi32, #tpu.memory_space<hbm>>
    tpu.wait_dma2 semaphore(%arg17 : memref<!tpu.dma_semaphore, #tpu.memory_space<semaphore_mem>>) src(%dma_wait3A_50 : memref<128xi32, #tpu.memory_space<hbm>>) dst(%arg8 : memref<128xi32, #tpu.memory_space<vmem>>)
    %dma_wait3A_51 = arith.constant 0 : i32
    %dma_wait3A_52 = tpu.memref_slice %arg4[%dma_wait3A_51] : memref<320000xi32, #tpu.memory_space<hbm>> -> memref<128xi32, #tpu.memory_space<hbm>>
    %dma_wait3A_53 = arith.constant 0 : i32
    %dma_wait3A_54 = tpu.memref_slice %arg4[%dma_wait3A_53] : memref<320000xi32, #tpu.memory_space<hbm>> -> memref<128xi32, #tpu.memory_space<hbm>>
    tpu.wait_dma2 semaphore(%arg17 : memref<!tpu.dma_semaphore, #tpu.memory_space<semaphore_mem>>) src(%dma_wait3A_54 : memref<128xi32, #tpu.memory_space<hbm>>) dst(%arg10 : memref<128xi32, #tpu.memory_space<vmem>>)
    %dma_start3A_55 = arith.constant 0 : i32
    %dma_start3A_56 = arith.constant 0 : i32
    %dma_start3A_57 = tpu.memref_slice %arg2[%dma_start3A_55, %dma_start3A_56] : memref<10000x128xf32, #tpu.memory_space<hbm>> -> memref<10000x128xf32, #tpu.memory_space<hbm>>
    tpu.enqueue_indirect_dma source(%dma_start3A_57 : memref<10000x128xf32, #tpu.memory_space<hbm>>) target(%arg12 : memref<128x128xf32, #tpu.memory_space<vmem>>) offsets(%arg8 : memref<128xi32, #tpu.memory_space<vmem>>) semaphore(%arg19 : memref<!tpu.dma_semaphore, #tpu.memory_space<semaphore_mem>>)
    %dma_wait3A_58 = arith.constant 0 : i32
    %dma_wait3A_59 = arith.constant 0 : i32
    %dma_wait3A_60 = tpu.memref_slice %arg2[%dma_wait3A_58, %dma_wait3A_59] : memref<10000x128xf32, #tpu.memory_space<hbm>> -> memref<10000x128xf32, #tpu.memory_space<hbm>>
    tpu.wait_indirect_dma semaphore(%arg18 : memref<!tpu.dma_semaphore, #tpu.memory_space<semaphore_mem>>) src(%dma_wait3A_60 : memref<10000x128xf32, #tpu.memory_space<hbm>>) dst(%arg11 : memref<128x128xf32, #tpu.memory_space<vmem>>)
    "tpu.region"() ({
      %run_scoped3A = tpu.sem_alloc : memref<!tpu.dma_semaphore, #tpu.memory_space<semaphore_mem>>
      %dma_start3A_96 = arith.constant 0 : i32
      %dma_start3A_97 = arith.constant 0 : i32
      %dma_start3A_98 = tpu.memref_slice %arg15[%dma_start3A_96, %dma_start3A_97] : memref<10000x128xf32, #tpu.memory_space<vmem_shared>> -> memref<10000x128xf32, #tpu.memory_space<vmem_shared>>
      tpu.enqueue_indirect_dma source(%arg11 : memref<128x128xf32, #tpu.memory_space<vmem>>) target(%dma_start3A_98 : memref<10000x128xf32, #tpu.memory_space<vmem_shared>>) offsets(%arg9 : memref<128xi32, #tpu.memory_space<vmem>>) semaphore(%run_scoped3A : memref<!tpu.dma_semaphore, #tpu.memory_space<semaphore_mem>>) {add = true}
      %dma_wait3A_99 = arith.constant 0 : i32
      %dma_wait3A_100 = arith.constant 0 : i32
      %dma_wait3A_101 = tpu.memref_slice %arg15[%dma_wait3A_99, %dma_wait3A_100] : memref<10000x128xf32, #tpu.memory_space<vmem_shared>> -> memref<10000x128xf32, #tpu.memory_space<vmem_shared>>
      tpu.wait_indirect_dma semaphore(%run_scoped3A : memref<!tpu.dma_semaphore, #tpu.memory_space<semaphore_mem>>) src(%arg11 : memref<128x128xf32, #tpu.memory_space<vmem>>) dst(%dma_wait3A_101 : memref<10000x128xf32, #tpu.memory_space<vmem_shared>>)
      tpu.yield
    }) : () -> ()
    %dma_wait3A_61 = arith.constant 0 : i32
    %dma_wait3A_62 = arith.constant 0 : i32
    %dma_wait3A_63 = tpu.memref_slice %arg2[%dma_wait3A_61, %dma_wait3A_62] : memref<10000x128xf32, #tpu.memory_space<hbm>> -> memref<10000x128xf32, #tpu.memory_space<hbm>>
    tpu.wait_indirect_dma semaphore(%arg19 : memref<!tpu.dma_semaphore, #tpu.memory_space<semaphore_mem>>) src(%dma_wait3A_63 : memref<10000x128xf32, #tpu.memory_space<hbm>>) dst(%arg12 : memref<128x128xf32, #tpu.memory_space<vmem>>)
    "tpu.region"() ({
      %run_scoped3A = tpu.sem_alloc : memref<!tpu.dma_semaphore, #tpu.memory_space<semaphore_mem>>
      %dma_start3A_96 = arith.constant 0 : i32
      %dma_start3A_97 = arith.constant 0 : i32
      %dma_start3A_98 = tpu.memref_slice %arg15[%dma_start3A_96, %dma_start3A_97] : memref<10000x128xf32, #tpu.memory_space<vmem_shared>> -> memref<10000x128xf32, #tpu.memory_space<vmem_shared>>
      tpu.enqueue_indirect_dma source(%arg12 : memref<128x128xf32, #tpu.memory_space<vmem>>) target(%dma_start3A_98 : memref<10000x128xf32, #tpu.memory_space<vmem_shared>>) offsets(%arg10 : memref<128xi32, #tpu.memory_space<vmem>>) semaphore(%run_scoped3A : memref<!tpu.dma_semaphore, #tpu.memory_space<semaphore_mem>>) {add = true}
      %dma_wait3A_99 = arith.constant 0 : i32
      %dma_wait3A_100 = arith.constant 0 : i32
      %dma_wait3A_101 = tpu.memref_slice %arg15[%dma_wait3A_99, %dma_wait3A_100] : memref<10000x128xf32, #tpu.memory_space<vmem_shared>> -> memref<10000x128xf32, #tpu.memory_space<vmem_shared>>
      tpu.wait_indirect_dma semaphore(%run_scoped3A : memref<!tpu.dma_semaphore, #tpu.memory_space<semaphore_mem>>) src(%arg12 : memref<128x128xf32, #tpu.memory_space<vmem>>) dst(%dma_wait3A_101 : memref<10000x128xf32, #tpu.memory_space<vmem_shared>>)
      tpu.yield
    }) : () -> ()
    %add3A_64 = arith.constant 9984 : i32
    %add3A_65 = arith.addi %mul3A_4, %add3A_64 : i32
    "tpu.region"() ({
      %run_scoped3A = tpu.sem_alloc : memref<!tpu.dma_semaphore, #tpu.memory_space<semaphore_mem>>
      %dma_start3A_96 = tpu.memref_slice %arg3[%add3A_65] : memref<320000xi32, #tpu.memory_space<hbm>> -> memref<16xi32, #tpu.memory_space<hbm>>
      %dma_start3A_97 = tpu.memref_slice %arg3[%add3A_65] : memref<320000xi32, #tpu.memory_space<hbm>> -> memref<16xi32, #tpu.memory_space<hbm>>
      tpu.enqueue_dma source(%dma_start3A_97 : memref<16xi32, #tpu.memory_space<hbm>>) target(%arg13 : memref<16xi32, #tpu.memory_space<vmem>>) target_semaphore(%run_scoped3A : memref<!tpu.dma_semaphore, #tpu.memory_space<semaphore_mem>>)
      %dma_wait3A_98 = tpu.memref_slice %arg3[%add3A_65] : memref<320000xi32, #tpu.memory_space<hbm>> -> memref<16xi32, #tpu.memory_space<hbm>>
      %dma_wait3A_99 = tpu.memref_slice %arg3[%add3A_65] : memref<320000xi32, #tpu.memory_space<hbm>> -> memref<16xi32, #tpu.memory_space<hbm>>
      tpu.wait_dma2 semaphore(%run_scoped3A : memref<!tpu.dma_semaphore, #tpu.memory_space<semaphore_mem>>) src(%dma_wait3A_99 : memref<16xi32, #tpu.memory_space<hbm>>) dst(%arg13 : memref<16xi32, #tpu.memory_space<vmem>>)
      tpu.yield
    }) : () -> ()
    %add3A_66 = arith.constant 9984 : i32
    %add3A_67 = arith.addi %mul3A_4, %add3A_66 : i32
    "tpu.region"() ({
      %run_scoped3A = tpu.sem_alloc : memref<!tpu.dma_semaphore, #tpu.memory_space<semaphore_mem>>
      %dma_start3A_96 = tpu.memref_slice %arg4[%add3A_67] : memref<320000xi32, #tpu.memory_space<hbm>> -> memref<16xi32, #tpu.memory_space<hbm>>
      %dma_start3A_97 = tpu.memref_slice %arg4[%add3A_67] : memref<320000xi32, #tpu.memory_space<hbm>> -> memref<16xi32, #tpu.memory_space<hbm>>
      tpu.enqueue_dma source(%dma_start3A_97 : memref<16xi32, #tpu.memory_space<hbm>>) target(%arg14 : memref<16xi32, #tpu.memory_space<vmem>>) target_semaphore(%run_scoped3A : memref<!tpu.dma_semaphore, #tpu.memory_space<semaphore_mem>>)
      %dma_wait3A_98 = tpu.memref_slice %arg4[%add3A_67] : memref<320000xi32, #tpu.memory_space<hbm>> -> memref<16xi32, #tpu.memory_space<hbm>>
      %dma_wait3A_99 = tpu.memref_slice %arg4[%add3A_67] : memref<320000xi32, #tpu.memory_space<hbm>> -> memref<16xi32, #tpu.memory_space<hbm>>
      tpu.wait_dma2 semaphore(%run_scoped3A : memref<!tpu.dma_semaphore, #tpu.memory_space<semaphore_mem>>) src(%dma_wait3A_99 : memref<16xi32, #tpu.memory_space<hbm>>) dst(%arg14 : memref<16xi32, #tpu.memory_space<vmem>>)
      tpu.yield
    }) : () -> ()
    %dma_start3A_68 = arith.constant 0 : i32
    %dma_start3A_69 = arith.constant 0 : i32
    %dma_start3A_70 = tpu.memref_slice %arg11[%dma_start3A_68, %dma_start3A_69] : memref<128x128xf32, #tpu.memory_space<vmem>> -> memref<16x128xf32, #tpu.memory_space<vmem>>
    %dma_start3A_71 = arith.constant 0 : i32
    %dma_start3A_72 = arith.constant 0 : i32
    %dma_start3A_73 = tpu.memref_slice %arg2[%dma_start3A_71, %dma_start3A_72] : memref<10000x128xf32, #tpu.memory_space<hbm>> -> memref<10000x128xf32, #tpu.memory_space<hbm>>
    tpu.enqueue_indirect_dma source(%dma_start3A_73 : memref<10000x128xf32, #tpu.memory_space<hbm>>) target(%dma_start3A_70 : memref<16x128xf32, #tpu.memory_space<vmem>>) offsets(%arg13 : memref<16xi32, #tpu.memory_space<vmem>>) semaphore(%arg18 : memref<!tpu.dma_semaphore, #tpu.memory_space<semaphore_mem>>)
    %dma_wait3A_74 = arith.constant 0 : i32
    %dma_wait3A_75 = arith.constant 0 : i32
    %dma_wait3A_76 = tpu.memref_slice %arg11[%dma_wait3A_74, %dma_wait3A_75] : memref<128x128xf32, #tpu.memory_space<vmem>> -> memref<16x128xf32, #tpu.memory_space<vmem>>
    %dma_wait3A_77 = arith.constant 0 : i32
    %dma_wait3A_78 = arith.constant 0 : i32
    %dma_wait3A_79 = tpu.memref_slice %arg2[%dma_wait3A_77, %dma_wait3A_78] : memref<10000x128xf32, #tpu.memory_space<hbm>> -> memref<10000x128xf32, #tpu.memory_space<hbm>>
    tpu.wait_indirect_dma semaphore(%arg18 : memref<!tpu.dma_semaphore, #tpu.memory_space<semaphore_mem>>) src(%dma_wait3A_79 : memref<10000x128xf32, #tpu.memory_space<hbm>>) dst(%dma_wait3A_76 : memref<16x128xf32, #tpu.memory_space<vmem>>)
    "tpu.region"() ({
      %run_scoped3A = tpu.sem_alloc : memref<!tpu.dma_semaphore, #tpu.memory_space<semaphore_mem>>
      %dma_start3A_96 = arith.constant 0 : i32
      %dma_start3A_97 = arith.constant 0 : i32
      %dma_start3A_98 = tpu.memref_slice %arg11[%dma_start3A_96, %dma_start3A_97] : memref<128x128xf32, #tpu.memory_space<vmem>> -> memref<16x128xf32, #tpu.memory_space<vmem>>
      %dma_start3A_99 = arith.constant 0 : i32
      %dma_start3A_100 = arith.constant 0 : i32
      %dma_start3A_101 = tpu.memref_slice %arg15[%dma_start3A_99, %dma_start3A_100] : memref<10000x128xf32, #tpu.memory_space<vmem_shared>> -> memref<10000x128xf32, #tpu.memory_space<vmem_shared>>
      tpu.enqueue_indirect_dma source(%dma_start3A_98 : memref<16x128xf32, #tpu.memory_space<vmem>>) target(%dma_start3A_101 : memref<10000x128xf32, #tpu.memory_space<vmem_shared>>) offsets(%arg14 : memref<16xi32, #tpu.memory_space<vmem>>) semaphore(%run_scoped3A : memref<!tpu.dma_semaphore, #tpu.memory_space<semaphore_mem>>) {add = true}
      %dma_wait3A_102 = arith.constant 0 : i32
      %dma_wait3A_103 = arith.constant 0 : i32
      %dma_wait3A_104 = tpu.memref_slice %arg11[%dma_wait3A_102, %dma_wait3A_103] : memref<128x128xf32, #tpu.memory_space<vmem>> -> memref<16x128xf32, #tpu.memory_space<vmem>>
      %dma_wait3A_105 = arith.constant 0 : i32
      %dma_wait3A_106 = arith.constant 0 : i32
      %dma_wait3A_107 = tpu.memref_slice %arg15[%dma_wait3A_105, %dma_wait3A_106] : memref<10000x128xf32, #tpu.memory_space<vmem_shared>> -> memref<10000x128xf32, #tpu.memory_space<vmem_shared>>
      tpu.wait_indirect_dma semaphore(%run_scoped3A : memref<!tpu.dma_semaphore, #tpu.memory_space<semaphore_mem>>) src(%dma_wait3A_104 : memref<16x128xf32, #tpu.memory_space<vmem>>) dst(%dma_wait3A_107 : memref<10000x128xf32, #tpu.memory_space<vmem_shared>>)
      tpu.yield
    }) : () -> ()
    %barrier3A_80 = arith.constant 0 : index
    tpu.barrier barrier_id(%barrier3A_80)
    %add3A_81 = arith.constant 0 : i32
    %add3A_82 = arith.addi %mul3A_2, %add3A_81 : i32
    "tpu.region"() ({
      %run_scoped3A = tpu.sem_alloc : memref<!tpu.dma_semaphore, #tpu.memory_space<semaphore_mem>>
      %dma_start3A_96 = arith.constant 0 : i32
      %dma_start3A_97 = arith.constant 0 : i32
      %dma_start3A_98 = tpu.memref_slice %arg11[%dma_start3A_96, %dma_start3A_97] : memref<128x128xf32, #tpu.memory_space<vmem>> -> memref<128x128xf32, #tpu.memory_space<vmem>>
      %dma_start3A_99 = arith.constant 0 : i32
      %dma_start3A_100 = tpu.memref_slice %arg15[%add3A_82, %dma_start3A_99] : memref<10000x128xf32, #tpu.memory_space<vmem_shared>> -> memref<128x128xf32, #tpu.memory_space<vmem_shared>>
      %dma_start3A_101 = arith.constant 0 : i32
      %dma_start3A_102 = arith.constant 0 : i32
      %dma_start3A_103 = tpu.memref_slice %arg11[%dma_start3A_101, %dma_start3A_102] : memref<128x128xf32, #tpu.memory_space<vmem>> -> memref<128x128xf32, #tpu.memory_space<vmem>>
      %dma_start3A_104 = arith.constant 0 : i32
      %dma_start3A_105 = tpu.memref_slice %arg15[%add3A_82, %dma_start3A_104] : memref<10000x128xf32, #tpu.memory_space<vmem_shared>> -> memref<128x128xf32, #tpu.memory_space<vmem_shared>>
      tpu.enqueue_dma source(%dma_start3A_105 : memref<128x128xf32, #tpu.memory_space<vmem_shared>>) target(%dma_start3A_103 : memref<128x128xf32, #tpu.memory_space<vmem>>) target_semaphore(%run_scoped3A : memref<!tpu.dma_semaphore, #tpu.memory_space<semaphore_mem>>)
      %dma_wait3A_106 = arith.constant 0 : i32
      %dma_wait3A_107 = arith.constant 0 : i32
      %dma_wait3A_108 = tpu.memref_slice %arg11[%dma_wait3A_106, %dma_wait3A_107] : memref<128x128xf32, #tpu.memory_space<vmem>> -> memref<128x128xf32, #tpu.memory_space<vmem>>
      %dma_wait3A_109 = arith.constant 0 : i32
      %dma_wait3A_110 = tpu.memref_slice %arg15[%add3A_82, %dma_wait3A_109] : memref<10000x128xf32, #tpu.memory_space<vmem_shared>> -> memref<128x128xf32, #tpu.memory_space<vmem_shared>>
      %dma_wait3A_111 = arith.constant 0 : i32
      %dma_wait3A_112 = arith.constant 0 : i32
      %dma_wait3A_113 = tpu.memref_slice %arg11[%dma_wait3A_111, %dma_wait3A_112] : memref<128x128xf32, #tpu.memory_space<vmem>> -> memref<128x128xf32, #tpu.memory_space<vmem>>
      %dma_wait3A_114 = arith.constant 0 : i32
      %dma_wait3A_115 = tpu.memref_slice %arg15[%add3A_82, %dma_wait3A_114] : memref<10000x128xf32, #tpu.memory_space<vmem_shared>> -> memref<128x128xf32, #tpu.memory_space<vmem_shared>>
      tpu.wait_dma2 semaphore(%run_scoped3A : memref<!tpu.dma_semaphore, #tpu.memory_space<semaphore_mem>>) src(%dma_wait3A_115 : memref<128x128xf32, #tpu.memory_space<vmem_shared>>) dst(%dma_wait3A_113 : memref<128x128xf32, #tpu.memory_space<vmem>>)
      tpu.yield
    }) : () -> ()
    "tpu.region"() ({
      %run_scoped3A = tpu.sem_alloc : memref<!tpu.dma_semaphore, #tpu.memory_space<semaphore_mem>>
      %dma_start3A_96 = arith.constant 0 : i32
      %dma_start3A_97 = arith.constant 0 : i32
      %dma_start3A_98 = tpu.memref_slice %arg11[%dma_start3A_96, %dma_start3A_97] : memref<128x128xf32, #tpu.memory_space<vmem>> -> memref<128x128xf32, #tpu.memory_space<vmem>>
      %dma_start3A_99 = arith.constant 0 : i32
      %dma_start3A_100 = tpu.memref_slice %arg6[%arg0, %add3A_82, %dma_start3A_99] : memref<2x10000x128xf32, #tpu.memory_space<hbm>> -> memref<1x128x128xf32, #tpu.memory_space<hbm>>
      %dma_start3A_101 = tpu.memref_squeeze %dma_start3A_100 : memref<1x128x128xf32, #tpu.memory_space<hbm>> -> memref<128x128xf32, #tpu.memory_space<hbm>>
      %dma_start3A_102 = arith.constant 0 : i32
      %dma_start3A_103 = tpu.memref_slice %arg6[%arg0, %add3A_82, %dma_start3A_102] : memref<2x10000x128xf32, #tpu.memory_space<hbm>> -> memref<1x128x128xf32, #tpu.memory_space<hbm>>
      %dma_start3A_104 = tpu.memref_squeeze %dma_start3A_103 : memref<1x128x128xf32, #tpu.memory_space<hbm>> -> memref<128x128xf32, #tpu.memory_space<hbm>>
      %dma_start3A_105 = arith.constant 0 : i32
      %dma_start3A_106 = arith.constant 0 : i32
      %dma_start3A_107 = tpu.memref_slice %arg11[%dma_start3A_105, %dma_start3A_106] : memref<128x128xf32, #tpu.memory_space<vmem>> -> memref<128x128xf32, #tpu.memory_space<vmem>>
      tpu.enqueue_dma source(%dma_start3A_107 : memref<128x128xf32, #tpu.memory_space<vmem>>) target(%dma_start3A_104 : memref<128x128xf32, #tpu.memory_space<hbm>>) target_semaphore(%run_scoped3A : memref<!tpu.dma_semaphore, #tpu.memory_space<semaphore_mem>>)
      %dma_wait3A_108 = arith.constant 0 : i32
      %dma_wait3A_109 = arith.constant 0 : i32
      %dma_wait3A_110 = tpu.memref_slice %arg11[%dma_wait3A_108, %dma_wait3A_109] : memref<128x128xf32, #tpu.memory_space<vmem>> -> memref<128x128xf32, #tpu.memory_space<vmem>>
      %dma_wait3A_111 = arith.constant 0 : i32
      %dma_wait3A_112 = tpu.memref_slice %arg6[%arg0, %add3A_82, %dma_wait3A_111] : memref<2x10000x128xf32, #tpu.memory_space<hbm>> -> memref<1x128x128xf32, #tpu.memory_space<hbm>>
      %dma_wait3A_113 = tpu.memref_squeeze %dma_wait3A_112 : memref<1x128x128xf32, #tpu.memory_space<hbm>> -> memref<128x128xf32, #tpu.memory_space<hbm>>
      %dma_wait3A_114 = arith.constant 0 : i32
      %dma_wait3A_115 = tpu.memref_slice %arg6[%arg0, %add3A_82, %dma_wait3A_114] : memref<2x10000x128xf32, #tpu.memory_space<hbm>> -> memref<1x128x128xf32, #tpu.memory_space<hbm>>
      %dma_wait3A_116 = tpu.memref_squeeze %dma_wait3A_115 : memref<1x128x128xf32, #tpu.memory_space<hbm>> -> memref<128x128xf32, #tpu.memory_space<hbm>>
      %dma_wait3A_117 = arith.constant 0 : i32
      %dma_wait3A_118 = arith.constant 0 : i32
      %dma_wait3A_119 = tpu.memref_slice %arg11[%dma_wait3A_117, %dma_wait3A_118] : memref<128x128xf32, #tpu.memory_space<vmem>> -> memref<128x128xf32, #tpu.memory_space<vmem>>
      tpu.wait_dma2 semaphore(%run_scoped3A : memref<!tpu.dma_semaphore, #tpu.memory_space<semaphore_mem>>) src(%dma_wait3A_119 : memref<128x128xf32, #tpu.memory_space<vmem>>) dst(%dma_wait3A_116 : memref<128x128xf32, #tpu.memory_space<hbm>>)
      tpu.yield
    }) : () -> ()
    %add3A_83 = arith.constant 128 : i32
    %add3A_84 = arith.addi %mul3A_2, %add3A_83 : i32
    "tpu.region"() ({
      %run_scoped3A = tpu.sem_alloc : memref<!tpu.dma_semaphore, #tpu.memory_space<semaphore_mem>>
      %dma_start3A_96 = arith.constant 0 : i32
      %dma_start3A_97 = arith.constant 0 : i32
      %dma_start3A_98 = tpu.memref_slice %arg11[%dma_start3A_96, %dma_start3A_97] : memref<128x128xf32, #tpu.memory_space<vmem>> -> memref<128x128xf32, #tpu.memory_space<vmem>>
      %dma_start3A_99 = arith.constant 0 : i32
      %dma_start3A_100 = tpu.memref_slice %arg15[%add3A_84, %dma_start3A_99] : memref<10000x128xf32, #tpu.memory_space<vmem_shared>> -> memref<128x128xf32, #tpu.memory_space<vmem_shared>>
      %dma_start3A_101 = arith.constant 0 : i32
      %dma_start3A_102 = arith.constant 0 : i32
      %dma_start3A_103 = tpu.memref_slice %arg11[%dma_start3A_101, %dma_start3A_102] : memref<128x128xf32, #tpu.memory_space<vmem>> -> memref<128x128xf32, #tpu.memory_space<vmem>>
      %dma_start3A_104 = arith.constant 0 : i32
      %dma_start3A_105 = tpu.memref_slice %arg15[%add3A_84, %dma_start3A_104] : memref<10000x128xf32, #tpu.memory_space<vmem_shared>> -> memref<128x128xf32, #tpu.memory_space<vmem_shared>>
      tpu.enqueue_dma source(%dma_start3A_105 : memref<128x128xf32, #tpu.memory_space<vmem_shared>>) target(%dma_start3A_103 : memref<128x128xf32, #tpu.memory_space<vmem>>) target_semaphore(%run_scoped3A : memref<!tpu.dma_semaphore, #tpu.memory_space<semaphore_mem>>)
      %dma_wait3A_106 = arith.constant 0 : i32
      %dma_wait3A_107 = arith.constant 0 : i32
      %dma_wait3A_108 = tpu.memref_slice %arg11[%dma_wait3A_106, %dma_wait3A_107] : memref<128x128xf32, #tpu.memory_space<vmem>> -> memref<128x128xf32, #tpu.memory_space<vmem>>
      %dma_wait3A_109 = arith.constant 0 : i32
      %dma_wait3A_110 = tpu.memref_slice %arg15[%add3A_84, %dma_wait3A_109] : memref<10000x128xf32, #tpu.memory_space<vmem_shared>> -> memref<128x128xf32, #tpu.memory_space<vmem_shared>>
      %dma_wait3A_111 = arith.constant 0 : i32
      %dma_wait3A_112 = arith.constant 0 : i32
      %dma_wait3A_113 = tpu.memref_slice %arg11[%dma_wait3A_111, %dma_wait3A_112] : memref<128x128xf32, #tpu.memory_space<vmem>> -> memref<128x128xf32, #tpu.memory_space<vmem>>
      %dma_wait3A_114 = arith.constant 0 : i32
      %dma_wait3A_115 = tpu.memref_slice %arg15[%add3A_84, %dma_wait3A_114] : memref<10000x128xf32, #tpu.memory_space<vmem_shared>> -> memref<128x128xf32, #tpu.memory_space<vmem_shared>>
      tpu.wait_dma2 semaphore(%run_scoped3A : memref<!tpu.dma_semaphore, #tpu.memory_space<semaphore_mem>>) src(%dma_wait3A_115 : memref<128x128xf32, #tpu.memory_space<vmem_shared>>) dst(%dma_wait3A_113 : memref<128x128xf32, #tpu.memory_space<vmem>>)
      tpu.yield
    }) : () -> ()
    "tpu.region"() ({
      %run_scoped3A = tpu.sem_alloc : memref<!tpu.dma_semaphore, #tpu.memory_space<semaphore_mem>>
      %dma_start3A_96 = arith.constant 0 : i32
      %dma_start3A_97 = arith.constant 0 : i32
      %dma_start3A_98 = tpu.memref_slice %arg11[%dma_start3A_96, %dma_start3A_97] : memref<128x128xf32, #tpu.memory_space<vmem>> -> memref<128x128xf32, #tpu.memory_space<vmem>>
      %dma_start3A_99 = arith.constant 0 : i32
      %dma_start3A_100 = tpu.memref_slice %arg6[%arg0, %add3A_84, %dma_start3A_99] : memref<2x10000x128xf32, #tpu.memory_space<hbm>> -> memref<1x128x128xf32, #tpu.memory_space<hbm>>
      %dma_start3A_101 = tpu.memref_squeeze %dma_start3A_100 : memref<1x128x128xf32, #tpu.memory_space<hbm>> -> memref<128x128xf32, #tpu.memory_space<hbm>>
      %dma_start3A_102 = arith.constant 0 : i32
      %dma_start3A_103 = tpu.memref_slice %arg6[%arg0, %add3A_84, %dma_start3A_102] : memref<2x10000x128xf32, #tpu.memory_space<hbm>> -> memref<1x128x128xf32, #tpu.memory_space<hbm>>
      %dma_start3A_104 = tpu.memref_squeeze %dma_start3A_103 : memref<1x128x128xf32, #tpu.memory_space<hbm>> -> memref<128x128xf32, #tpu.memory_space<hbm>>
      %dma_start3A_105 = arith.constant 0 : i32
      %dma_start3A_106 = arith.constant 0 : i32
      %dma_start3A_107 = tpu.memref_slice %arg11[%dma_start3A_105, %dma_start3A_106] : memref<128x128xf32, #tpu.memory_space<vmem>> -> memref<128x128xf32, #tpu.memory_space<vmem>>
      tpu.enqueue_dma source(%dma_start3A_107 : memref<128x128xf32, #tpu.memory_space<vmem>>) target(%dma_start3A_104 : memref<128x128xf32, #tpu.memory_space<hbm>>) target_semaphore(%run_scoped3A : memref<!tpu.dma_semaphore, #tpu.memory_space<semaphore_mem>>)
      %dma_wait3A_108 = arith.constant 0 : i32
      %dma_wait3A_109 = arith.constant 0 : i32
      %dma_wait3A_110 = tpu.memref_slice %arg11[%dma_wait3A_108, %dma_wait3A_109] : memref<128x128xf32, #tpu.memory_space<vmem>> -> memref<128x128xf32, #tpu.memory_space<vmem>>
      %dma_wait3A_111 = arith.constant 0 : i32
      %dma_wait3A_112 = tpu.memref_slice %arg6[%arg0, %add3A_84, %dma_wait3A_111] : memref<2x10000x128xf32, #tpu.memory_space<hbm>> -> memref<1x128x128xf32, #tpu.memory_space<hbm>>
      %dma_wait3A_113 = tpu.memref_squeeze %dma_wait3A_112 : memref<1x128x128xf32, #tpu.memory_space<hbm>> -> memref<128x128xf32, #tpu.memory_space<hbm>>
      %dma_wait3A_114 = arith.constant 0 : i32
      %dma_wait3A_115 = tpu.memref_slice %arg6[%arg0, %add3A_84, %dma_wait3A_114] : memref<2x10000x128xf32, #tpu.memory_space<hbm>> -> memref<1x128x128xf32, #tpu.memory_space<hbm>>
      %dma_wait3A_116 = tpu.memref_squeeze %dma_wait3A_115 : memref<1x128x128xf32, #tpu.memory_space<hbm>> -> memref<128x128xf32, #tpu.memory_space<hbm>>
      %dma_wait3A_117 = arith.constant 0 : i32
      %dma_wait3A_118 = arith.constant 0 : i32
      %dma_wait3A_119 = tpu.memref_slice %arg11[%dma_wait3A_117, %dma_wait3A_118] : memref<128x128xf32, #tpu.memory_space<vmem>> -> memref<128x128xf32, #tpu.memory_space<vmem>>
      tpu.wait_dma2 semaphore(%run_scoped3A : memref<!tpu.dma_semaphore, #tpu.memory_space<semaphore_mem>>) src(%dma_wait3A_119 : memref<128x128xf32, #tpu.memory_space<vmem>>) dst(%dma_wait3A_116 : memref<128x128xf32, #tpu.memory_space<hbm>>)
      tpu.yield
    }) : () -> ()
    %add3A_85 = arith.constant 256 : i32
    %add3A_86 = arith.addi %mul3A_2, %add3A_85 : i32
    "tpu.region"() ({
      %run_scoped3A = tpu.sem_alloc : memref<!tpu.dma_semaphore, #tpu.memory_space<semaphore_mem>>
      %dma_start3A_96 = arith.constant 0 : i32
      %dma_start3A_97 = arith.constant 0 : i32
      %dma_start3A_98 = tpu.memref_slice %arg11[%dma_start3A_96, %dma_start3A_97] : memref<128x128xf32, #tpu.memory_space<vmem>> -> memref<128x128xf32, #tpu.memory_space<vmem>>
      %dma_start3A_99 = arith.constant 0 : i32
      %dma_start3A_100 = tpu.memref_slice %arg15[%add3A_86, %dma_start3A_99] : memref<10000x128xf32, #tpu.memory_space<vmem_shared>> -> memref<128x128xf32, #tpu.memory_space<vmem_shared>>
      %dma_start3A_101 = arith.constant 0 : i32
      %dma_start3A_102 = arith.constant 0 : i32
      %dma_start3A_103 = tpu.memref_slice %arg11[%dma_start3A_101, %dma_start3A_102] : memref<128x128xf32, #tpu.memory_space<vmem>> -> memref<128x128xf32, #tpu.memory_space<vmem>>
      %dma_start3A_104 = arith.constant 0 : i32
      %dma_start3A_105 = tpu.memref_slice %arg15[%add3A_86, %dma_start3A_104] : memref<10000x128xf32, #tpu.memory_space<vmem_shared>> -> memref<128x128xf32, #tpu.memory_space<vmem_shared>>
      tpu.enqueue_dma source(%dma_start3A_105 : memref<128x128xf32, #tpu.memory_space<vmem_shared>>) target(%dma_start3A_103 : memref<128x128xf32, #tpu.memory_space<vmem>>) target_semaphore(%run_scoped3A : memref<!tpu.dma_semaphore, #tpu.memory_space<semaphore_mem>>)
      %dma_wait3A_106 = arith.constant 0 : i32
      %dma_wait3A_107 = arith.constant 0 : i32
      %dma_wait3A_108 = tpu.memref_slice %arg11[%dma_wait3A_106, %dma_wait3A_107] : memref<128x128xf32, #tpu.memory_space<vmem>> -> memref<128x128xf32, #tpu.memory_space<vmem>>
      %dma_wait3A_109 = arith.constant 0 : i32
      %dma_wait3A_110 = tpu.memref_slice %arg15[%add3A_86, %dma_wait3A_109] : memref<10000x128xf32, #tpu.memory_space<vmem_shared>> -> memref<128x128xf32, #tpu.memory_space<vmem_shared>>
      %dma_wait3A_111 = arith.constant 0 : i32
      %dma_wait3A_112 = arith.constant 0 : i32
      %dma_wait3A_113 = tpu.memref_slice %arg11[%dma_wait3A_111, %dma_wait3A_112] : memref<128x128xf32, #tpu.memory_space<vmem>> -> memref<128x128xf32, #tpu.memory_space<vmem>>
      %dma_wait3A_114 = arith.constant 0 : i32
      %dma_wait3A_115 = tpu.memref_slice %arg15[%add3A_86, %dma_wait3A_114] : memref<10000x128xf32, #tpu.memory_space<vmem_shared>> -> memref<128x128xf32, #tpu.memory_space<vmem_shared>>
      tpu.wait_dma2 semaphore(%run_scoped3A : memref<!tpu.dma_semaphore, #tpu.memory_space<semaphore_mem>>) src(%dma_wait3A_115 : memref<128x128xf32, #tpu.memory_space<vmem_shared>>) dst(%dma_wait3A_113 : memref<128x128xf32, #tpu.memory_space<vmem>>)
      tpu.yield
    }) : () -> ()
    "tpu.region"() ({
      %run_scoped3A = tpu.sem_alloc : memref<!tpu.dma_semaphore, #tpu.memory_space<semaphore_mem>>
      %dma_start3A_96 = arith.constant 0 : i32
      %dma_start3A_97 = arith.constant 0 : i32
      %dma_start3A_98 = tpu.memref_slice %arg11[%dma_start3A_96, %dma_start3A_97] : memref<128x128xf32, #tpu.memory_space<vmem>> -> memref<128x128xf32, #tpu.memory_space<vmem>>
      %dma_start3A_99 = arith.constant 0 : i32
      %dma_start3A_100 = tpu.memref_slice %arg6[%arg0, %add3A_86, %dma_start3A_99] : memref<2x10000x128xf32, #tpu.memory_space<hbm>> -> memref<1x128x128xf32, #tpu.memory_space<hbm>>
      %dma_start3A_101 = tpu.memref_squeeze %dma_start3A_100 : memref<1x128x128xf32, #tpu.memory_space<hbm>> -> memref<128x128xf32, #tpu.memory_space<hbm>>
      %dma_start3A_102 = arith.constant 0 : i32
      %dma_start3A_103 = tpu.memref_slice %arg6[%arg0, %add3A_86, %dma_start3A_102] : memref<2x10000x128xf32, #tpu.memory_space<hbm>> -> memref<1x128x128xf32, #tpu.memory_space<hbm>>
      %dma_start3A_104 = tpu.memref_squeeze %dma_start3A_103 : memref<1x128x128xf32, #tpu.memory_space<hbm>> -> memref<128x128xf32, #tpu.memory_space<hbm>>
      %dma_start3A_105 = arith.constant 0 : i32
      %dma_start3A_106 = arith.constant 0 : i32
      %dma_start3A_107 = tpu.memref_slice %arg11[%dma_start3A_105, %dma_start3A_106] : memref<128x128xf32, #tpu.memory_space<vmem>> -> memref<128x128xf32, #tpu.memory_space<vmem>>
      tpu.enqueue_dma source(%dma_start3A_107 : memref<128x128xf32, #tpu.memory_space<vmem>>) target(%dma_start3A_104 : memref<128x128xf32, #tpu.memory_space<hbm>>) target_semaphore(%run_scoped3A : memref<!tpu.dma_semaphore, #tpu.memory_space<semaphore_mem>>)
      %dma_wait3A_108 = arith.constant 0 : i32
      %dma_wait3A_109 = arith.constant 0 : i32
      %dma_wait3A_110 = tpu.memref_slice %arg11[%dma_wait3A_108, %dma_wait3A_109] : memref<128x128xf32, #tpu.memory_space<vmem>> -> memref<128x128xf32, #tpu.memory_space<vmem>>
      %dma_wait3A_111 = arith.constant 0 : i32
      %dma_wait3A_112 = tpu.memref_slice %arg6[%arg0, %add3A_86, %dma_wait3A_111] : memref<2x10000x128xf32, #tpu.memory_space<hbm>> -> memref<1x128x128xf32, #tpu.memory_space<hbm>>
      %dma_wait3A_113 = tpu.memref_squeeze %dma_wait3A_112 : memref<1x128x128xf32, #tpu.memory_space<hbm>> -> memref<128x128xf32, #tpu.memory_space<hbm>>
      %dma_wait3A_114 = arith.constant 0 : i32
      %dma_wait3A_115 = tpu.memref_slice %arg6[%arg0, %add3A_86, %dma_wait3A_114] : memref<2x10000x128xf32, #tpu.memory_space<hbm>> -> memref<1x128x128xf32, #tpu.memory_space<hbm>>
      %dma_wait3A_116 = tpu.memref_squeeze %dma_wait3A_115 : memref<1x128x128xf32, #tpu.memory_space<hbm>> -> memref<128x128xf32, #tpu.memory_space<hbm>>
      %dma_wait3A_117 = arith.constant 0 : i32
      %dma_wait3A_118 = arith.constant 0 : i32
      %dma_wait3A_119 = tpu.memref_slice %arg11[%dma_wait3A_117, %dma_wait3A_118] : memref<128x128xf32, #tpu.memory_space<vmem>> -> memref<128x128xf32, #tpu.memory_space<vmem>>
      tpu.wait_dma2 semaphore(%run_scoped3A : memref<!tpu.dma_semaphore, #tpu.memory_space<semaphore_mem>>) src(%dma_wait3A_119 : memref<128x128xf32, #tpu.memory_space<vmem>>) dst(%dma_wait3A_116 : memref<128x128xf32, #tpu.memory_space<hbm>>)
      tpu.yield
    }) : () -> ()
    %add3A_87 = arith.constant 384 : i32
    %add3A_88 = arith.addi %mul3A_2, %add3A_87 : i32
    "tpu.region"() ({
      %run_scoped3A = tpu.sem_alloc : memref<!tpu.dma_semaphore, #tpu.memory_space<semaphore_mem>>
      %dma_start3A_96 = arith.constant 0 : i32
      %dma_start3A_97 = arith.constant 0 : i32
      %dma_start3A_98 = tpu.memref_slice %arg11[%dma_start3A_96, %dma_start3A_97] : memref<128x128xf32, #tpu.memory_space<vmem>> -> memref<128x128xf32, #tpu.memory_space<vmem>>
      %dma_start3A_99 = arith.constant 0 : i32
      %dma_start3A_100 = tpu.memref_slice %arg15[%add3A_88, %dma_start3A_99] : memref<10000x128xf32, #tpu.memory_space<vmem_shared>> -> memref<128x128xf32, #tpu.memory_space<vmem_shared>>
      %dma_start3A_101 = arith.constant 0 : i32
      %dma_start3A_102 = arith.constant 0 : i32
      %dma_start3A_103 = tpu.memref_slice %arg11[%dma_start3A_101, %dma_start3A_102] : memref<128x128xf32, #tpu.memory_space<vmem>> -> memref<128x128xf32, #tpu.memory_space<vmem>>
      %dma_start3A_104 = arith.constant 0 : i32
      %dma_start3A_105 = tpu.memref_slice %arg15[%add3A_88, %dma_start3A_104] : memref<10000x128xf32, #tpu.memory_space<vmem_shared>> -> memref<128x128xf32, #tpu.memory_space<vmem_shared>>
      tpu.enqueue_dma source(%dma_start3A_105 : memref<128x128xf32, #tpu.memory_space<vmem_shared>>) target(%dma_start3A_103 : memref<128x128xf32, #tpu.memory_space<vmem>>) target_semaphore(%run_scoped3A : memref<!tpu.dma_semaphore, #tpu.memory_space<semaphore_mem>>)
      %dma_wait3A_106 = arith.constant 0 : i32
      %dma_wait3A_107 = arith.constant 0 : i32
      %dma_wait3A_108 = tpu.memref_slice %arg11[%dma_wait3A_106, %dma_wait3A_107] : memref<128x128xf32, #tpu.memory_space<vmem>> -> memref<128x128xf32, #tpu.memory_space<vmem>>
      %dma_wait3A_109 = arith.constant 0 : i32
      %dma_wait3A_110 = tpu.memref_slice %arg15[%add3A_88, %dma_wait3A_109] : memref<10000x128xf32, #tpu.memory_space<vmem_shared>> -> memref<128x128xf32, #tpu.memory_space<vmem_shared>>
      %dma_wait3A_111 = arith.constant 0 : i32
      %dma_wait3A_112 = arith.constant 0 : i32
      %dma_wait3A_113 = tpu.memref_slice %arg11[%dma_wait3A_111, %dma_wait3A_112] : memref<128x128xf32, #tpu.memory_space<vmem>> -> memref<128x128xf32, #tpu.memory_space<vmem>>
      %dma_wait3A_114 = arith.constant 0 : i32
      %dma_wait3A_115 = tpu.memref_slice %arg15[%add3A_88, %dma_wait3A_114] : memref<10000x128xf32, #tpu.memory_space<vmem_shared>> -> memref<128x128xf32, #tpu.memory_space<vmem_shared>>
      tpu.wait_dma2 semaphore(%run_scoped3A : memref<!tpu.dma_semaphore, #tpu.memory_space<semaphore_mem>>) src(%dma_wait3A_115 : memref<128x128xf32, #tpu.memory_space<vmem_shared>>) dst(%dma_wait3A_113 : memref<128x128xf32, #tpu.memory_space<vmem>>)
      tpu.yield
    }) : () -> ()
    "tpu.region"() ({
      %run_scoped3A = tpu.sem_alloc : memref<!tpu.dma_semaphore, #tpu.memory_space<semaphore_mem>>
      %dma_start3A_96 = arith.constant 0 : i32
      %dma_start3A_97 = arith.constant 0 : i32
      %dma_start3A_98 = tpu.memref_slice %arg11[%dma_start3A_96, %dma_start3A_97] : memref<128x128xf32, #tpu.memory_space<vmem>> -> memref<128x128xf32, #tpu.memory_space<vmem>>
      %dma_start3A_99 = arith.constant 0 : i32
      %dma_start3A_100 = tpu.memref_slice %arg6[%arg0, %add3A_88, %dma_start3A_99] : memref<2x10000x128xf32, #tpu.memory_space<hbm>> -> memref<1x128x128xf32, #tpu.memory_space<hbm>>
      %dma_start3A_101 = tpu.memref_squeeze %dma_start3A_100 : memref<1x128x128xf32, #tpu.memory_space<hbm>> -> memref<128x128xf32, #tpu.memory_space<hbm>>
      %dma_start3A_102 = arith.constant 0 : i32
      %dma_start3A_103 = tpu.memref_slice %arg6[%arg0, %add3A_88, %dma_start3A_102] : memref<2x10000x128xf32, #tpu.memory_space<hbm>> -> memref<1x128x128xf32, #tpu.memory_space<hbm>>
      %dma_start3A_104 = tpu.memref_squeeze %dma_start3A_103 : memref<1x128x128xf32, #tpu.memory_space<hbm>> -> memref<128x128xf32, #tpu.memory_space<hbm>>
      %dma_start3A_105 = arith.constant 0 : i32
      %dma_start3A_106 = arith.constant 0 : i32
      %dma_start3A_107 = tpu.memref_slice %arg11[%dma_start3A_105, %dma_start3A_106] : memref<128x128xf32, #tpu.memory_space<vmem>> -> memref<128x128xf32, #tpu.memory_space<vmem>>
      tpu.enqueue_dma source(%dma_start3A_107 : memref<128x128xf32, #tpu.memory_space<vmem>>) target(%dma_start3A_104 : memref<128x128xf32, #tpu.memory_space<hbm>>) target_semaphore(%run_scoped3A : memref<!tpu.dma_semaphore, #tpu.memory_space<semaphore_mem>>)
      %dma_wait3A_108 = arith.constant 0 : i32
      %dma_wait3A_109 = arith.constant 0 : i32
      %dma_wait3A_110 = tpu.memref_slice %arg11[%dma_wait3A_108, %dma_wait3A_109] : memref<128x128xf32, #tpu.memory_space<vmem>> -> memref<128x128xf32, #tpu.memory_space<vmem>>
      %dma_wait3A_111 = arith.constant 0 : i32
      %dma_wait3A_112 = tpu.memref_slice %arg6[%arg0, %add3A_88, %dma_wait3A_111] : memref<2x10000x128xf32, #tpu.memory_space<hbm>> -> memref<1x128x128xf32, #tpu.memory_space<hbm>>
      %dma_wait3A_113 = tpu.memref_squeeze %dma_wait3A_112 : memref<1x128x128xf32, #tpu.memory_space<hbm>> -> memref<128x128xf32, #tpu.memory_space<hbm>>
      %dma_wait3A_114 = arith.constant 0 : i32
      %dma_wait3A_115 = tpu.memref_slice %arg6[%arg0, %add3A_88, %dma_wait3A_114] : memref<2x10000x128xf32, #tpu.memory_space<hbm>> -> memref<1x128x128xf32, #tpu.memory_space<hbm>>
      %dma_wait3A_116 = tpu.memref_squeeze %dma_wait3A_115 : memref<1x128x128xf32, #tpu.memory_space<hbm>> -> memref<128x128xf32, #tpu.memory_space<hbm>>
      %dma_wait3A_117 = arith.constant 0 : i32
      %dma_wait3A_118 = arith.constant 0 : i32
      %dma_wait3A_119 = tpu.memref_slice %arg11[%dma_wait3A_117, %dma_wait3A_118] : memref<128x128xf32, #tpu.memory_space<vmem>> -> memref<128x128xf32, #tpu.memory_space<vmem>>
      tpu.wait_dma2 semaphore(%run_scoped3A : memref<!tpu.dma_semaphore, #tpu.memory_space<semaphore_mem>>) src(%dma_wait3A_119 : memref<128x128xf32, #tpu.memory_space<vmem>>) dst(%dma_wait3A_116 : memref<128x128xf32, #tpu.memory_space<hbm>>)
      tpu.yield
    }) : () -> ()
    %add3A_89 = arith.constant 512 : i32
    %add3A_90 = arith.addi %mul3A_2, %add3A_89 : i32
    "tpu.region"() ({
      %run_scoped3A = tpu.sem_alloc : memref<!tpu.dma_semaphore, #tpu.memory_space<semaphore_mem>>
      %dma_start3A_96 = arith.constant 0 : i32
      %dma_start3A_97 = arith.constant 0 : i32
      %dma_start3A_98 = tpu.memref_slice %arg11[%dma_start3A_96, %dma_start3A_97] : memref<128x128xf32, #tpu.memory_space<vmem>> -> memref<112x128xf32, #tpu.memory_space<vmem>>
      %dma_start3A_99 = arith.constant 0 : i32
      %dma_start3A_100 = tpu.memref_slice %arg15[%add3A_90, %dma_start3A_99] : memref<10000x128xf32, #tpu.memory_space<vmem_shared>> -> memref<112x128xf32, #tpu.memory_space<vmem_shared>>
      %dma_start3A_101 = arith.constant 0 : i32
      %dma_start3A_102 = arith.constant 0 : i32
      %dma_start3A_103 = tpu.memref_slice %arg11[%dma_start3A_101, %dma_start3A_102] : memref<128x128xf32, #tpu.memory_space<vmem>> -> memref<112x128xf32, #tpu.memory_space<vmem>>
      %dma_start3A_104 = arith.constant 0 : i32
      %dma_start3A_105 = tpu.memref_slice %arg15[%add3A_90, %dma_start3A_104] : memref<10000x128xf32, #tpu.memory_space<vmem_shared>> -> memref<112x128xf32, #tpu.memory_space<vmem_shared>>
      tpu.enqueue_dma source(%dma_start3A_105 : memref<112x128xf32, #tpu.memory_space<vmem_shared>>) target(%dma_start3A_103 : memref<112x128xf32, #tpu.memory_space<vmem>>) target_semaphore(%run_scoped3A : memref<!tpu.dma_semaphore, #tpu.memory_space<semaphore_mem>>)
      %dma_wait3A_106 = arith.constant 0 : i32
      %dma_wait3A_107 = arith.constant 0 : i32
      %dma_wait3A_108 = tpu.memref_slice %arg11[%dma_wait3A_106, %dma_wait3A_107] : memref<128x128xf32, #tpu.memory_space<vmem>> -> memref<112x128xf32, #tpu.memory_space<vmem>>
      %dma_wait3A_109 = arith.constant 0 : i32
      %dma_wait3A_110 = tpu.memref_slice %arg15[%add3A_90, %dma_wait3A_109] : memref<10000x128xf32, #tpu.memory_space<vmem_shared>> -> memref<112x128xf32, #tpu.memory_space<vmem_shared>>
      %dma_wait3A_111 = arith.constant 0 : i32
      %dma_wait3A_112 = arith.constant 0 : i32
      %dma_wait3A_113 = tpu.memref_slice %arg11[%dma_wait3A_111, %dma_wait3A_112] : memref<128x128xf32, #tpu.memory_space<vmem>> -> memref<112x128xf32, #tpu.memory_space<vmem>>
      %dma_wait3A_114 = arith.constant 0 : i32
      %dma_wait3A_115 = tpu.memref_slice %arg15[%add3A_90, %dma_wait3A_114] : memref<10000x128xf32, #tpu.memory_space<vmem_shared>> -> memref<112x128xf32, #tpu.memory_space<vmem_shared>>
      tpu.wait_dma2 semaphore(%run_scoped3A : memref<!tpu.dma_semaphore, #tpu.memory_space<semaphore_mem>>) src(%dma_wait3A_115 : memref<112x128xf32, #tpu.memory_space<vmem_shared>>) dst(%dma_wait3A_113 : memref<112x128xf32, #tpu.memory_space<vmem>>)
      tpu.yield
    }) : () -> ()
    "tpu.region"() ({
      %run_scoped3A = tpu.sem_alloc : memref<!tpu.dma_semaphore, #tpu.memory_space<semaphore_mem>>
      %dma_start3A_96 = arith.constant 0 : i32
      %dma_start3A_97 = arith.constant 0 : i32
      %dma_start3A_98 = tpu.memref_slice %arg11[%dma_start3A_96, %dma_start3A_97] : memref<128x128xf32, #tpu.memory_space<vmem>> -> memref<112x128xf32, #tpu.memory_space<vmem>>
      %dma_start3A_99 = arith.constant 0 : i32
      %dma_start3A_100 = tpu.memref_slice %arg6[%arg0, %add3A_90, %dma_start3A_99] : memref<2x10000x128xf32, #tpu.memory_space<hbm>> -> memref<1x112x128xf32, #tpu.memory_space<hbm>>
      %dma_start3A_101 = tpu.memref_squeeze %dma_start3A_100 : memref<1x112x128xf32, #tpu.memory_space<hbm>> -> memref<112x128xf32, #tpu.memory_space<hbm>>
      %dma_start3A_102 = arith.constant 0 : i32
      %dma_start3A_103 = tpu.memref_slice %arg6[%arg0, %add3A_90, %dma_start3A_102] : memref<2x10000x128xf32, #tpu.memory_space<hbm>> -> memref<1x112x128xf32, #tpu.memory_space<hbm>>
      %dma_start3A_104 = tpu.memref_squeeze %dma_start3A_103 : memref<1x112x128xf32, #tpu.memory_space<hbm>> -> memref<112x128xf32, #tpu.memory_space<hbm>>
      %dma_start3A_105 = arith.constant 0 : i32
      %dma_start3A_106 = arith.constant 0 : i32
      %dma_start3A_107 = tpu.memref_slice %arg11[%dma_start3A_105, %dma_start3A_106] : memref<128x128xf32, #tpu.memory_space<vmem>> -> memref<112x128xf32, #tpu.memory_space<vmem>>
      tpu.enqueue_dma source(%dma_start3A_107 : memref<112x128xf32, #tpu.memory_space<vmem>>) target(%dma_start3A_104 : memref<112x128xf32, #tpu.memory_space<hbm>>) target_semaphore(%run_scoped3A : memref<!tpu.dma_semaphore, #tpu.memory_space<semaphore_mem>>)
      %dma_wait3A_108 = arith.constant 0 : i32
      %dma_wait3A_109 = arith.constant 0 : i32
      %dma_wait3A_110 = tpu.memref_slice %arg11[%dma_wait3A_108, %dma_wait3A_109] : memref<128x128xf32, #tpu.memory_space<vmem>> -> memref<112x128xf32, #tpu.memory_space<vmem>>
      %dma_wait3A_111 = arith.constant 0 : i32
      %dma_wait3A_112 = tpu.memref_slice %arg6[%arg0, %add3A_90, %dma_wait3A_111] : memref<2x10000x128xf32, #tpu.memory_space<hbm>> -> memref<1x112x128xf32, #tpu.memory_space<hbm>>
      %dma_wait3A_113 = tpu.memref_squeeze %dma_wait3A_112 : memref<1x112x128xf32, #tpu.memory_space<hbm>> -> memref<112x128xf32, #tpu.memory_space<hbm>>
      %dma_wait3A_114 = arith.constant 0 : i32
      %dma_wait3A_115 = tpu.memref_slice %arg6[%arg0, %add3A_90, %dma_wait3A_114] : memref<2x10000x128xf32, #tpu.memory_space<hbm>> -> memref<1x112x128xf32, #tpu.memory_space<hbm>>
      %dma_wait3A_116 = tpu.memref_squeeze %dma_wait3A_115 : memref<1x112x128xf32, #tpu.memory_space<hbm>> -> memref<112x128xf32, #tpu.memory_space<hbm>>
      %dma_wait3A_117 = arith.constant 0 : i32
      %dma_wait3A_118 = arith.constant 0 : i32
      %dma_wait3A_119 = tpu.memref_slice %arg11[%dma_wait3A_117, %dma_wait3A_118] : memref<128x128xf32, #tpu.memory_space<vmem>> -> memref<112x128xf32, #tpu.memory_space<vmem>>
      tpu.wait_dma2 semaphore(%run_scoped3A : memref<!tpu.dma_semaphore, #tpu.memory_space<semaphore_mem>>) src(%dma_wait3A_119 : memref<112x128xf32, #tpu.memory_space<vmem>>) dst(%dma_wait3A_116 : memref<112x128xf32, #tpu.memory_space<hbm>>)
      tpu.yield
    }) : () -> ()
    %eq3A_91 = arith.constant 0 : i32
    %eq3A_92 = arith.cmpi eq, %arg1, %eq3A_91 : i32
    %convert_element_type3A_93 = arith.extui %eq3A_92 : i1 to i32
    %cond3A_94 = arith.constant 0 : i32
    %cond3A_95 = arith.cmpi ne, %convert_element_type3A_93, %cond3A_94 : i32
    scf.if %cond3A_95 {
      "tpu.region"() ({
        %run_scoped3A = tpu.sem_alloc : memref<!tpu.dma_semaphore, #tpu.memory_space<semaphore_mem>>
        %dma_start3A_96 = arith.constant 0 : i32
        %dma_start3A_97 = arith.constant 0 : i32
        %dma_start3A_98 = tpu.memref_slice %arg11[%dma_start3A_96, %dma_start3A_97] : memref<128x128xf32, #tpu.memory_space<vmem>> -> memref<16x128xf32, #tpu.memory_space<vmem>>
        %dma_start3A_99 = arith.constant 9984 : i32
        %dma_start3A_100 = arith.constant 0 : i32
        %dma_start3A_101 = tpu.memref_slice %arg15[%dma_start3A_99, %dma_start3A_100] : memref<10000x128xf32, #tpu.memory_space<vmem_shared>> -> memref<16x128xf32, #tpu.memory_space<vmem_shared>>
        %dma_start3A_102 = arith.constant 0 : i32
        %dma_start3A_103 = arith.constant 0 : i32
        %dma_start3A_104 = tpu.memref_slice %arg11[%dma_start3A_102, %dma_start3A_103] : memref<128x128xf32, #tpu.memory_space<vmem>> -> memref<16x128xf32, #tpu.memory_space<vmem>>
        %dma_start3A_105 = arith.constant 9984 : i32
        %dma_start3A_106 = arith.constant 0 : i32
        %dma_start3A_107 = tpu.memref_slice %arg15[%dma_start3A_105, %dma_start3A_106] : memref<10000x128xf32, #tpu.memory_space<vmem_shared>> -> memref<16x128xf32, #tpu.memory_space<vmem_shared>>
        tpu.enqueue_dma source(%dma_start3A_107 : memref<16x128xf32, #tpu.memory_space<vmem_shared>>) target(%dma_start3A_104 : memref<16x128xf32, #tpu.memory_space<vmem>>) target_semaphore(%run_scoped3A : memref<!tpu.dma_semaphore, #tpu.memory_space<semaphore_mem>>)
        %dma_wait3A_108 = arith.constant 0 : i32
        %dma_wait3A_109 = arith.constant 0 : i32
        %dma_wait3A_110 = tpu.memref_slice %arg11[%dma_wait3A_108, %dma_wait3A_109] : memref<128x128xf32, #tpu.memory_space<vmem>> -> memref<16x128xf32, #tpu.memory_space<vmem>>
        %dma_wait3A_111 = arith.constant 9984 : i32
        %dma_wait3A_112 = arith.constant 0 : i32
        %dma_wait3A_113 = tpu.memref_slice %arg15[%dma_wait3A_111, %dma_wait3A_112] : memref<10000x128xf32, #tpu.memory_space<vmem_shared>> -> memref<16x128xf32, #tpu.memory_space<vmem_shared>>
        %dma_wait3A_114 = arith.constant 0 : i32
        %dma_wait3A_115 = arith.constant 0 : i32
        %dma_wait3A_116 = tpu.memref_slice %arg11[%dma_wait3A_114, %dma_wait3A_115] : memref<128x128xf32, #tpu.memory_space<vmem>> -> memref<16x128xf32, #tpu.memory_space<vmem>>
        %dma_wait3A_117 = arith.constant 9984 : i32
        %dma_wait3A_118 = arith.constant 0 : i32
        %dma_wait3A_119 = tpu.memref_slice %arg15[%dma_wait3A_117, %dma_wait3A_118] : memref<10000x128xf32, #tpu.memory_space<vmem_shared>> -> memref<16x128xf32, #tpu.memory_space<vmem_shared>>
        tpu.wait_dma2 semaphore(%run_scoped3A : memref<!tpu.dma_semaphore, #tpu.memory_space<semaphore_mem>>) src(%dma_wait3A_119 : memref<16x128xf32, #tpu.memory_space<vmem_shared>>) dst(%dma_wait3A_116 : memref<16x128xf32, #tpu.memory_space<vmem>>)
        tpu.yield
      }) : () -> ()
      "tpu.region"() ({
        %run_scoped3A = tpu.sem_alloc : memref<!tpu.dma_semaphore, #tpu.memory_space<semaphore_mem>>
        %dma_start3A_96 = arith.constant 0 : i32
        %dma_start3A_97 = arith.constant 0 : i32
        %dma_start3A_98 = tpu.memref_slice %arg11[%dma_start3A_96, %dma_start3A_97] : memref<128x128xf32, #tpu.memory_space<vmem>> -> memref<16x128xf32, #tpu.memory_space<vmem>>
        %dma_start3A_99 = arith.constant 9984 : i32
        %dma_start3A_100 = arith.constant 0 : i32
        %dma_start3A_101 = tpu.memref_slice %arg6[%arg0, %dma_start3A_99, %dma_start3A_100] : memref<2x10000x128xf32, #tpu.memory_space<hbm>> -> memref<1x16x128xf32, #tpu.memory_space<hbm>>
        %dma_start3A_102 = tpu.memref_squeeze %dma_start3A_101 : memref<1x16x128xf32, #tpu.memory_space<hbm>> -> memref<16x128xf32, #tpu.memory_space<hbm>>
        %dma_start3A_103 = arith.constant 9984 : i32
        %dma_start3A_104 = arith.constant 0 : i32
        %dma_start3A_105 = tpu.memref_slice %arg6[%arg0, %dma_start3A_103, %dma_start3A_104] : memref<2x10000x128xf32, #tpu.memory_space<hbm>> -> memref<1x16x128xf32, #tpu.memory_space<hbm>>
        %dma_start3A_106 = tpu.memref_squeeze %dma_start3A_105 : memref<1x16x128xf32, #tpu.memory_space<hbm>> -> memref<16x128xf32, #tpu.memory_space<hbm>>
        %dma_start3A_107 = arith.constant 0 : i32
        %dma_start3A_108 = arith.constant 0 : i32
        %dma_start3A_109 = tpu.memref_slice %arg11[%dma_start3A_107, %dma_start3A_108] : memref<128x128xf32, #tpu.memory_space<vmem>> -> memref<16x128xf32, #tpu.memory_space<vmem>>
        tpu.enqueue_dma source(%dma_start3A_109 : memref<16x128xf32, #tpu.memory_space<vmem>>) target(%dma_start3A_106 : memref<16x128xf32, #tpu.memory_space<hbm>>) target_semaphore(%run_scoped3A : memref<!tpu.dma_semaphore, #tpu.memory_space<semaphore_mem>>)
        %dma_wait3A_110 = arith.constant 0 : i32
        %dma_wait3A_111 = arith.constant 0 : i32
        %dma_wait3A_112 = tpu.memref_slice %arg11[%dma_wait3A_110, %dma_wait3A_111] : memref<128x128xf32, #tpu.memory_space<vmem>> -> memref<16x128xf32, #tpu.memory_space<vmem>>
        %dma_wait3A_113 = arith.constant 9984 : i32
        %dma_wait3A_114 = arith.constant 0 : i32
        %dma_wait3A_115 = tpu.memref_slice %arg6[%arg0, %dma_wait3A_113, %dma_wait3A_114] : memref<2x10000x128xf32, #tpu.memory_space<hbm>> -> memref<1x16x128xf32, #tpu.memory_space<hbm>>
        %dma_wait3A_116 = tpu.memref_squeeze %dma_wait3A_115 : memref<1x16x128xf32, #tpu.memory_space<hbm>> -> memref<16x128xf32, #tpu.memory_space<hbm>>
        %dma_wait3A_117 = arith.constant 9984 : i32
        %dma_wait3A_118 = arith.constant 0 : i32
        %dma_wait3A_119 = tpu.memref_slice %arg6[%arg0, %dma_wait3A_117, %dma_wait3A_118] : memref<2x10000x128xf32, #tpu.memory_space<hbm>> -> memref<1x16x128xf32, #tpu.memory_space<hbm>>
        %dma_wait3A_120 = tpu.memref_squeeze %dma_wait3A_119 : memref<1x16x128xf32, #tpu.memory_space<hbm>> -> memref<16x128xf32, #tpu.memory_space<hbm>>
        %dma_wait3A_121 = arith.constant 0 : i32
        %dma_wait3A_122 = arith.constant 0 : i32
        %dma_wait3A_123 = tpu.memref_slice %arg11[%dma_wait3A_121, %dma_wait3A_122] : memref<128x128xf32, #tpu.memory_space<vmem>> -> memref<16x128xf32, #tpu.memory_space<vmem>>
        tpu.wait_dma2 semaphore(%run_scoped3A : memref<!tpu.dma_semaphore, #tpu.memory_space<semaphore_mem>>) src(%dma_wait3A_123 : memref<16x128xf32, #tpu.memory_space<vmem>>) dst(%dma_wait3A_120 : memref<16x128xf32, #tpu.memory_space<hbm>>)
        tpu.yield
      }) : () -> ()
    } else {
    }
    return
  }
}

module attributes {stable_mosaic.version = 14 : i64} {
  func.func @_tc_body(%arg0: i32, %arg1: memref<2x1000x128xf32, #tpu.memory_space<vmem>>, %arg2: memref<2x1000x1xf32, #tpu.memory_space<vmem>>, %arg3: memref<128x128xf32, #tpu.memory_space<vmem>>, %arg4: memref<1x128xf32, #tpu.memory_space<vmem>>, %arg5: memref<1x128xf32, #tpu.memory_space<vmem>>, %arg6: memref<1x128xf32, #tpu.memory_space<vmem>>, %arg7: memref<1000x128xf32, #tpu.memory_space<vmem>>) attributes {dimension_semantics = [#tpu.dimension_semantics<arbitrary>], iteration_bounds = array<i64: 10>, scalar_prefetch = 0 : i64, scratch_operands = 0 : i64, tpu.core_type = #tpu.core_type<tc>, window_params = [{transform_indices = @transform_0, window_bounds = array<i64: 2, 1000, 128>}, {transform_indices = @transform_1, window_bounds = array<i64: 2, 1000, 1>}, {pipeline_mode = #tpu.pipeline_mode<synchronous>, transform_indices = @transform_2, window_bounds = array<i64: 128, 128>}, {pipeline_mode = #tpu.pipeline_mode<synchronous>, transform_indices = @transform_3, window_bounds = array<i64: 1, 128>}, {pipeline_mode = #tpu.pipeline_mode<synchronous>, transform_indices = @transform_4, window_bounds = array<i64: 1, 128>}, {pipeline_mode = #tpu.pipeline_mode<synchronous>, transform_indices = @transform_5, window_bounds = array<i64: 1, 128>}, {transform_indices = @transform_6, window_bounds = array<i64: 1000, 128>}]} {
    %get3A = arith.constant 0 : index
    %get3A_0 = arith.constant 0 : index
    %get3A_1 = arith.constant 0 : index
    %get3A_2 = vector.load %arg1[%get3A, %get3A_0, %get3A_1] : memref<2x1000x128xf32, #tpu.memory_space<vmem>>, vector<1x1000x128xf32>
    %get3A_3 = vector.shape_cast %get3A_2 : vector<1x1000x128xf32> to vector<1000x128xf32>
    %get3A_4 = arith.constant 1 : index
    %get3A_5 = arith.constant 0 : index
    %get3A_6 = arith.constant 0 : index
    %get3A_7 = vector.load %arg1[%get3A_4, %get3A_5, %get3A_6] : memref<2x1000x128xf32, #tpu.memory_space<vmem>>, vector<1x1000x128xf32>
    %get3A_8 = vector.shape_cast %get3A_7 : vector<1x1000x128xf32> to vector<1000x128xf32>
    %add3A = arith.addf %get3A_3, %get3A_8 : vector<1000x128xf32>
    %get3A_9 = arith.constant 0 : index
    %get3A_10 = arith.constant 0 : index
    %get3A_11 = arith.constant 0 : index
    %get3A_12 = vector.load %arg2[%get3A_9, %get3A_10, %get3A_11] : memref<2x1000x1xf32, #tpu.memory_space<vmem>>, vector<1x1000x1xf32>
    %get3A_13 = vector.shape_cast %get3A_12 : vector<1x1000x1xf32> to vector<1000x1xf32>
    %get3A_14 = arith.constant 1 : index
    %get3A_15 = arith.constant 0 : index
    %get3A_16 = arith.constant 0 : index
    %get3A_17 = vector.load %arg2[%get3A_14, %get3A_15, %get3A_16] : memref<2x1000x1xf32, #tpu.memory_space<vmem>>, vector<1x1000x1xf32>
    %get3A_18 = vector.shape_cast %get3A_17 : vector<1x1000x1xf32> to vector<1000x1xf32>
    %add3A_19 = arith.addf %get3A_13, %get3A_18 : vector<1000x1xf32>
    %get3A_20 = arith.constant 0 : index
    %get3A_21 = arith.constant 0 : index
    %get3A_22 = vector.load %arg3[%get3A_20, %get3A_21] : memref<128x128xf32, #tpu.memory_space<vmem>>, vector<128x128xf32>
    %dot_general3A = arith.constant dense<0.000000e+00> : vector<1000x128xf32>
    %dot_general3A_23 = tpu.matmul %add3A, %get3A_22, %dot_general3A {dimension_numbers = #tpu.dot_dimension_numbers<[1], [1], [0], [0], [0, 0, 1, 0], [], []>, precision = #tpu.contract_precision<fp32>, transpose_lhs_hint = false} : vector<1000x128xf32>, vector<128x128xf32>, vector<1000x128xf32> -> vector<1000x128xf32>
    %get3A_24 = arith.constant 0 : index
    %get3A_25 = arith.constant 0 : index
    %get3A_26 = vector.load %arg4[%get3A_24, %get3A_25] : memref<1x128xf32, #tpu.memory_space<vmem>>, vector<1x128xf32>
    %mul3A = vector.broadcast %add3A_19 : vector<1000x1xf32> to vector<1000x128xf32>
    %mul3A_27 = vector.broadcast %get3A_26 : vector<1x128xf32> to vector<1000x128xf32>
    %mul3A_28 = arith.mulf %mul3A, %mul3A_27 : vector<1000x128xf32>
    %add3A_29 = arith.addf %dot_general3A_23, %mul3A_28 : vector<1000x128xf32>
    %reduce_sum3A = arith.constant dense<0.000000e+00> : vector<1000xf32>
    %reduce_sum3A_30 = vector.multi_reduction <add>, %add3A_29, %reduce_sum3A [1] : vector<1000x128xf32> to vector<1000xf32>
    %broadcast_in_dim3A = vector.shape_cast %reduce_sum3A_30 : vector<1000xf32> to vector<1000x1xf32>
    %div3A = arith.constant 1.280000e+02 : f32
    %div3A_31 = vector.broadcast %div3A : f32 to vector<1000x1xf32>
    %div3A_32 = arith.divf %broadcast_in_dim3A, %div3A_31 : vector<1000x1xf32>
    %sub3A = vector.broadcast %div3A_32 : vector<1000x1xf32> to vector<1000x128xf32>
    %sub3A_33 = arith.subf %add3A_29, %sub3A : vector<1000x128xf32>
    %mul3A_34 = arith.mulf %sub3A_33, %sub3A_33 : vector<1000x128xf32>
    %reduce_sum3A_35 = arith.constant dense<0.000000e+00> : vector<1000xf32>
    %reduce_sum3A_36 = vector.multi_reduction <add>, %mul3A_34, %reduce_sum3A_35 [1] : vector<1000x128xf32> to vector<1000xf32>
    %broadcast_in_dim3A_37 = vector.shape_cast %reduce_sum3A_36 : vector<1000xf32> to vector<1000x1xf32>
    %div3A_38 = arith.constant 1.280000e+02 : f32
    %div3A_39 = vector.broadcast %div3A_38 : f32 to vector<1000x1xf32>
    %div3A_40 = arith.divf %broadcast_in_dim3A_37, %div3A_39 : vector<1000x1xf32>
    %add3A_41 = arith.constant 9.99999974E-6 : f32
    %add3A_42 = vector.broadcast %add3A_41 : f32 to vector<1000x1xf32>
    %add3A_43 = arith.addf %div3A_40, %add3A_42 : vector<1000x1xf32>
    %rsqrt3A = math.rsqrt %add3A_43 : vector<1000x1xf32>
    %mul3A_44 = vector.broadcast %rsqrt3A : vector<1000x1xf32> to vector<1000x128xf32>
    %mul3A_45 = arith.mulf %sub3A_33, %mul3A_44 : vector<1000x128xf32>
    %get3A_46 = arith.constant 0 : index
    %get3A_47 = arith.constant 0 : index
    %get3A_48 = vector.load %arg5[%get3A_46, %get3A_47] : memref<1x128xf32, #tpu.memory_space<vmem>>, vector<1x128xf32>
    %mul3A_49 = vector.broadcast %get3A_48 : vector<1x128xf32> to vector<1000x128xf32>
    %mul3A_50 = arith.mulf %mul3A_45, %mul3A_49 : vector<1000x128xf32>
    %get3A_51 = arith.constant 0 : index
    %get3A_52 = arith.constant 0 : index
    %get3A_53 = vector.load %arg6[%get3A_51, %get3A_52] : memref<1x128xf32, #tpu.memory_space<vmem>>, vector<1x128xf32>
    %add3A_54 = vector.broadcast %get3A_53 : vector<1x128xf32> to vector<1000x128xf32>
    %add3A_55 = arith.addf %mul3A_50, %add3A_54 : vector<1000x128xf32>
    %swap3A = arith.constant 0 : index
    %swap3A_56 = arith.constant 0 : index
    %swap3A_57 = vector.load %arg7[%swap3A, %swap3A_56] : memref<1000x128xf32, #tpu.memory_space<vmem>>, vector<1000x128xf32>
    tpu.vector_store %arg7[%swap3A, %swap3A_56], %add3A_55 {strides = array<i32>} : memref<1000x128xf32, #tpu.memory_space<vmem>>, vector<1000x128xf32>,
    return
  }
  func.func @transform_0(%arg0: i32) -> (i32, i32, i32) {
    %c0_i32 = arith.constant 0 : i32
    %c0_i32_0 = arith.constant 0 : i32
    %c0_i32_1 = arith.constant 0 : i32
    return %c0_i32, %arg0, %c0_i32_0 : i32, i32, i32
  }
  func.func @transform_1(%arg0: i32) -> (i32, i32, i32) {
    %c0_i32 = arith.constant 0 : i32
    %c0_i32_0 = arith.constant 0 : i32
    %c0_i32_1 = arith.constant 0 : i32
    return %c0_i32, %arg0, %c0_i32_0 : i32, i32, i32
  }
  func.func @transform_2(%arg0: i32) -> (i32, i32) {
    %c0_i32 = arith.constant 0 : i32
    %c0_i32_0 = arith.constant 0 : i32
    %c0_i32_1 = arith.constant 0 : i32
    return %c0_i32, %c0_i32_0 : i32, i32
  }
  func.func @transform_3(%arg0: i32) -> (i32, i32) {
    %c0_i32 = arith.constant 0 : i32
    %c0_i32_0 = arith.constant 0 : i32
    %c0_i32_1 = arith.constant 0 : i32
    return %c0_i32, %c0_i32_0 : i32, i32
  }
  func.func @transform_4(%arg0: i32) -> (i32, i32) {
    %c0_i32 = arith.constant 0 : i32
    %c0_i32_0 = arith.constant 0 : i32
    %c0_i32_1 = arith.constant 0 : i32
    return %c0_i32, %c0_i32_0 : i32, i32
  }
  func.func @transform_5(%arg0: i32) -> (i32, i32) {
    %c0_i32 = arith.constant 0 : i32
    %c0_i32_0 = arith.constant 0 : i32
    %c0_i32_1 = arith.constant 0 : i32
    return %c0_i32, %c0_i32_0 : i32, i32
  }
  func.func @transform_6(%arg0: i32) -> (i32, i32) {
    %c0_i32 = arith.constant 0 : i32
    %c0_i32_0 = arith.constant 0 : i32
    return %arg0, %c0_i32 : i32, i32
  }
}

</mosaic_0001>

<sc_bundles>
// kernel: kernel.5.cloned.1.call-start
scs
__scs_entry_jumppad:
0x0: {  	(pc) =	sbr.rel $0x88, $3  }
0x1: {  	(tag) =	ssettag $0x0;
	lr =	simm.s32 $0x1  }
0x2: {  	[smem:$0x3F9B] =	sst lr;
	_ =	strace $0xD0000000  }
0x3: {  	_ = 	snop  }
0x4: {  	_ = 	snop  }
0x5: {  	_ = 	snop  }
0x6: {  	_ = 	snop  }
0x7: {  	_ = 	snop  }
__scs_overlays_trampoline_lowered:
0x8: {  	[smem:$0x3FAA] =	sst s0  }
0x9: {  	[smem:$0x3FAB] =	sst s1  }
0xa: {  	[smem:$0x3FAC] =	sst s2  }
0xb: {  	[smem:$0x3FAD] =	sst s3  }
0xc: {  	[smem:$0x3FAE] =	sst s4  }
0xd: {  	[smem:$0x3FAF] =	sst s5  }
0xe: {  	[smem:$0x3FB0] =	sst s6  }
0xf: {  	[smem:$0x3FB1] =	sst s7  }
0x10: {  	[smem:$0x3FB2] =	sst s8  }
0x11: {  	[smem:$0x3FB3] =	sst s9;
	s0 =	simm.s32 @!p0 $0x0  }
0x12: {  	s1 =	sld [smem:$0x3F99];
	s0 =	simm.s32 @p0 $0x1  }
0x13: {  	[smem:$0x3FB4] =	sst s0;
	s0 =	simm.s32 @!p1 $0x0  }
0x14: {  	s2 =	sld [smem:$0x3F98];
	s0 =	simm.s32 @p1 $0x1  }
0x15: {  	[smem:$0x3FB5] =	sst s0;
	s0 =	simm.s32 @!p2 $0x0  }
0x16: {  	s3 =	sld [smem:$0x3FDB];
	s0 =	simm.s32 @p2 $0x1  }
0x17: {  	s4 =	simm.s32 $0x1BF5;
	[smem:$0x3FB7] =	sst s0  }
0x18: {  	s0 =	sld [smem:$0x3F9A];
	_ =	swait.ge [sflag:s4], $0x0  }
0x19: {  	s7 =	sld [smem:$0x3F9B]  }
0x1a: {  	s8 =	sadd.s32 $0xFFFFE003, lr  }
0x1b: {  	s9 =	sadd.s32 $0xFFFFFEF7, lr;
	s5 =	simm.s32 $0xFFFFFFFF;
	p2 =	slt.u32 s8, $0xFFFFF086  }
0x1c: {  	p1 =	slt.u32 s9, $0xF7A;
	s5 =	simm.s32 @!p2 $0x0  }
0x1d: {  	s5 =	simm.s32 @p1 $0x1;
	p0 =	seq.s32 s7, s2  }
0x1e: {  	s7 =	smul.u32 @!p0 $0xF7A, s2;
	p2 =	seq.s32 @!p0 s5, $0x0  }
0x1f: {  	s9 =	smul.u32 $0xF7A, s1;
	s8 =	simm.s32 @!p0 $0x1BF5;
	p2 =	por !p2, p0  }
0x20: {  	[sflag:s8] =	ssyncset.s32 @!p0 $0xFFFFF086;
	s6 =	sadd.s32 @!p0 s3, s7;
	s7 =	simm.s32 @!p0 $0x108  }
0x21: {  	s3 =	sadd.s32 s3, s9;
	s6 =	sadd.s32 @!p0 $0x88, s6;
	s7 =	simm.s32 @p2 $0x1082  }
0x22: {  	[simem:s7], [sflag:s8] =	dma.local @!p0 [hbm:s6], $0xF7A  }
0x23: {  	s9 =	sor.u32 $0xD0000000, s2;
	s6 =	simm.s32 $0x108;
	_ =	swait.ge @!p0 [sflag:s8], $0x0  }
0x24: {  	s3 =	sadd.s32 $0x88, s3;
	s6 =	simm.s32 @!p1 $0x1082;
	[sflag:s4] =	ssyncset.s32 $0xFFFFF086  }
0x25: {  	[simem:s6], [sflag:s4] =	dma.local [hbm:s3], $0xF7A  }
0x26: {  	[smem:$0x3F9B] =	sst s1;
	(tag) =	ssettag s2;
	_ =	strace s9  }
0x27: {  	s1 =	sld [smem:$0x3FAB]  }
0x28: {  	s2 =	sld [smem:$0x3FAC]  }
0x29: {  	s4 =	sld [smem:$0x3FAE]  }
0x2a: {  	p0 =	seq.s32 s5, $0x0;
	s5 =	sld [smem:$0x3FAF]  }
0x2b: {  	s6 =	sld [smem:$0x3FB0]  }
0x2c: {  	s7 =	sld [smem:$0x3FB1]  }
0x2d: {  	s3 =	simm.s32 $0x108;
	s8 =	sld [smem:$0x3FB2]  }
0x2e: {  	s3 =	simm.s32 @!p0 $0x1082;
	s9 =	sld [smem:$0x3FB3]  }
0x2f: {  	lr =	sadd.s32 s0, s3;
	s0 =	sld [smem:$0x3FAA]  }
0x30: {  	s3 =	sld [smem:$0x3FAD]  }
0x31: {  	[smem:$0x3FB6] =	sst s10  }
0x32: {  	s10 =	sld [smem:$0x3FB4];
	_ =	sdelay $0x3  }
0x33: {  	p0 =	seq.s32 s10, $0x1;
	s10 =	sld [smem:$0x3FB6];
	_ =	sdelay $0x3  }
0x34: {  	[smem:$0x3FB6] =	sst s10  }
0x35: {  	s10 =	sld [smem:$0x3FB5];
	_ =	sdelay $0x3  }
0x36: {  	p1 =	seq.s32 s10, $0x1;
	s10 =	sld [smem:$0x3FB6];
	_ =	sdelay $0x3  }
0x37: {  	[smem:$0x3FB6] =	sst s10  }
0x38: {  	s10 =	sld [smem:$0x3FB7]  }
0x39: {  	_ = 	snop;
	(pc) =	sbr.ind lr, $3  }
0x3a: {  	_ = 	snop  }
0x3b: {  	_ = 	snop  }
0x3c: {  	p2 =	seq.s32 s10, $0x1;
	s10 =	sld [smem:$0x3FB6]  }
0x3d: {  	_ =	shalt  }
0x3e: {  	_ =	shalt  }
0x3f: {  	_ =	shalt  }
0x40: {  	_ =	shalt  }
0x41: {  	_ =	shalt  }
0x42: {  	_ =	shalt  }
0x43: {  	_ =	shalt  }
0x44: {  	_ =	shalt  }
0x45: {  	_ =	shalt  }
0x46: {  	_ =	shalt  }
0x47: {  	_ =	shalt  }
0x48: {  	_ =	shalt  }
0x49: {  	_ =	shalt  }
0x4a: {  	_ =	shalt  }
0x4b: {  	_ =	shalt  }
0x4c: {  	_ =	shalt  }
0x4d: {  	_ =	shalt  }
0x4e: {  	_ =	shalt  }
0x4f: {  	_ =	shalt  }
0x50: {  	_ =	shalt  }
0x51: {  	_ =	shalt  }
0x52: {  	_ =	shalt  }
0x53: {  	_ =	shalt  }
0x54: {  	_ =	shalt  }
0x55: {  	_ =	shalt  }
0x56: {  	_ =	shalt  }
0x57: {  	_ =	shalt  }
0x58: {  	_ =	shalt  }
0x59: {  	_ =	shalt  }
0x5a: {  	_ =	shalt  }
0x5b: {  	_ =	shalt  }
0x5c: {  	_ =	shalt  }
0x5d: {  	_ =	shalt  }
0x5e: {  	_ =	shalt  }
0x5f: {  	_ =	shalt  }
0x60: {  	_ =	shalt  }
0x61: {  	_ =	shalt  }
0x62: {  	_ =	shalt  }
0x63: {  	_ =	shalt  }
0x64: {  	_ =	shalt  }
0x65: {  	_ =	shalt  }
0x66: {  	_ =	shalt  }
0x67: {  	_ =	shalt  }
0x68: {  	_ =	shalt  }
0x69: {  	_ =	shalt  }
0x6a: {  	_ =	shalt  }
0x6b: {  	_ =	shalt  }
0x6c: {  	_ =	shalt  }
0x6d: {  	_ =	shalt  }
0x6e: {  	_ =	shalt  }
0x6f: {  	_ =	shalt  }
0x70: {  	_ =	shalt  }
0x71: {  	_ =	shalt  }
0x72: {  	_ =	shalt  }
0x73: {  	_ =	shalt  }
0x74: {  	_ =	shalt  }
0x75: {  	_ =	shalt  }
0x76: {  	_ =	shalt  }
0x77: {  	_ =	shalt  }
0x78: {  	_ =	shalt  }
0x79: {  	_ =	shalt  }
0x7a: {  	_ =	shalt  }
0x7b: {  	_ =	shalt  }
0x7c: {  	_ =	shalt  }
0x7d: {  	_ =	shalt  }
0x7e: {  	_ =	shalt  }
0x7f: {  	_ =	shalt  }
0x80: {  	_ =	shalt  }
0x81: {  	_ =	shalt  }
0x82: {  	_ =	shalt  }
0x83: {  	_ =	shalt  }
0x84: {  	_ =	shalt  }
0x85: {  	_ =	shalt  }
0x86: {  	_ =	shalt  }
0x87: {  	_ =	shalt  }
.Lfunc_end0:
.L_simem_size_0:
called_computation_lowered:
.L_overlay_start_0:
0x88: {  	s2 =	sld [smem:$0x3FD9]  }
0x89: {  	s3 =	sld [smem:$0x3FFE];
	_ =	sdelay $0x1  }
0x8a: {  	s1 =	srdreg.scid  }
0x8b: {  	s0 =	sand.u32 $0x1, s1  }
0x8c: {  	s17 =	sshll.u32 s0, $0xA;
	s2 =	sadd.s32 s3, s2  }
0x8d: {  	s2 =	sadd.s32 s2, s17  }
0x8e: {  	[smem:$0x3FC2] =	sst s2  }
0x8f: {  	_ = 	snop  }
0x90: {  	s2 =	sld [smem:$0x3FC9]  }
0x91: {  	s18 =	sld [smem:$0x3FD0];
	(tm) =	ssettm $0x1  }
0x92: {  	s4 =	sld [smem:$0x3FFB];
	_ =	sdelay $0x3  }
0x93: {  	_ =	strace s4  }
0x94: {  	s4 =	sld [smem:$0x3FFC];
	_ =	sdelay $0x3  }
0x95: {  	_ =	strace s4  }
0x96: {  	s4 =	sld [smem:$0x3FFD];
	_ =	sdelay $0x3  }
0x97: {  	_ =	strace s4  }
0x98: {  	_ =	strace $0x8FFFFFFF  }
0x99: {  	s19 =	sld [smem:$0x3FDB];
	_ =	sdelay $0x1  }
0x9a: {  	s5 =	simm.s32 $_scs_section_size  }
0x9b: {  	s6 =	simm.s32 $_size__tile_overlayer_lowered;
	s7 =	simm.s32 $_tile_overlayer_lowered  }
0x9c: {  	s22 =	simm.s32 $0x1BFF;
	s21 =	sshll.u32 s7, $0x1;
	s4 =	sadd.s32 s5, s19  }
0x9d: {  	s8 =	simm.s32 $0x0;
	s20 =	sshll.u32 s6, $0x1;
	s6 =	sadd.s32 s21, s4  }
0x9e: {  	[timem:s8], [sflag:s22] =	dma.local [hbm:s6], s20  }
0x9f: {  	_ =	swait.ge [sflag:s22], s20  }
0xa0: {  	s5 =	ssub.s32 $0x0, s20;
	[sflag:s22] =	ssyncset.done $0x0  }
0xa1: {  	[sflag:s22] =	ssyncadd.s32 s5;
	_ =	sdelay $0x1  }
0xa2: {  	s23 =	simm.s32 $0x1B8B  }
0xa3: {  	_ =	swait.ge [sflag:s23], $0x1  }
0xa4: {  	[sflag:s23] =	ssyncset.done $0x0  }
0xa5: {  	s25 =	simm.s32 $0x1B8E;
	s24 =	sld [smem:$0x3FFE];
	[sflag:s23] =	ssyncadd.s32 $0xFFFFFFFF  }
0xa6: {  	s26 =	simm.s32 $execute0_lowered;
	[smem:$0x3FD2] =	sst s25  }
0xa7: {  	s6 =	sshll.u32 s26, $0x1;
	_ =	strace $0x80000046;
	[dreg:$0x1] =	wrdreg $0xFFFFFFFF  }
0xa8: {  	s28 =	simm.s32 $_size_execute0_lowered;
	s4 =	sadd.s32 s4, s6;
	[dreg:$0x0] =	wrdreg $0x0  }
0xa9: {  	s6 =	sshll.u32 s28, $0x1;
	[dreg:$0x2] =	wrdreg s4  }
0xaa: {  	[dreg:$0x3] =	wrdreg s6  }
0xab: {  	[dreg:$0x4] =	wrdreg $0xC0  }
0xac: {  	_ =	task [dreg:s8], $0x5FFFF  }
0xad: {  	[dreg:$0x1] =	wrdreg $0xFFFFFFFF  }
0xae: {  	[dreg:$0x0] =	wrdreg $0x60  }
0xaf: {  	[dreg:$0x2] =	wrdreg s2  }
0xb0: {  	[dreg:$0x3] =	wrdreg s24  }
0xb1: {  	[dreg:$0x4] =	wrdreg s18  }
0xb2: {  	[dreg:$0x5] =	wrdreg $0x83000  }
0xb3: {  	[dreg:$0x6] =	wrdreg $0x9  }
0xb4: {  	_ =	task.clear_ibuf [dreg:s8], $0x7FFFF;
	_ =	strace $0x90000046  }
0xb5: {  	s29 =	simm.s32 $0x9;
	_ =	strace $0x80000048  }
0xb6: {  	_ =	swait.ge [sflag:s29], $0x1  }
0xb7: {  	[sflag:s29] =	ssyncadd.s32 $0xFFFFFFFF  }
0xb8: {  	_ =	strace $0x90000048  }
0xb9: {  	_ =	sfence  }
0xba: {  	s30 =	sld [smem:$0x0];
	_ =	sdelay $0x2  }
0xbb: {  	s31 =	sshll.u32 s1, $0xD;
	s1 =	sshrl.u32 s1, $0x2  }
0xbc: {  	s3 =	sand.u32 $0x4000, s31;
	s1 =	sadd.s32 s1, s30  }
0xbd: {  	s0 =	sor.u32 s3, s0;
	s1 =	sshll.u32 s1, $0x11  }
0xbe: {  	s0 =	sor.u32 s1, s0  }
0xbf: {  	s0 =	sadd.s32 $0x8F2B, s0  }
0xc0: {  	[sflag:s0] =	ssyncadd.remote.s32 $0x1  }
0xc1: {  	_ =	sfence.sel $0xFFFF  }
0xc2: {  	[dreg:$0x0] =	wrdreg $0xFFFFFFFF;
	(pc) =	sbr.abs _section_cstart, $3  }
0xc3: {  	[dreg:$0x1] =	wrdreg $0xFFFFFFFF  }
0xc4: {  	_ =	task.clear_ibuf [dreg:s8], $0x2FFFF;
	_ =	strace $0x9FFFFFFF  }
0xc5: {  	(tm) =	ssettm $0x7FFFFFFF  }
tec
execute0_lowered:
.L_overlay_start_1:
0x0: {  	(tag) =	ssettag $0x1  }
0x1: {  	s1 =	rddreg [dreg:$0x0]  }
0x2: {  	s0 =	rddreg [dreg:$0x1]  }
0x3: {  	s2 =	rddreg [dreg:$0x2]  }
0x4: {  	s3 =	rddreg [dreg:$0x3];
	s4 =	simm.s32 $0x0;
	s6 =	srdreg.scid  }
0x5: {  	s12 =	stileid.u32;
	s30 =	simm.s32 $0x200;
	s31 =	simm.s32 $0x5  }
0x6: {  	[smem:$0x7FF] =	sst s4;
	s5 =	sadd.s32 $0xC00, s0;
	s9 =	smul.u32 $0x4E000, s12  }
0x7: {  	s7 =	sadd.s32 $0xAA00, s0;
	s6 =	sand.u32 $0x1, s6;
	s13 =	smul.u32 $0x13800, s12  }
0x8: {  	s8 =	sshll.u32 s12, $0x1;
	s0 =	sadd.s32 $0xB200, s0;
	s25 =	smul.u32 $0x4E20, s12  }
0x9: {  	p0 =	sne.s32 s12, $0x0;
	s29 =	sadd.s32 $0x138000, s3;
	s12 =	simm.s32 $0x180  }
0xa: {  	_ =	strace $0x80000047;
	[dreg:$0x5] =	wrdreg s7;
	s20 =	smul.u32 $0x138800, s6  }
0xb: {  	s26 =	ssub.s32 $0x2, s6;
	s8 =	sor.u32 s6, s8;
	s6 =	smul.u32 $0x2710, s6  }
0xc: {  	s10 =	sshrl.u32 s26, $0x1;
	s15 =	smul.u32 $0x2710, s8;
	s11 =	sshrl.u32 s9, $0x2  }
0xd: {  	s16 =	sadd.s32 $0x4000, s13;
	s17 =	sadd.s32 $0x8000, s13;
	s18 =	sadd.s32 $0xC000, s13  }
0xe: {  	s19 =	sadd.s32 $0x10000, s13;
	s14 =	ssub.s32 s26, s10;
	s7 =	sadd.s32 s11, s3  }
0xf: {  	s8 =	sadd.s32 s16, s3;
	s9 =	sadd.s32 s17, s3;
	s10 =	sadd.s32 s18, s3  }
0x10: {  	s11 =	sadd.s32 s19, s3;
	s13 =	sadd.s32 s13, s20;
	s16 =	sadd.s32 s20, s16  }
0x11: {  	s17 =	sadd.s32 s20, s17;
	s23 =	sadd.s32 s20, s18;
	s24 =	sadd.s32 s20, s19  }
0x12: {  	s26 =	sshrl.u32 s20, $0x3;
	s6 =	sadd.s32 s6, s25;
	s15 =	sshrl.u32 s15, $0x3  }
0x13: {  	s13 =	sshrl.u32 s13, $0x3;
	s16 =	sshrl.u32 s16, $0x3;
	s17 =	sshrl.u32 s17, $0x3  }
0x14: {  	s25 =	smax.u32 s14, $0x1;
	s28 =	sadd.s32 $0x100, s6;
	s14 =	simm.s32 $0x2  }
0x15: {  	s21 =	sadd.s32 s5, s15;
	s13 =	sadd.s32 s0, s13;
	[dreg:$0x12] =	wrdreg s25  }
0x16: {  	s22 =	sadd.s32 s0, s17;
	s18 =	sadd.s32 s2, s15;
	[dreg:$0x6] =	wrdreg s21  }
0x17: {  	s17 =	simm.s32 $0x4;
	s21 =	sadd.s32 $0x10, s15;
	[dreg:$0x7] =	wrdreg s13  }
0x18: {  	s13 =	sadd.s32 s0, s16;
	[dreg:$0x9] =	wrdreg s22;
	s16 =	sshrl.u32 s24, $0x3  }
0x19: {  	[dreg:$0xc] =	wrdreg s18;
	s24 =	sadd.s32 $0x180, s6;
	s6 =	simm.s32 $0x80  }
0x1a: {  	[dreg:$0x8] =	wrdreg s13;
	s13 =	sshrl.u32 s23, $0x3;
	s16 =	sadd.s32 s0, s16  }
0x1b: {  	s19 =	sadd.s32 s5, s21;
	s20 =	sadd.s32 s2, s21;
	[dreg:$0xb] =	wrdreg s16  }
0x1c: {  	s21 =	sadd.s32 $0x4E0, s15;
	s15 =	simm.s32 $0x4200;
	[dreg:$0xd] =	wrdreg s19  }
0x1d: {  	s13 =	sadd.s32 s0, s13;
	s0 =	sadd.s32 s0, s26;
	[dreg:$0xe] =	wrdreg s20  }
0x1e: {  	s22 =	sadd.s32 s5, s21;
	s23 =	sadd.s32 s2, s21;
	[dreg:$0xa] =	wrdreg s13  }
0x1f: {  	s26 =	sshrl.u32 s24, $0x3;
	s16 =	simm.s32 $0x3;
	[dreg:$0xf] =	wrdreg s22  }
0x20: {  	s20 =	simm.s32 $0x10;
	s21 =	simm.s32 $0x0;
	[dreg:$0x10] =	wrdreg s23  }
0x21: {  	s0 =	sadd.s32 $0x27000, s0;
	s25 =	sadd.s32 s26, s2;
	s26 =	sadd.s32 s26, s5  }
0x22: {  	s13 =	simm.s32 $0x1;
	[dreg:$0x11] =	wrdreg s0;
	s0 =	simm.s32 $0x100  }
.LBB2_1:
0x23: {  	s18 =	rddreg [dreg:$0x5]  }
0x24: {  	[tilespmem:s30], [sflag:$0x5] =	stream.linear.gather [hbm4b:s18+s4], $0x4000, $0x38;
	[tilespmem:$0x1BB80] =	vst v63  }
0x25: {  	_ =	swait.ge [sflag:s31], $0x4000  }
0x26: {  	[sflag:s31] =	ssyncset.done $0x0  }
0x27: {  	[sflag:s31] =	ssyncadd.s32 $0xFFFFC000  }
0x28: {  	[spmem:s7] =	stream.linear.scatter [tilespmem:s30], [sflag:$0x5], $0x4000, $0x38;
	[tilespmem:$0x1BB80] =	vst v63  }
0x29: {  	_ =	swait.ge [sflag:s31], $0x4000  }
0x2a: {  	[sflag:s31] =	ssyncset.done $0x0  }
0x2b: {  	[sflag:s31] =	ssyncadd.s32 $0xFFFFC000  }
0x2c: {  	[spmem:s8] =	stream.linear.scatter [tilespmem:s30], [sflag:$0x5], $0x4000, $0x38;
	[tilespmem:$0x1BB80] =	vst v63  }
0x2d: {  	_ =	swait.ge [sflag:s31], $0x4000  }
0x2e: {  	[sflag:s31] =	ssyncset.done $0x0  }
0x2f: {  	[sflag:s31] =	ssyncadd.s32 $0xFFFFC000  }
0x30: {  	[spmem:s9] =	stream.linear.scatter [tilespmem:s30], [sflag:$0x5], $0x4000, $0x38;
	[tilespmem:$0x1BB80] =	vst v63  }
0x31: {  	_ =	swait.ge [sflag:s31], $0x4000  }
0x32: {  	[sflag:s31] =	ssyncset.done $0x0  }
0x33: {  	[sflag:s31] =	ssyncadd.s32 $0xFFFFC000  }
0x34: {  	[spmem:s10] =	stream.linear.scatter [tilespmem:s30], [sflag:$0x5], $0x4000, $0x38;
	[tilespmem:$0x1BB80] =	vst v63  }
0x35: {  	_ =	swait.ge [sflag:s31], $0x4000  }
0x36: {  	[sflag:s31] =	ssyncset.done $0x0  }
0x37: {  	[sflag:s31] =	ssyncadd.s32 $0xFFFFC000  }
0x38: {  	[spmem:s11] =	stream.linear.scatter [tilespmem:s30], [sflag:$0x5], $0x3800, $0x38;
	[tilespmem:$0x1BB80] =	vst v63  }
0x39: {  	_ =	swait.ge [sflag:s31], $0x3800  }
0x3a: {  	[sflag:s31] =	ssyncset.done $0x0  }
0x3b: {  	s22 =	simm.s32 @!p0 $0x200;
	[sflag:s31] =	ssyncadd.s32 $0xFFFFC800  }
0x3c: {  	[spmem:s29] =	stream.linear.scatter @!p0 [tilespmem:s22], [sflag:$0x5], $0x800, $0x38;
	[tilespmem:$0x1BB80] =	vst v63  }
0x3d: {  	s22 =	simm.s32 @!p0 $0x5  }
0x3e: {  	_ =	swait.ge @!p0 [sflag:s22], $0x800  }
0x3f: {  	[sflag:s22] =	ssyncset.done @!p0 $0x0  }
0x40: {  	[sflag:s22] =	ssyncadd.s32 @!p0 $0xFFFFF800  }
0x41: {  	[bflag:$0x0] =	sbarrier.arrive $0xFFFF  }
0x42: {  	s19 =	rddreg [dreg:$0x6]  }
0x43: {  	[tilespmem:s4], [sflag:$0x1] =	stream.linear.gather [hbm4b:s19+s4], $0x80, $0x38;
	[tilespmem:$0x1BB80] =	vst v63  }
0x44: {  	s22 =	rddreg [dreg:$0xc]  }
0x45: {  	[tilespmem:s0], [sflag:$0x1] =	stream.linear.gather [hbm4b:s22+s4], $0x80, $0x38;
	[tilespmem:$0x1BB80] =	vst v63  }
0x46: {  	s23 =	rddreg [dreg:$0xd]  }
0x47: {  	[tilespmem:s6], [sflag:$0x2] =	stream.linear.gather [hbm4b:s23+s4], $0x80, $0x38;
	[tilespmem:$0x1BB80] =	vst v63  }
0x48: {  	s24 =	rddreg [dreg:$0xe]  }
0x49: {  	[tilespmem:s12], [sflag:$0x2] =	stream.linear.gather [hbm4b:s24+s4], $0x80, $0x38;
	[tilespmem:$0x1BB80] =	vst v63  }
0x4a: {  	_ =	swait.ge [sflag:s13], $0x80  }
0x4b: {  	[sflag:s13] =	ssyncset.done $0x0  }
0x4c: {  	[sflag:s13] =	ssyncadd.s32 $0xFFFFFF80  }
0x4d: {  	_ =	swait.ge [sflag:s13], $0x80  }
0x4e: {  	[sflag:s13] =	ssyncset.done $0x0  }
0x4f: {  	[sflag:s13] =	ssyncadd.s32 $0xFFFFFF80  }
0x50: {  	[tilespmem:s30], [sflag:$0x3] =	stream.indirect.gather [hbm4b:s1+s6], $0x80, s4, s6, $0xb8;
	[tilespmem:$0x1BB80] =	vst v63  }
0x51: {  	_ =	swait.ge [sflag:s14], $0x80  }
0x52: {  	[sflag:s14] =	ssyncset.done $0x0  }
0x53: {  	[sflag:s14] =	ssyncadd.s32 $0xFFFFFF80  }
0x54: {  	_ =	swait.ge [sflag:s14], $0x80  }
0x55: {  	[sflag:s14] =	ssyncset.done $0x0  }
0x56: {  	[sflag:s14] =	ssyncadd.s32 $0xFFFFFF80  }
0x57: {  	[tilespmem:s15], [sflag:$0x4] =	stream.indirect.gather [hbm4b:s1+s6], $0x80, s6, s6, $0xb8;
	[tilespmem:$0x1BB80] =	vst v63  }
0x58: {  	_ =	swait.ge [sflag:s16], $0x4000  }
0x59: {  	[sflag:s16] =	ssyncset.done $0x0  }
0x5a: {  	[sflag:s16] =	ssyncadd.s32 $0xFFFFC000  }
0x5b: {  	[spmem:s3] =	stream.indirect.scatter.add.f32 [tilespmem:s30], [sflag:$0x5], $0x80, s0, s6, $0xb8;
	[tilespmem:$0x1BB80] =	vst v63  }
0x5c: {  	_ =	swait.ge [sflag:s31], $0x4000  }
0x5d: {  	s19 =	sshrl.u32 s28, $0x3;
	[sflag:s31] =	ssyncset.done $0x0  }
0x5e: {  	s23 =	sadd.s32 s5, s19;
	[sflag:s31] =	ssyncadd.s32 $0xFFFFC000  }
0x5f: {  	[tilespmem:s4], [sflag:$0x1] =	stream.linear.gather [hbm4b:s23+s4], $0x80, $0x38;
	[tilespmem:$0x1BB80] =	vst v63  }
0x60: {  	s22 =	sadd.s32 s2, s19  }
0x61: {  	[tilespmem:s0], [sflag:$0x1] =	stream.linear.gather [hbm4b:s22+s4], $0x80, $0x38;
	[tilespmem:$0x1BB80] =	vst v63  }
0x62: {  	_ =	swait.ge [sflag:s13], $0x80  }
0x63: {  	[sflag:s13] =	ssyncset.done $0x0  }
0x64: {  	[sflag:s13] =	ssyncadd.s32 $0xFFFFFF80  }
0x65: {  	_ =	swait.ge [sflag:s13], $0x80  }
0x66: {  	[sflag:s13] =	ssyncset.done $0x0  }
0x67: {  	[sflag:s13] =	ssyncadd.s32 $0xFFFFFF80  }
0x68: {  	[tilespmem:s30], [sflag:$0x3] =	stream.indirect.gather [hbm4b:s1+s6], $0x80, s4, s6, $0xb8;
	[tilespmem:$0x1BB80] =	vst v63  }
0x69: {  	_ =	swait.ge [sflag:s17], $0x4000  }
0x6a: {  	[sflag:s17] =	ssyncset.done $0x0  }
0x6b: {  	[sflag:s17] =	ssyncadd.s32 $0xFFFFC000  }
0x6c: {  	[spmem:s3] =	stream.indirect.scatter.add.f32 [tilespmem:s15], [sflag:$0x5], $0x80, s12, s6, $0xb8;
	[tilespmem:$0x1BB80] =	vst v63  }
0x6d: {  	_ =	swait.ge [sflag:s31], $0x4000  }
0x6e: {  	[sflag:s31] =	ssyncset.done $0x0  }
0x6f: {  	s24 =	sadd.s32 $0x0, s26;
	[sflag:s31] =	ssyncadd.s32 $0xFFFFC000  }
0x70: {  	[tilespmem:s6], [sflag:$0x2] =	stream.linear.gather [hbm4b:s24+s4], $0x80, $0x38;
	[tilespmem:$0x1BB80] =	vst v63  }
0x71: {  	s23 =	sadd.s32 $0x100, s28;
	s22 =	simm.s32 $0x20;
	s24 =	sadd.s32 $0x0, s25  }
.LBB2_2:
0x72: {  	[tilespmem:s12], [sflag:$0x2] =	stream.linear.gather [hbm4b:s24+s4], $0x80, $0x38;
	[tilespmem:$0x1BB80] =	vst v63  }
0x73: {  	s24 =	smov.u32 s22  }
0x74: {  	p1 =	sne.s32 s22, $0x4A0;
	s22 =	sadd.s32 $0x20, s22;
	_ =	swait.ge [sflag:s14], $0x80  }
0x75: {  	[sflag:s14] =	ssyncset.done $0x0  }
0x76: {  	[sflag:s14] =	ssyncadd.s32 $0xFFFFFF80  }
0x77: {  	_ =	swait.ge [sflag:s14], $0x80  }
0x78: {  	[sflag:s14] =	ssyncset.done $0x0  }
0x79: {  	[sflag:s14] =	ssyncadd.s32 $0xFFFFFF80  }
0x7a: {  	[tilespmem:s15], [sflag:$0x4] =	stream.indirect.gather [hbm4b:s1+s6], $0x80, s6, s6, $0xb8;
	[tilespmem:$0x1BB80] =	vst v63  }
0x7b: {  	_ =	swait.ge [sflag:s16], $0x4000  }
0x7c: {  	[sflag:s16] =	ssyncset.done $0x0  }
0x7d: {  	[sflag:s16] =	ssyncadd.s32 $0xFFFFC000  }
0x7e: {  	[spmem:s3] =	stream.indirect.scatter.add.f32 [tilespmem:s30], [sflag:$0x5], $0x80, s0, s6, $0xb8;
	[tilespmem:$0x1BB80] =	vst v63  }
0x7f: {  	_ =	swait.ge [sflag:s31], $0x4000  }
0x80: {  	s18 =	sshrl.u32 s23, $0x3;
	[sflag:s31] =	ssyncset.done $0x0  }
0x81: {  	s19 =	sadd.s32 s5, s18;
	[sflag:s31] =	ssyncadd.s32 $0xFFFFC000  }
0x82: {  	[tilespmem:s4], [sflag:$0x1] =	stream.linear.gather [hbm4b:s19+s4], $0x80, $0x38;
	[tilespmem:$0x1BB80] =	vst v63  }
0x83: {  	s18 =	sadd.s32 s2, s18  }
0x84: {  	[tilespmem:s0], [sflag:$0x1] =	stream.linear.gather [hbm4b:s18+s4], $0x80, $0x38;
	[tilespmem:$0x1BB80] =	vst v63  }
0x85: {  	_ =	swait.ge [sflag:s13], $0x80  }
0x86: {  	[sflag:s13] =	ssyncset.done $0x0  }
0x87: {  	[sflag:s13] =	ssyncadd.s32 $0xFFFFFF80  }
0x88: {  	_ =	swait.ge [sflag:s13], $0x80  }
0x89: {  	[sflag:s13] =	ssyncset.done $0x0  }
0x8a: {  	[sflag:s13] =	ssyncadd.s32 $0xFFFFFF80  }
0x8b: {  	[tilespmem:s30], [sflag:$0x3] =	stream.indirect.gather [hbm4b:s1+s6], $0x80, s4, s6, $0xb8;
	[tilespmem:$0x1BB80] =	vst v63  }
0x8c: {  	_ =	swait.ge [sflag:s17], $0x4000  }
0x8d: {  	[sflag:s17] =	ssyncset.done $0x0  }
0x8e: {  	[sflag:s17] =	ssyncadd.s32 $0xFFFFC000  }
0x8f: {  	[spmem:s3] =	stream.indirect.scatter.add.f32 [tilespmem:s15], [sflag:$0x5], $0x80, s12, s6, $0xb8;
	[tilespmem:$0x1BB80] =	vst v63  }
.Ltmp0:
0x90: {  	_ =	swait.ge [sflag:s31], $0x4000;
	(pc) =	sbr.rel @p1 .LBB2_2-.Ltmp0, $4  }
0x91: {  	[sflag:s31] =	ssyncset.done $0x0  }
0x92: {  	s18 =	sadd.s32 s24, s26;
	[sflag:s31] =	ssyncadd.s32 $0xFFFFC000  }
0x93: {  	[tilespmem:s6], [sflag:$0x2] =	stream.linear.gather [hbm4b:s18+s4], $0x80, $0x38;
	[tilespmem:$0x1BB80] =	vst v63  }
0x94: {  	s23 =	sadd.s32 $0x100, s23;
	s24 =	sadd.s32 s24, s25  }
0x95: {  	[tilespmem:s12], [sflag:$0x2] =	stream.linear.gather [hbm4b:s24+s4], $0x80, $0x38;
	[tilespmem:$0x1BB80] =	vst v63  }
0x96: {  	_ =	swait.ge [sflag:s14], $0x80  }
0x97: {  	[sflag:s14] =	ssyncset.done $0x0  }
0x98: {  	[sflag:s14] =	ssyncadd.s32 $0xFFFFFF80  }
0x99: {  	_ =	swait.ge [sflag:s14], $0x80  }
0x9a: {  	[sflag:s14] =	ssyncset.done $0x0  }
0x9b: {  	[sflag:s14] =	ssyncadd.s32 $0xFFFFFF80  }
0x9c: {  	[tilespmem:s15], [sflag:$0x4] =	stream.indirect.gather [hbm4b:s1+s6], $0x80, s6, s6, $0xb8;
	[tilespmem:$0x1BB80] =	vst v63  }
0x9d: {  	_ =	swait.ge [sflag:s16], $0x4000  }
0x9e: {  	[sflag:s16] =	ssyncset.done $0x0  }
0x9f: {  	[sflag:s16] =	ssyncadd.s32 $0xFFFFC000  }
0xa0: {  	[spmem:s3] =	stream.indirect.scatter.add.f32 [tilespmem:s30], [sflag:$0x5], $0x80, s0, s6, $0xb8;
	[tilespmem:$0x1BB80] =	vst v63  }
0xa1: {  	_ =	swait.ge [sflag:s31], $0x4000  }
0xa2: {  	[sflag:s31] =	ssyncset.done $0x0  }
0xa3: {  	[sflag:s31] =	ssyncadd.s32 $0xFFFFC000  }
0xa4: {  	_ =	swait.ge [sflag:s17], $0x4000  }
0xa5: {  	[sflag:s17] =	ssyncset.done $0x0  }
0xa6: {  	[sflag:s17] =	ssyncadd.s32 $0xFFFFC000  }
0xa7: {  	[spmem:s3] =	stream.indirect.scatter.add.f32 [tilespmem:s15], [sflag:$0x5], $0x80, s12, s6, $0xb8;
	[tilespmem:$0x1BB80] =	vst v63  }
0xa8: {  	_ =	swait.ge [sflag:s31], $0x4000  }
0xa9: {  	[sflag:s31] =	ssyncset.done $0x0  }
0xaa: {  	s19 =	simm.s32 $0x8200;
	s18 =	rddreg [dreg:$0xf];
	[sflag:s31] =	ssyncadd.s32 $0xFFFFC000  }
0xab: {  	[tilespmem:s19], [sflag:$0x5] =	stream.linear.gather [hbm4b:s18+s4], $0x10, $0x38;
	[tilespmem:$0x1BB80] =	vst v63  }
0xac: {  	_ =	swait.ge [sflag:s31], $0x10  }
0xad: {  	[sflag:s31] =	ssyncset.done $0x0  }
0xae: {  	s22 =	simm.s32 $0x8280;
	s24 =	rddreg [dreg:$0x10];
	[sflag:s31] =	ssyncadd.s32 $0xFFFFFFF0  }
0xaf: {  	[tilespmem:s22], [sflag:$0x5] =	stream.linear.gather [hbm4b:s24+s4], $0x10, $0x38;
	[tilespmem:$0x1BB80] =	vst v63  }
0xb0: {  	_ =	swait.ge [sflag:s31], $0x10  }
0xb1: {  	[sflag:s31] =	ssyncset.done $0x0  }
0xb2: {  	[sflag:s31] =	ssyncadd.s32 $0xFFFFFFF0  }
0xb3: {  	[tilespmem:s30], [sflag:$0x3] =	stream.indirect.gather [hbm4b:s1+s20], $0x80, s19, s20, $0xb8;
	[tilespmem:$0x1BB80] =	vst v63  }
0xb4: {  	_ =	swait.ge [sflag:s16], $0x800  }
0xb5: {  	[sflag:s16] =	ssyncset.done $0x0  }
0xb6: {  	[sflag:s16] =	ssyncadd.s32 $0xFFFFF800  }
0xb7: {  	[spmem:s3] =	stream.indirect.scatter.add.f32 [tilespmem:s30], [sflag:$0x5], $0x80, s22, s20, $0xb8;
	[tilespmem:$0x1BB80] =	vst v63  }
0xb8: {  	_ =	swait.ge [sflag:s31], $0x800  }
0xb9: {  	[sflag:s31] =	ssyncset.done $0x0  }
0xba: {  	[sflag:s31] =	ssyncadd.s32 $0xFFFFF800  }
0xbb: {  	[bflag:$0x0] =	sbarrier.arrive $0xFFFF  }
0xbc: {  	[tilespmem:s30], [sflag:$0x5] =	stream.linear.gather [spmem:s7], $0x4000, $0x38;
	[tilespmem:$0x1BB80] =	vst v63  }
0xbd: {  	_ =	swait.ge [sflag:s31], $0x4000  }
0xbe: {  	[sflag:s31] =	ssyncset.done $0x0  }
0xbf: {  	s23 =	rddreg [dreg:$0x7];
	[sflag:s31] =	ssyncadd.s32 $0xFFFFC000  }
0xc0: {  	[hbm4b:s23+s4] =	stream.linear.scatter [tilespmem:s30], [sflag:$0x5], $0x4000, $0x38;
	[tilespmem:$0x1BB80] =	vst v63  }
0xc1: {  	_ =	swait.ge [sflag:s31], $0x4000  }
0xc2: {  	[sflag:s31] =	ssyncset.done $0x0  }
0xc3: {  	[sflag:s31] =	ssyncadd.s32 $0xFFFFC000  }
0xc4: {  	[tilespmem:s30], [sflag:$0x5] =	stream.linear.gather [spmem:s8], $0x4000, $0x38;
	[tilespmem:$0x1BB80] =	vst v63  }
0xc5: {  	_ =	swait.ge [sflag:s31], $0x4000  }
0xc6: {  	[sflag:s31] =	ssyncset.done $0x0  }
0xc7: {  	s24 =	rddreg [dreg:$0x8];
	[sflag:s31] =	ssyncadd.s32 $0xFFFFC000  }
0xc8: {  	[hbm4b:s24+s4] =	stream.linear.scatter [tilespmem:s30], [sflag:$0x5], $0x4000, $0x38;
	[tilespmem:$0x1BB80] =	vst v63  }
0xc9: {  	_ =	swait.ge [sflag:s31], $0x4000  }
0xca: {  	[sflag:s31] =	ssyncset.done $0x0  }
0xcb: {  	[sflag:s31] =	ssyncadd.s32 $0xFFFFC000  }
0xcc: {  	[tilespmem:s30], [sflag:$0x5] =	stream.linear.gather [spmem:s9], $0x4000, $0x38;
	[tilespmem:$0x1BB80] =	vst v63  }
0xcd: {  	_ =	swait.ge [sflag:s31], $0x4000  }
0xce: {  	[sflag:s31] =	ssyncset.done $0x0  }
0xcf: {  	s19 =	rddreg [dreg:$0x9];
	[sflag:s31] =	ssyncadd.s32 $0xFFFFC000  }
0xd0: {  	[hbm4b:s19+s4] =	stream.linear.scatter [tilespmem:s30], [sflag:$0x5], $0x4000, $0x38;
	[tilespmem:$0x1BB80] =	vst v63  }
0xd1: {  	_ =	swait.ge [sflag:s31], $0x4000  }
0xd2: {  	[sflag:s31] =	ssyncset.done $0x0  }
0xd3: {  	[sflag:s31] =	ssyncadd.s32 $0xFFFFC000  }
0xd4: {  	[tilespmem:s30], [sflag:$0x5] =	stream.linear.gather [spmem:s10], $0x4000, $0x38;
	[tilespmem:$0x1BB80] =	vst v63  }
0xd5: {  	_ =	swait.ge [sflag:s31], $0x4000  }
0xd6: {  	[sflag:s31] =	ssyncset.done $0x0  }
0xd7: {  	s22 =	rddreg [dreg:$0xa];
	[sflag:s31] =	ssyncadd.s32 $0xFFFFC000  }
0xd8: {  	[hbm4b:s22+s4] =	stream.linear.scatter [tilespmem:s30], [sflag:$0x5], $0x4000, $0x38;
	[tilespmem:$0x1BB80] =	vst v63  }
0xd9: {  	_ =	swait.ge [sflag:s31], $0x4000  }
0xda: {  	[sflag:s31] =	ssyncset.done $0x0  }
0xdb: {  	[sflag:s31] =	ssyncadd.s32 $0xFFFFC000  }
0xdc: {  	[tilespmem:s30], [sflag:$0x5] =	stream.linear.gather [spmem:s11], $0x3800, $0x38;
	[tilespmem:$0x1BB80] =	vst v63  }
0xdd: {  	_ =	swait.ge [sflag:s31], $0x3800  }
0xde: {  	[sflag:s31] =	ssyncset.done $0x0  }
0xdf: {  	s23 =	rddreg [dreg:$0xb];
	[sflag:s31] =	ssyncadd.s32 $0xFFFFC800  }
0xe0: {  	[hbm4b:s23+s4] =	stream.linear.scatter [tilespmem:s30], [sflag:$0x5], $0x3800, $0x38;
	[tilespmem:$0x1BB80] =	vst v63  }
0xe1: {  	_ =	swait.ge [sflag:s31], $0x3800  }
0xe2: {  	[sflag:s31] =	ssyncset.done $0x0  }
0xe3: {  	s18 =	simm.s32 @!p0 $0x200;
	s19 =	simm.s32 @!p0 $0x5;
	[sflag:s31] =	ssyncadd.s32 $0xFFFFC800  }
0xe4: {  	[tilespmem:s18], [sflag:$0x5] =	stream.linear.gather @!p0 [spmem:s29], $0x800, $0x38;
	[tilespmem:$0x1BB80] =	vst v63  }
0xe5: {  	_ =	swait.ge @!p0 [sflag:s19], $0x800  }
0xe6: {  	[sflag:s19] =	ssyncset.done @!p0 $0x0  }
0xe7: {  	s22 =	simm.s32 @!p0 $0x0;
	s23 =	rddreg [dreg:$0x11];
	[sflag:s19] =	ssyncadd.s32 @!p0 $0xFFFFF800  }
0xe8: {  	[hbm4b:s23+s22] =	stream.linear.scatter @!p0 [tilespmem:s18], [sflag:$0x5], $0x800, $0x38;
	[tilespmem:$0x1BB80] =	vst v63  }
0xe9: {  	_ =	swait.ge @!p0 [sflag:s19], $0x800  }
0xea: {  	s21 =	sadd.s32 $0x1, s21;
	s24 =	rddreg [dreg:$0x12]  }
0xeb: {  	p1 =	sne.s32 s21, s24  }
.Ltmp1:
0xec: {  	_ = 	snop;
	(pc) =	sbr.rel @p1 .LBB2_1-.Ltmp1, $3  }
0xed: {  	_ =	sdelay $0x1  }
0xee: {  	[sflag:s19] =	ssyncset.done @!p0 $0x0  }
0xef: {  	[sflag:s19] =	ssyncadd.s32 @!p0 $0xFFFFF800  }
0xf0: {  	_ =	sfence.sel $0x180000  }
0xf1: {  	[bflag:$0x0] =	sbarrier.arrive $0xFFFF  }
0xf2: {  	_ =	strace $0x90000047  }
0xf3: {  	[bflag:$0x2] =	sbarrier.arrive $0xFFFF  }
0xf4: {  	s0 =	rddreg [dreg:$0x4]  }
0xf5: {  	s0 =	sadd.s32 @!p0 $0x100000, s0  }
0xf6: {  	[sflag:s0] =	ssyncadd.tile.s32 @!p0 $0x1;
	_ =	shalt  }
.Lfunc_end2:
_tile_overlayer_lowered:
.L_overlay_start_2:
0xf7: {  	(tag) =	ssettag $0x2  }
0xf8: {  	s0 =	rddreg [dreg:$0x0];
	s2 =	stileid.u32  }
0xf9: {  	s1 =	rddreg [dreg:$0x1];
	p0 =	sne.s32 s2, $0x0  }
0xfa: {  	s3 =	rddreg [dreg:$0x2];
	[bflag:$0x3] =	sbarrier.arrive $0xFFFF;
	s2 =	simm.s32 @!p0 $0x1C05  }
0xfb: {  	[timem:s3], [sflag:s2] =	dma.local @!p0 [hbm:s0], s1  }
0xfc: {  	s0 =	simm.s32 @!p0 $0x5  }
0xfd: {  	_ =	swait.ge @!p0 [sflag:s0], s1  }
0xfe: {  	s1 =	ssub.s32 @!p0 $0x0, s1;
	[sflag:s0] =	ssyncset.done @!p0 $0x0  }
0xff: {  	[sflag:s0] =	ssyncadd.s32 @!p0 s1  }
0x100: {  	[bflag:$0x3] =	sbarrier.arrive $0xFFFF  }
0x101: {  	_ =	shalt  }

// kernel: kernel.8.cloned.1.call-start
scs
__scs_entry_jumppad:
0x0: {  	(pc) =	sbr.rel $0x88, $3  }
0x1: {  	(tag) =	ssettag $0x0;
	lr =	simm.s32 $0x1  }
0x2: {  	[smem:$0x3F9B] =	sst lr;
	_ =	strace $0xD0000000  }
0x3: {  	_ = 	snop  }
0x4: {  	_ = 	snop  }
0x5: {  	_ = 	snop  }
0x6: {  	_ = 	snop  }
0x7: {  	_ = 	snop  }
__scs_overlays_trampoline_lowered:
0x8: {  	[smem:$0x3FAA] =	sst s0  }
0x9: {  	[smem:$0x3FAB] =	sst s1  }
0xa: {  	[smem:$0x3FAC] =	sst s2  }
0xb: {  	[smem:$0x3FAD] =	sst s3  }
0xc: {  	[smem:$0x3FAE] =	sst s4  }
0xd: {  	[smem:$0x3FAF] =	sst s5  }
0xe: {  	[smem:$0x3FB0] =	sst s6  }
0xf: {  	[smem:$0x3FB1] =	sst s7  }
0x10: {  	[smem:$0x3FB2] =	sst s8  }
0x11: {  	[smem:$0x3FB3] =	sst s9;
	s0 =	simm.s32 @!p0 $0x0  }
0x12: {  	s1 =	sld [smem:$0x3F99];
	s0 =	simm.s32 @p0 $0x1  }
0x13: {  	[smem:$0x3FB4] =	sst s0;
	s0 =	simm.s32 @!p1 $0x0  }
0x14: {  	s2 =	sld [smem:$0x3F98];
	s0 =	simm.s32 @p1 $0x1  }
0x15: {  	[smem:$0x3FB5] =	sst s0;
	s0 =	simm.s32 @!p2 $0x0  }
0x16: {  	s3 =	sld [smem:$0x3FDB];
	s0 =	simm.s32 @p2 $0x1  }
0x17: {  	s4 =	simm.s32 $0x1BF5;
	[smem:$0x3FB7] =	sst s0  }
0x18: {  	s0 =	sld [smem:$0x3F9A];
	_ =	swait.ge [sflag:s4], $0x0  }
0x19: {  	s7 =	sld [smem:$0x3F9B]  }
0x1a: {  	s8 =	sadd.s32 $0xFFFFE003, lr  }
0x1b: {  	s9 =	sadd.s32 $0xFFFFFEF7, lr;
	s5 =	simm.s32 $0xFFFFFFFF;
	p2 =	slt.u32 s8, $0xFFFFF086  }
0x1c: {  	p1 =	slt.u32 s9, $0xF7A;
	s5 =	simm.s32 @!p2 $0x0  }
0x1d: {  	s5 =	simm.s32 @p1 $0x1;
	p0 =	seq.s32 s7, s2  }
0x1e: {  	s7 =	smul.u32 @!p0 $0xF7A, s2;
	p2 =	seq.s32 @!p0 s5, $0x0  }
0x1f: {  	s9 =	smul.u32 $0xF7A, s1;
	s8 =	simm.s32 @!p0 $0x1BF5;
	p2 =	por !p2, p0  }
0x20: {  	[sflag:s8] =	ssyncset.s32 @!p0 $0xFFFFF086;
	s6 =	sadd.s32 @!p0 s3, s7;
	s7 =	simm.s32 @!p0 $0x108  }
0x21: {  	s3 =	sadd.s32 s3, s9;
	s6 =	sadd.s32 @!p0 $0x88, s6;
	s7 =	simm.s32 @p2 $0x1082  }
0x22: {  	[simem:s7], [sflag:s8] =	dma.local @!p0 [hbm:s6], $0xF7A  }
0x23: {  	s9 =	sor.u32 $0xD0000000, s2;
	s6 =	simm.s32 $0x108;
	_ =	swait.ge @!p0 [sflag:s8], $0x0  }
0x24: {  	s3 =	sadd.s32 $0x88, s3;
	s6 =	simm.s32 @!p1 $0x1082;
	[sflag:s4] =	ssyncset.s32 $0xFFFFF086  }
0x25: {  	[simem:s6], [sflag:s4] =	dma.local [hbm:s3], $0xF7A  }
0x26: {  	[smem:$0x3F9B] =	sst s1;
	(tag) =	ssettag s2;
	_ =	strace s9  }
0x27: {  	s1 =	sld [smem:$0x3FAB]  }
0x28: {  	s2 =	sld [smem:$0x3FAC]  }
0x29: {  	s4 =	sld [smem:$0x3FAE]  }
0x2a: {  	p0 =	seq.s32 s5, $0x0;
	s5 =	sld [smem:$0x3FAF]  }
0x2b: {  	s6 =	sld [smem:$0x3FB0]  }
0x2c: {  	s7 =	sld [smem:$0x3FB1]  }
0x2d: {  	s3 =	simm.s32 $0x108;
	s8 =	sld [smem:$0x3FB2]  }
0x2e: {  	s3 =	simm.s32 @!p0 $0x1082;
	s9 =	sld [smem:$0x3FB3]  }
0x2f: {  	lr =	sadd.s32 s0, s3;
	s0 =	sld [smem:$0x3FAA]  }
0x30: {  	s3 =	sld [smem:$0x3FAD]  }
0x31: {  	[smem:$0x3FB6] =	sst s10  }
0x32: {  	s10 =	sld [smem:$0x3FB4];
	_ =	sdelay $0x3  }
0x33: {  	p0 =	seq.s32 s10, $0x1;
	s10 =	sld [smem:$0x3FB6];
	_ =	sdelay $0x3  }
0x34: {  	[smem:$0x3FB6] =	sst s10  }
0x35: {  	s10 =	sld [smem:$0x3FB5];
	_ =	sdelay $0x3  }
0x36: {  	p1 =	seq.s32 s10, $0x1;
	s10 =	sld [smem:$0x3FB6];
	_ =	sdelay $0x3  }
0x37: {  	[smem:$0x3FB6] =	sst s10  }
0x38: {  	s10 =	sld [smem:$0x3FB7]  }
0x39: {  	_ = 	snop;
	(pc) =	sbr.ind lr, $3  }
0x3a: {  	_ = 	snop  }
0x3b: {  	_ = 	snop  }
0x3c: {  	p2 =	seq.s32 s10, $0x1;
	s10 =	sld [smem:$0x3FB6]  }
0x3d: {  	_ =	shalt  }
0x3e: {  	_ =	shalt  }
0x3f: {  	_ =	shalt  }
0x40: {  	_ =	shalt  }
0x41: {  	_ =	shalt  }
0x42: {  	_ =	shalt  }
0x43: {  	_ =	shalt  }
0x44: {  	_ =	shalt  }
0x45: {  	_ =	shalt  }
0x46: {  	_ =	shalt  }
0x47: {  	_ =	shalt  }
0x48: {  	_ =	shalt  }
0x49: {  	_ =	shalt  }
0x4a: {  	_ =	shalt  }
0x4b: {  	_ =	shalt  }
0x4c: {  	_ =	shalt  }
0x4d: {  	_ =	shalt  }
0x4e: {  	_ =	shalt  }
0x4f: {  	_ =	shalt  }
0x50: {  	_ =	shalt  }
0x51: {  	_ =	shalt  }
0x52: {  	_ =	shalt  }
0x53: {  	_ =	shalt  }
0x54: {  	_ =	shalt  }
0x55: {  	_ =	shalt  }
0x56: {  	_ =	shalt  }
0x57: {  	_ =	shalt  }
0x58: {  	_ =	shalt  }
0x59: {  	_ =	shalt  }
0x5a: {  	_ =	shalt  }
0x5b: {  	_ =	shalt  }
0x5c: {  	_ =	shalt  }
0x5d: {  	_ =	shalt  }
0x5e: {  	_ =	shalt  }
0x5f: {  	_ =	shalt  }
0x60: {  	_ =	shalt  }
0x61: {  	_ =	shalt  }
0x62: {  	_ =	shalt  }
0x63: {  	_ =	shalt  }
0x64: {  	_ =	shalt  }
0x65: {  	_ =	shalt  }
0x66: {  	_ =	shalt  }
0x67: {  	_ =	shalt  }
0x68: {  	_ =	shalt  }
0x69: {  	_ =	shalt  }
0x6a: {  	_ =	shalt  }
0x6b: {  	_ =	shalt  }
0x6c: {  	_ =	shalt  }
0x6d: {  	_ =	shalt  }
0x6e: {  	_ =	shalt  }
0x6f: {  	_ =	shalt  }
0x70: {  	_ =	shalt  }
0x71: {  	_ =	shalt  }
0x72: {  	_ =	shalt  }
0x73: {  	_ =	shalt  }
0x74: {  	_ =	shalt  }
0x75: {  	_ =	shalt  }
0x76: {  	_ =	shalt  }
0x77: {  	_ =	shalt  }
0x78: {  	_ =	shalt  }
0x79: {  	_ =	shalt  }
0x7a: {  	_ =	shalt  }
0x7b: {  	_ =	shalt  }
0x7c: {  	_ =	shalt  }
0x7d: {  	_ =	shalt  }
0x7e: {  	_ =	shalt  }
0x7f: {  	_ =	shalt  }
0x80: {  	_ =	shalt  }
0x81: {  	_ =	shalt  }
0x82: {  	_ =	shalt  }
0x83: {  	_ =	shalt  }
0x84: {  	_ =	shalt  }
0x85: {  	_ =	shalt  }
0x86: {  	_ =	shalt  }
0x87: {  	_ =	shalt  }
.Lfunc_end0:
.L_simem_size_0:
called_computation.1_lowered:
.L_overlay_start_0:
0x88: {  	s2 =	sld [smem:$0x3FD9]  }
0x89: {  	s3 =	sld [smem:$0x3FFE];
	_ =	sdelay $0x1  }
0x8a: {  	s1 =	srdreg.scid  }
0x8b: {  	s0 =	sand.u32 $0x1, s1  }
0x8c: {  	s17 =	sshll.u32 s0, $0xA;
	s2 =	sadd.s32 s3, s2  }
0x8d: {  	s2 =	sadd.s32 s2, s17  }
0x8e: {  	[smem:$0x3FC2] =	sst s2  }
0x8f: {  	_ = 	snop  }
0x90: {  	s18 =	sld [smem:$0x3FD0];
	(tm) =	ssettm $0x1  }
0x91: {  	s19 =	sld [smem:$0x3FFB];
	_ =	sdelay $0x3  }
0x92: {  	_ =	strace s19  }
0x93: {  	s2 =	sld [smem:$0x3FFC];
	_ =	sdelay $0x3  }
0x94: {  	_ =	strace s2  }
0x95: {  	s2 =	sld [smem:$0x3FFD];
	_ =	sdelay $0x3  }
0x96: {  	_ =	strace s2  }
0x97: {  	_ =	strace $0x8FFFFFFF  }
0x98: {  	s20 =	sld [smem:$0x3FDB];
	_ =	sdelay $0x1  }
0x99: {  	s4 =	simm.s32 $_scs_section_size  }
0x9a: {  	s5 =	simm.s32 $_size__tile_overlayer_lowered;
	s6 =	simm.s32 $_tile_overlayer_lowered  }
0x9b: {  	s7 =	simm.s32 $0x1BFF;
	s21 =	sshll.u32 s6, $0x1;
	s4 =	sadd.s32 s4, s20  }
0x9c: {  	s22 =	simm.s32 $0x0;
	s5 =	sshll.u32 s5, $0x1;
	s6 =	sadd.s32 s21, s4  }
0x9d: {  	[timem:s22], [sflag:s7] =	dma.local [hbm:s6], s5  }
0x9e: {  	_ =	swait.ge [sflag:s7], s5  }
0x9f: {  	s5 =	ssub.s32 $0x0, s5;
	[sflag:s7] =	ssyncset.done $0x0  }
0xa0: {  	[sflag:s7] =	ssyncadd.s32 s5;
	_ =	sdelay $0x1  }
0xa1: {  	s23 =	simm.s32 $0x1B8B  }
0xa2: {  	_ =	swait.ge [sflag:s23], $0x1  }
0xa3: {  	[sflag:s23] =	ssyncset.done $0x0  }
0xa4: {  	[sflag:s23] =	ssyncadd.s32 $0xFFFFFFFF  }
0xa5: {  	s5 =	sld [smem:$0x0]  }
0xa6: {  	s6 =	sand.u32 $0xFFFFFFFE, s1  }
0xa7: {  	p0 =	sne.s32 s1, s6  }
0xa8: {  	s6 =	sshll.u32 @p0 s6, $0xE  }
0xa9: {  	s6 =	sadd.s32 @p0 $0x11B8D, s6;
	s7 =	sshll.u32 @p0 s5, $0x11  }
0xaa: {  	s6 =	sor.u32 @p0 s7, s6  }
0xab: {  	[sflag:s6] =	ssyncadd.remote.s32 @p0 $0x1;
	_ =	sdelay $0x1  }
0xac: {  	s6 =	simm.s32 @p0 $0x1B8D  }
0xad: {  	_ =	swait.eq @p0 [sflag:s6], $0x1  }
0xae: {  	[sflag:s6] =	ssyncadd.s32 @p0 $0xFFFFFFFF  }
0xaf: {  	s7 =	sshll.u32 @!p0 s1, $0xE  }
0xb0: {  	s7 =	sor.u32 @!p0 $0x4000, s7;
	s6 =	simm.s32 @!p0 $0x1B8D  }
0xb1: {  	s5 =	sshll.u32 @!p0 s5, $0x11;
	s7 =	sadd.s32 @!p0 $0x11B8D, s7;
	_ =	swait.eq @!p0 [sflag:s6], $0x1  }
0xb2: {  	s5 =	sor.u32 @!p0 s5, s7;
	[sflag:s6] =	ssyncadd.s32 @!p0 $0xFFFFFFFF  }
0xb3: {  	s25 =	simm.s32 $0x1B8E;
	s24 =	sld [smem:$0x3FFE];
	[sflag:s5] =	ssyncadd.remote.s32 @!p0 $0x1  }
0xb4: {  	s26 =	simm.s32 $execute0_lowered;
	[smem:$0x3FD2] =	sst s25  }
0xb5: {  	s6 =	sshll.u32 s26, $0x1;
	_ =	strace $0x80000049;
	[dreg:$0x1] =	wrdreg $0xFFFFFFFF  }
0xb6: {  	s28 =	simm.s32 $_size_execute0_lowered;
	s4 =	sadd.s32 s4, s6;
	[dreg:$0x0] =	wrdreg $0x0  }
0xb7: {  	s6 =	sshll.u32 s28, $0x1;
	[dreg:$0x2] =	wrdreg s4  }
0xb8: {  	[dreg:$0x3] =	wrdreg s6  }
0xb9: {  	[dreg:$0x4] =	wrdreg $0xC0  }
0xba: {  	_ =	task [dreg:s22], $0x5FFFF  }
0xbb: {  	[dreg:$0x1] =	wrdreg $0xFFFFFFFF  }
0xbc: {  	[dreg:$0x0] =	wrdreg $0x60  }
0xbd: {  	[dreg:$0x2] =	wrdreg s18  }
0xbe: {  	[dreg:$0x3] =	wrdreg s24  }
0xbf: {  	[dreg:$0x4] =	wrdreg $0x82000  }
0xc0: {  	[dreg:$0x5] =	wrdreg $0xA  }
0xc1: {  	_ =	task.clear_ibuf [dreg:s22], $0x6FFFF;
	_ =	strace $0x90000049  }
0xc2: {  	s29 =	simm.s32 $0xA;
	_ =	strace $0x8000004B  }
0xc3: {  	_ =	swait.ge [sflag:s29], $0x1  }
0xc4: {  	[sflag:s29] =	ssyncadd.s32 $0xFFFFFFFF  }
0xc5: {  	_ =	strace $0x9000004B  }
0xc6: {  	_ =	sfence  }
0xc7: {  	s30 =	sld [smem:$0x0];
	_ =	sdelay $0x2  }
0xc8: {  	s31 =	sshll.u32 s1, $0xD;
	s1 =	sshrl.u32 s1, $0x2  }
0xc9: {  	s4 =	sand.u32 $0x4000, s31;
	s1 =	sadd.s32 s1, s30  }
0xca: {  	s0 =	sor.u32 s4, s0;
	s1 =	sshll.u32 s1, $0x11  }
0xcb: {  	s0 =	sor.u32 s1, s0  }
0xcc: {  	s0 =	sadd.s32 $0x8F2B, s0  }
0xcd: {  	[sflag:s0] =	ssyncadd.remote.s32 $0x1  }
0xce: {  	_ =	sfence.sel $0xFFFF  }
0xcf: {  	[dreg:$0x0] =	wrdreg $0xFFFFFFFF;
	(pc) =	sbr.abs _section_cstart, $3  }
0xd0: {  	[dreg:$0x1] =	wrdreg $0xFFFFFFFF  }
0xd1: {  	_ =	task.clear_ibuf [dreg:s22], $0x2FFFF;
	_ =	strace $0x9FFFFFFF  }
0xd2: {  	(tm) =	ssettm $0x7FFFFFFF  }
0xd3: {  	_ =	shalt  }
tec
execute0_lowered:
.L_overlay_start_1:
0x0: {  	(tag) =	ssettag $0x1  }
0x1: {  	s1 =	rddreg [dreg:$0x0]  }
0x2: {  	s0 =	rddreg [dreg:$0x1]  }
0x3: {  	s2 =	rddreg [dreg:$0x2];
	s3 =	simm.s32 $0x0  }
0x4: {  	s24 =	srdreg.scid;
	s5 =	stileid.u32;
	s28 =	simm.s32 $0x7  }
0x5: {  	s29 =	simm.s32 $0x4200;
	s30 =	simm.s32 $0x80;
	s31 =	simm.s32 $0x100  }
0x6: {  	[smem:$0x7FF] =	sst s3;
	s4 =	sadd.s32 $0xAA00, s0;
	s8 =	smul.u32 $0x4E000, s5  }
0x7: {  	s23 =	sadd.s32 $0x59400, s0;
	s0 =	sadd.s32 $0x59C00, s0;
	s13 =	smul.u32 $0x13800, s5  }
0x8: {  	s7 =	sshll.u32 s5, $0x1;
	s12 =	sadd.s32 $0x138000, s2;
	s21 =	smul.u32 $0x4E20, s5  }
0x9: {  	_ =	strace $0x8000004A;
	[dreg:$0x4] =	wrdreg s4;
	s4 =	sand.u32 $0x1, s24  }
0xa: {  	p0 =	sne.s32 s5, $0x0;
	[dreg:$0x5] =	wrdreg s23;
	s6 =	ssub.s32 $0x2, s4  }
0xb: {  	s7 =	sor.u32 s4, s7;
	s25 =	sshrl.u32 s8, $0x2;
	s15 =	sadd.s32 $0x4000, s13  }
0xc: {  	s16 =	sadd.s32 $0x8000, s13;
	s17 =	sadd.s32 $0xC000, s13;
	s19 =	smul.u32 $0x138800, s4  }
0xd: {  	s18 =	sadd.s32 $0x10000, s13;
	s4 =	smul.u32 $0x2710, s4;
	s9 =	sshrl.u32 s6, $0x1  }
0xe: {  	s10 =	smul.u32 $0x2710, s7;
	s7 =	sadd.s32 s15, s2;
	s8 =	sadd.s32 s16, s2  }
0xf: {  	s14 =	ssub.s32 s6, s9;
	s6 =	sadd.s32 s25, s2;
	s9 =	sadd.s32 s17, s2  }
0x10: {  	s13 =	sadd.s32 s13, s19;
	s15 =	sadd.s32 s19, s15;
	s16 =	sadd.s32 s19, s16  }
0x11: {  	s17 =	sadd.s32 s19, s17;
	s23 =	sshrl.u32 s19, $0x3;
	s4 =	sadd.s32 s4, s21  }
0x12: {  	s11 =	sshrl.u32 s10, $0x3;
	s10 =	sadd.s32 s18, s2;
	s13 =	sshrl.u32 s13, $0x3  }
0x13: {  	s15 =	sshrl.u32 s15, $0x3;
	s16 =	sshrl.u32 s16, $0x3;
	s24 =	sadd.s32 $0x280, s4  }
0x14: {  	s25 =	sadd.s32 $0x200, s4;
	s11 =	sadd.s32 s1, s11;
	s13 =	sadd.s32 s0, s13  }
0x15: {  	s15 =	sadd.s32 s0, s15;
	s16 =	sadd.s32 s0, s16;
	[dreg:$0x9] =	wrdreg s13  }
0x16: {  	s5 =	sshrl.u32 s25, $0x3;
	s25 =	sadd.s32 $0x180, s4;
	[dreg:$0xa] =	wrdreg s15  }
0x17: {  	s4 =	simm.s32 $0x2;
	s20 =	sadd.s32 $0x10, s11;
	[dreg:$0xb] =	wrdreg s16  }
0x18: {  	s26 =	sadd.s32 $0x20, s11;
	s13 =	sshrl.u32 s17, $0x3;
	[dreg:$0x6] =	wrdreg s11  }
0x19: {  	s11 =	sadd.s32 $0x4E0, s11;
	s16 =	simm.s32 $0x180;
	[dreg:$0x7] =	wrdreg s20  }
0x1a: {  	s17 =	simm.s32 $0x0;
	[dreg:$0x8] =	wrdreg s26;
	s20 =	sadd.s32 s19, s18  }
0x1b: {  	s13 =	sadd.s32 s0, s13;
	[dreg:$0xe] =	wrdreg s11;
	s26 =	sshrl.u32 s24, $0x3  }
0x1c: {  	s24 =	sadd.s32 s5, s1;
	s5 =	simm.s32 $0x3;
	s15 =	sshrl.u32 s20, $0x3  }
0x1d: {  	[dreg:$0xc] =	wrdreg s13;
	s13 =	simm.s32 $0x4;
	s22 =	sadd.s32 s0, s15  }
0x1e: {  	s0 =	sadd.s32 s0, s23;
	s23 =	sadd.s32 s26, s1;
	s26 =	simm.s32 $0x200  }
0x1f: {  	s15 =	simm.s32 $0x6;
	[dreg:$0xd] =	wrdreg s22;
	s21 =	sadd.s32 $0x27000, s0  }
0x20: {  	s22 =	smax.u32 s14, $0x1;
	s0 =	simm.s32 $0x1;
	s14 =	simm.s32 $0x5  }
.LBB2_1:
0x21: {  	s11 =	rddreg [dreg:$0x4]  }
0x22: {  	[tilespmem:s26], [sflag:$0x7] =	stream.linear.gather [hbm4b:s11+s3], $0x4000, $0x38;
	[tilespmem:$0x1BA80] =	vst v63  }
0x23: {  	_ =	swait.ge [sflag:s28], $0x4000  }
0x24: {  	[sflag:s28] =	ssyncset.done $0x0  }
0x25: {  	s18 =	rddreg [dreg:$0x5];
	[sflag:s28] =	ssyncadd.s32 $0xFFFFC000  }
0x26: {  	[tilespmem:s29], [sflag:$0x7] =	stream.linear.gather [hbm4b:s18+s3], $0x4000, $0x38;
	[tilespmem:$0x1BA80] =	vst v63  }
0x27: {  	_ =	swait.ge [sflag:s28], $0x4000  }
0x28: {  	[sflag:s28] =	ssyncset.done $0x0  }
0x29: {  	[sflag:s28] =	ssyncadd.s32 $0xFFFFC000  }
0x2a: {  	[spmem:s6] =	stream.linear.scatter [tilespmem:s26], [sflag:$0x7], $0x4000, $0x38;
	[tilespmem:$0x1BA80] =	vst v63  }
0x2b: {  	_ =	swait.ge [sflag:s28], $0x4000  }
0x2c: {  	[sflag:s28] =	ssyncset.done $0x0  }
0x2d: {  	[sflag:s28] =	ssyncadd.s32 $0xFFFFC000  }
0x2e: {  	[spmem:s7] =	stream.linear.scatter [tilespmem:s26], [sflag:$0x7], $0x4000, $0x38;
	[tilespmem:$0x1BA80] =	vst v63  }
0x2f: {  	_ =	swait.ge [sflag:s28], $0x4000  }
0x30: {  	[sflag:s28] =	ssyncset.done $0x0  }
0x31: {  	[sflag:s28] =	ssyncadd.s32 $0xFFFFC000  }
0x32: {  	[spmem:s8] =	stream.linear.scatter [tilespmem:s26], [sflag:$0x7], $0x4000, $0x38;
	[tilespmem:$0x1BA80] =	vst v63  }
0x33: {  	_ =	swait.ge [sflag:s28], $0x4000  }
0x34: {  	[sflag:s28] =	ssyncset.done $0x0  }
0x35: {  	[sflag:s28] =	ssyncadd.s32 $0xFFFFC000  }
0x36: {  	[spmem:s9] =	stream.linear.scatter [tilespmem:s26], [sflag:$0x7], $0x4000, $0x38;
	[tilespmem:$0x1BA80] =	vst v63  }
0x37: {  	_ =	swait.ge [sflag:s28], $0x4000  }
0x38: {  	[sflag:s28] =	ssyncset.done $0x0  }
0x39: {  	[sflag:s28] =	ssyncadd.s32 $0xFFFFC000  }
0x3a: {  	[spmem:s10] =	stream.linear.scatter [tilespmem:s26], [sflag:$0x7], $0x3800, $0x38;
	[tilespmem:$0x1BA80] =	vst v63  }
0x3b: {  	_ =	swait.ge [sflag:s28], $0x3800  }
0x3c: {  	[sflag:s28] =	ssyncset.done $0x0  }
0x3d: {  	s18 =	simm.s32 @!p0 $0x200;
	[sflag:s28] =	ssyncadd.s32 $0xFFFFC800  }
0x3e: {  	[spmem:s12] =	stream.linear.scatter @!p0 [tilespmem:s18], [sflag:$0x7], $0x800, $0x38;
	[tilespmem:$0x1BA80] =	vst v63  }
0x3f: {  	s18 =	simm.s32 @!p0 $0x7  }
0x40: {  	_ =	swait.ge @!p0 [sflag:s18], $0x800  }
0x41: {  	[sflag:s18] =	ssyncset.done @!p0 $0x0  }
0x42: {  	[sflag:s18] =	ssyncadd.s32 @!p0 $0xFFFFF800  }
0x43: {  	[bflag:$0x0] =	sbarrier.arrive $0xFFFF  }
0x44: {  	s19 =	rddreg [dreg:$0x6]  }
0x45: {  	[tilespmem:s3], [sflag:$0x1] =	stream.linear.gather [hbm4b:s19+s3], $0x80, $0x38;
	[tilespmem:$0x1BA80] =	vst v63  }
0x46: {  	s20 =	rddreg [dreg:$0x7]  }
0x47: {  	[tilespmem:s30], [sflag:$0x2] =	stream.linear.gather [hbm4b:s20+s3], $0x80, $0x38;
	[tilespmem:$0x1BA80] =	vst v63  }
0x48: {  	s18 =	rddreg [dreg:$0x8]  }
0x49: {  	[tilespmem:s31], [sflag:$0x3] =	stream.linear.gather [hbm4b:s18+s3], $0x80, $0x38;
	[tilespmem:$0x1BA80] =	vst v63  }
0x4a: {  	_ =	swait.ge [sflag:s0], $0x80  }
0x4b: {  	[sflag:s0] =	ssyncset.done $0x0  }
0x4c: {  	[sflag:s0] =	ssyncadd.s32 $0xFFFFFF80  }
0x4d: {  	[spmem:s2] =	stream.indirect.scatter.add.f32 [tilespmem:s29], [sflag:$0x4], $0x80, s3, s30, $0xb8;
	[tilespmem:$0x1BA80] =	vst v63  }
0x4e: {  	_ =	swait.ge [sflag:s4], $0x80  }
0x4f: {  	[sflag:s4] =	ssyncset.done $0x0  }
0x50: {  	[sflag:s4] =	ssyncadd.s32 $0xFFFFFF80  }
0x51: {  	[spmem:s2] =	stream.indirect.scatter.add.f32 [tilespmem:s29], [sflag:$0x5], $0x80, s30, s30, $0xb8;
	[tilespmem:$0x1BA80] =	vst v63  }
0x52: {  	_ =	swait.ge [sflag:s5], $0x80  }
0x53: {  	[sflag:s5] =	ssyncset.done $0x0  }
0x54: {  	[sflag:s5] =	ssyncadd.s32 $0xFFFFFF80  }
0x55: {  	[spmem:s2] =	stream.indirect.scatter.add.f32 [tilespmem:s29], [sflag:$0x6], $0x80, s31, s30, $0xb8;
	[tilespmem:$0x1BA80] =	vst v63  }
0x56: {  	_ =	swait.ge [sflag:s13], $0x4000  }
0x57: {  	s19 =	sshrl.u32 s25, $0x3;
	[sflag:s13] =	ssyncset.done $0x0  }
0x58: {  	s18 =	sadd.s32 s1, s19;
	[sflag:s13] =	ssyncadd.s32 $0xFFFFC000  }
0x59: {  	[tilespmem:s3], [sflag:$0x1] =	stream.linear.gather [hbm4b:s18+s3], $0x80, $0x38;
	[tilespmem:$0x1BA80] =	vst v63  }
0x5a: {  	_ =	swait.ge [sflag:s0], $0x80  }
0x5b: {  	[sflag:s0] =	ssyncset.done $0x0  }
0x5c: {  	[sflag:s0] =	ssyncadd.s32 $0xFFFFFF80  }
0x5d: {  	[spmem:s2] =	stream.indirect.scatter.add.f32 [tilespmem:s29], [sflag:$0x4], $0x80, s3, s30, $0xb8;
	[tilespmem:$0x1BA80] =	vst v63  }
0x5e: {  	_ =	swait.ge [sflag:s14], $0x4000  }
0x5f: {  	[sflag:s14] =	ssyncset.done $0x0  }
0x60: {  	s20 =	sadd.s32 $0x0, s24;
	[sflag:s14] =	ssyncadd.s32 $0xFFFFC000  }
0x61: {  	[tilespmem:s30], [sflag:$0x2] =	stream.linear.gather [hbm4b:s20+s3], $0x80, $0x38;
	[tilespmem:$0x1BA80] =	vst v63  }
0x62: {  	_ =	swait.ge [sflag:s4], $0x80  }
0x63: {  	[sflag:s4] =	ssyncset.done $0x0  }
0x64: {  	[sflag:s4] =	ssyncadd.s32 $0xFFFFFF80  }
0x65: {  	[spmem:s2] =	stream.indirect.scatter.add.f32 [tilespmem:s29], [sflag:$0x5], $0x80, s30, s30, $0xb8;
	[tilespmem:$0x1BA80] =	vst v63  }
0x66: {  	_ =	swait.ge [sflag:s15], $0x4000  }
0x67: {  	s19 =	sadd.s32 $0x180, s25;
	[sflag:s15] =	ssyncset.done $0x0  }
0x68: {  	s18 =	simm.s32 $0x30;
	s20 =	sadd.s32 $0x0, s23;
	[sflag:s15] =	ssyncadd.s32 $0xFFFFC000  }
.LBB2_2:
0x69: {  	[tilespmem:s31], [sflag:$0x3] =	stream.linear.gather [hbm4b:s20+s3], $0x80, $0x38;
	[tilespmem:$0x1BA80] =	vst v63  }
0x6a: {  	s20 =	smov.u32 s18  }
0x6b: {  	p1 =	sne.s32 s18, $0x480;
	s18 =	sadd.s32 $0x30, s18;
	_ =	swait.ge [sflag:s5], $0x80  }
0x6c: {  	[sflag:s5] =	ssyncset.done $0x0  }
0x6d: {  	[sflag:s5] =	ssyncadd.s32 $0xFFFFFF80  }
0x6e: {  	[spmem:s2] =	stream.indirect.scatter.add.f32 [tilespmem:s29], [sflag:$0x6], $0x80, s31, s30, $0xb8;
	[tilespmem:$0x1BA80] =	vst v63  }
0x6f: {  	_ =	swait.ge [sflag:s13], $0x4000  }
0x70: {  	s11 =	sshrl.u32 s19, $0x3;
	[sflag:s13] =	ssyncset.done $0x0  }
0x71: {  	s11 =	sadd.s32 s1, s11;
	[sflag:s13] =	ssyncadd.s32 $0xFFFFC000  }
0x72: {  	[tilespmem:s3], [sflag:$0x1] =	stream.linear.gather [hbm4b:s11+s3], $0x80, $0x38;
	[tilespmem:$0x1BA80] =	vst v63  }
0x73: {  	_ =	swait.ge [sflag:s0], $0x80  }
0x74: {  	[sflag:s0] =	ssyncset.done $0x0  }
0x75: {  	[sflag:s0] =	ssyncadd.s32 $0xFFFFFF80  }
0x76: {  	[spmem:s2] =	stream.indirect.scatter.add.f32 [tilespmem:s29], [sflag:$0x4], $0x80, s3, s30, $0xb8;
	[tilespmem:$0x1BA80] =	vst v63  }
0x77: {  	_ =	swait.ge [sflag:s14], $0x4000  }
0x78: {  	[sflag:s14] =	ssyncset.done $0x0  }
0x79: {  	s11 =	sadd.s32 s20, s24;
	[sflag:s14] =	ssyncadd.s32 $0xFFFFC000  }
0x7a: {  	[tilespmem:s30], [sflag:$0x2] =	stream.linear.gather [hbm4b:s11+s3], $0x80, $0x38;
	[tilespmem:$0x1BA80] =	vst v63  }
0x7b: {  	_ =	swait.ge [sflag:s4], $0x80  }
0x7c: {  	[sflag:s4] =	ssyncset.done $0x0  }
.Ltmp0:
0x7d: {  	[sflag:s4] =	ssyncadd.s32 $0xFFFFFF80;
	(pc) =	sbr.rel @p1 .LBB2_2-.Ltmp0, $4  }
0x7e: {  	[spmem:s2] =	stream.indirect.scatter.add.f32 [tilespmem:s29], [sflag:$0x5], $0x80, s30, s30, $0xb8;
	[tilespmem:$0x1BA80] =	vst v63  }
0x7f: {  	_ =	swait.ge [sflag:s15], $0x4000  }
0x80: {  	[sflag:s15] =	ssyncset.done $0x0  }
0x81: {  	s19 =	sadd.s32 $0x180, s19;
	s20 =	sadd.s32 s20, s23;
	[sflag:s15] =	ssyncadd.s32 $0xFFFFC000  }
0x82: {  	[tilespmem:s31], [sflag:$0x3] =	stream.linear.gather [hbm4b:s20+s3], $0x80, $0x38;
	[tilespmem:$0x1BA80] =	vst v63  }
0x83: {  	_ =	swait.ge [sflag:s5], $0x80  }
0x84: {  	[sflag:s5] =	ssyncset.done $0x0  }
0x85: {  	[sflag:s5] =	ssyncadd.s32 $0xFFFFFF80  }
0x86: {  	[spmem:s2] =	stream.indirect.scatter.add.f32 [tilespmem:s29], [sflag:$0x6], $0x80, s31, s30, $0xb8;
	[tilespmem:$0x1BA80] =	vst v63  }
0x87: {  	_ =	swait.ge [sflag:s13], $0x4000  }
0x88: {  	[sflag:s13] =	ssyncset.done $0x0  }
0x89: {  	[sflag:s13] =	ssyncadd.s32 $0xFFFFC000  }
0x8a: {  	_ =	swait.ge [sflag:s14], $0x4000  }
0x8b: {  	[sflag:s14] =	ssyncset.done $0x0  }
0x8c: {  	[sflag:s14] =	ssyncadd.s32 $0xFFFFC000  }
0x8d: {  	_ =	swait.ge [sflag:s15], $0x4000  }
0x8e: {  	[sflag:s15] =	ssyncset.done $0x0  }
0x8f: {  	s11 =	rddreg [dreg:$0xe];
	[sflag:s15] =	ssyncadd.s32 $0xFFFFC000  }
0x90: {  	[tilespmem:s16], [sflag:$0x7] =	stream.linear.gather [hbm4b:s11+s3], $0x10, $0x38;
	[tilespmem:$0x1BA80] =	vst v63  }
0x91: {  	_ =	swait.ge [sflag:s28], $0x10  }
0x92: {  	[sflag:s28] =	ssyncset.done $0x0  }
0x93: {  	s18 =	simm.s32 $0x10;
	[sflag:s28] =	ssyncadd.s32 $0xFFFFFFF0  }
0x94: {  	[spmem:s2] =	stream.indirect.scatter.add.f32 [tilespmem:s29], [sflag:$0x7], $0x80, s16, s18, $0xb8;
	[tilespmem:$0x1BA80] =	vst v63  }
0x95: {  	_ =	swait.ge [sflag:s28], $0x800  }
0x96: {  	[sflag:s28] =	ssyncset.done $0x0  }
0x97: {  	[sflag:s28] =	ssyncadd.s32 $0xFFFFF800  }
0x98: {  	[bflag:$0x0] =	sbarrier.arrive $0xFFFF  }
0x99: {  	[tilespmem:s26], [sflag:$0x7] =	stream.linear.gather [spmem:s6], $0x4000, $0x38;
	[tilespmem:$0x1BA80] =	vst v63  }
0x9a: {  	_ =	swait.ge [sflag:s28], $0x4000  }
0x9b: {  	[sflag:s28] =	ssyncset.done $0x0  }
0x9c: {  	s19 =	rddreg [dreg:$0x9];
	[sflag:s28] =	ssyncadd.s32 $0xFFFFC000  }
0x9d: {  	[hbm4b:s19+s3] =	stream.linear.scatter [tilespmem:s26], [sflag:$0x7], $0x4000, $0x38;
	[tilespmem:$0x1BA80] =	vst v63  }
0x9e: {  	_ =	swait.ge [sflag:s28], $0x4000  }
0x9f: {  	[sflag:s28] =	ssyncset.done $0x0  }
0xa0: {  	[sflag:s28] =	ssyncadd.s32 $0xFFFFC000  }
0xa1: {  	[tilespmem:s26], [sflag:$0x7] =	stream.linear.gather [spmem:s7], $0x4000, $0x38;
	[tilespmem:$0x1BA80] =	vst v63  }
0xa2: {  	_ =	swait.ge [sflag:s28], $0x4000  }
0xa3: {  	[sflag:s28] =	ssyncset.done $0x0  }
0xa4: {  	s20 =	rddreg [dreg:$0xa];
	[sflag:s28] =	ssyncadd.s32 $0xFFFFC000  }
0xa5: {  	[hbm4b:s20+s3] =	stream.linear.scatter [tilespmem:s26], [sflag:$0x7], $0x4000, $0x38;
	[tilespmem:$0x1BA80] =	vst v63  }
0xa6: {  	_ =	swait.ge [sflag:s28], $0x4000  }
0xa7: {  	[sflag:s28] =	ssyncset.done $0x0  }
0xa8: {  	[sflag:s28] =	ssyncadd.s32 $0xFFFFC000  }
0xa9: {  	[tilespmem:s26], [sflag:$0x7] =	stream.linear.gather [spmem:s8], $0x4000, $0x38;
	[tilespmem:$0x1BA80] =	vst v63  }
0xaa: {  	_ =	swait.ge [sflag:s28], $0x4000  }
0xab: {  	[sflag:s28] =	ssyncset.done $0x0  }
0xac: {  	s18 =	rddreg [dreg:$0xb];
	[sflag:s28] =	ssyncadd.s32 $0xFFFFC000  }
0xad: {  	[hbm4b:s18+s3] =	stream.linear.scatter [tilespmem:s26], [sflag:$0x7], $0x4000, $0x38;
	[tilespmem:$0x1BA80] =	vst v63  }
0xae: {  	_ =	swait.ge [sflag:s28], $0x4000  }
0xaf: {  	[sflag:s28] =	ssyncset.done $0x0  }
0xb0: {  	[sflag:s28] =	ssyncadd.s32 $0xFFFFC000  }
0xb1: {  	[tilespmem:s26], [sflag:$0x7] =	stream.linear.gather [spmem:s9], $0x4000, $0x38;
	[tilespmem:$0x1BA80] =	vst v63  }
0xb2: {  	_ =	swait.ge [sflag:s28], $0x4000  }
0xb3: {  	[sflag:s28] =	ssyncset.done $0x0  }
0xb4: {  	s19 =	rddreg [dreg:$0xc];
	[sflag:s28] =	ssyncadd.s32 $0xFFFFC000  }
0xb5: {  	[hbm4b:s19+s3] =	stream.linear.scatter [tilespmem:s26], [sflag:$0x7], $0x4000, $0x38;
	[tilespmem:$0x1BA80] =	vst v63  }
0xb6: {  	_ =	swait.ge [sflag:s28], $0x4000  }
0xb7: {  	[sflag:s28] =	ssyncset.done $0x0  }
0xb8: {  	[sflag:s28] =	ssyncadd.s32 $0xFFFFC000  }
0xb9: {  	[tilespmem:s26], [sflag:$0x7] =	stream.linear.gather [spmem:s10], $0x3800, $0x38;
	[tilespmem:$0x1BA80] =	vst v63  }
0xba: {  	_ =	swait.ge [sflag:s28], $0x3800  }
0xbb: {  	[sflag:s28] =	ssyncset.done $0x0  }
0xbc: {  	s20 =	rddreg [dreg:$0xd];
	[sflag:s28] =	ssyncadd.s32 $0xFFFFC800  }
0xbd: {  	[hbm4b:s20+s3] =	stream.linear.scatter [tilespmem:s26], [sflag:$0x7], $0x3800, $0x38;
	[tilespmem:$0x1BA80] =	vst v63  }
0xbe: {  	_ =	swait.ge [sflag:s28], $0x3800  }
0xbf: {  	[sflag:s28] =	ssyncset.done $0x0  }
0xc0: {  	s11 =	simm.s32 @!p0 $0x200;
	s18 =	simm.s32 @!p0 $0x7;
	[sflag:s28] =	ssyncadd.s32 $0xFFFFC800  }
0xc1: {  	[tilespmem:s11], [sflag:$0x7] =	stream.linear.gather @!p0 [spmem:s12], $0x800, $0x38;
	[tilespmem:$0x1BA80] =	vst v63  }
0xc2: {  	s17 =	sadd.s32 $0x1, s17;
	_ =	swait.ge @!p0 [sflag:s18], $0x800  }
0xc3: {  	p1 =	sne.s32 s17, s22;
	[sflag:s18] =	ssyncset.done @!p0 $0x0  }
.Ltmp1:
0xc4: {  	s19 =	simm.s32 @!p0 $0x0;
	[sflag:s18] =	ssyncadd.s32 @!p0 $0xFFFFF800;
	(pc) =	sbr.rel @p1 .LBB2_1-.Ltmp1, $4  }
0xc5: {  	[hbm4b:s21+s19] =	stream.linear.scatter @!p0 [tilespmem:s11], [sflag:$0x7], $0x800, $0x38;
	[tilespmem:$0x1BA80] =	vst v63  }
0xc6: {  	_ =	swait.ge @!p0 [sflag:s18], $0x800  }
0xc7: {  	[sflag:s18] =	ssyncset.done @!p0 $0x0  }
0xc8: {  	[sflag:s18] =	ssyncadd.s32 @!p0 $0xFFFFF800  }
0xc9: {  	_ =	sfence.sel $0x180000  }
0xca: {  	[bflag:$0x0] =	sbarrier.arrive $0xFFFF  }
0xcb: {  	_ =	strace $0x9000004A  }
0xcc: {  	[bflag:$0x2] =	sbarrier.arrive $0xFFFF  }
0xcd: {  	s0 =	rddreg [dreg:$0x3]  }
0xce: {  	s0 =	sadd.s32 @!p0 $0x100000, s0  }
0xcf: {  	[sflag:s0] =	ssyncadd.tile.s32 @!p0 $0x1;
	_ =	shalt  }
.Lfunc_end2:
_tile_overlayer_lowered:
.L_overlay_start_2:
0xd0: {  	(tag) =	ssettag $0x2  }
0xd1: {  	s0 =	rddreg [dreg:$0x0];
	s2 =	stileid.u32  }
0xd2: {  	s1 =	rddreg [dreg:$0x1];
	p0 =	sne.s32 s2, $0x0  }
0xd3: {  	s3 =	rddreg [dreg:$0x2];
	[bflag:$0x3] =	sbarrier.arrive $0xFFFF;
	s2 =	simm.s32 @!p0 $0x1C07  }
0xd4: {  	[timem:s3], [sflag:s2] =	dma.local @!p0 [hbm:s0], s1  }
0xd5: {  	s0 =	simm.s32 @!p0 $0x7  }
0xd6: {  	_ =	swait.ge @!p0 [sflag:s0], s1  }
0xd7: {  	s1 =	ssub.s32 @!p0 $0x0, s1;
	[sflag:s0] =	ssyncset.done @!p0 $0x0  }
0xd8: {  	[sflag:s0] =	ssyncadd.s32 @!p0 s1  }
0xd9: {  	[bflag:$0x3] =	sbarrier.arrive $0xFFFF  }
0xda: {  	_ =	shalt  }

</sc_bundles>
